<compile_context>
chip_gen: v7x
topology: tpu7x:2x2x1
jax: 0.10.2.dev20260603
libtpu: 0.0.44.dev20260713+nightly
codegen_flags: <defaults>
</compile_context>

<pallas_src>
import jax
import jax.numpy as jnp
from jax import lax
from jax.experimental import pallas as pl
from jax.experimental.pallas import tpu as pltpu
from jax.experimental.pallas import tpu_sc as plsc

NE = 320000
D = 128
NSEG = 10000
NC = 2
NS = 16
L = 16

DH = D // NC
SEG_PAD = 10240
RPT = SEG_PAD // NS

IDX_COLS = 128
IDX_ROWS = NE // IDX_COLS
BASE_ROWS = IDX_ROWS // NS
EXTRA = IDX_ROWS - BASE_ROWS * NS
RPI = 2
STEPS = BASE_ROWS // RPI
SUPER = STEPS // 3
CHUNK = RPI * IDX_COLS


def _sc_body(msg_hbm, idx_hbm, out0_hbm, out1_hbm, acc, cstage,
             b0, b1, b2, i0, i1, i2, counts, cpart, recip, zbuf,
             si0, sm0, si1, sm1, si2, sm2, sa0, sa1, sa2):
    bufs = (b0, b1, b2)
    ibs = (i0, i1, i2)
    sis = (si0, si1, si2)
    sms = (sm0, sm1, sm2)
    sas = (sa0, sa1, sa2)

    c = lax.axis_index("c")
    s = lax.axis_index("s")
    col0 = c * DH
    seg0 = s * RPT
    row_base = s * BASE_ROWS

    zero16 = jnp.zeros((L,), jnp.float32)
    ones16 = jnp.full((L,), 1.0, jnp.float32)

    for i in range(L):
        for j in range(DH // L):
            zbuf[i, pl.ds(j * L, L)] = zero16
    def _zc(i, carry):
        counts[pl.ds(i * L, L)] = zero16
        return carry
    lax.fori_loop(0, SEG_PAD // L, _zc, None)
    def _za(q, carry):
        pltpu.sync_copy(zbuf, acc.at[pl.ds(seg0 + q * L, L)])
        return carry
    lax.fori_loop(0, RPT // L, _za, None)
    plsc.subcore_barrier()

    def _load(row, bi):
        pltpu.async_copy(idx_hbm.at[pl.ds(row, RPI)], ibs[bi], sis[bi])
        pltpu.async_copy(
            msg_hbm.at[pl.ds(row * IDX_COLS, CHUNK), pl.ds(col0, DH)],
            bufs[bi], sms[bi])

    def _wait_load(row, bi):
        pltpu.make_async_copy(idx_hbm.at[pl.ds(row, RPI)], ibs[bi],
                              sis[bi]).wait()
        pltpu.make_async_copy(
            msg_hbm.at[pl.ds(row * IDX_COLS, CHUNK), pl.ds(col0, DH)],
            bufs[bi], sms[bi]).wait()

    def _fire(bi):
        for j in range(RPI):
            pltpu.async_copy(bufs[bi].at[pl.ds(j * IDX_COLS, IDX_COLS)],
                             acc.at[ibs[bi].at[j]], sas[bi], add=True)

    def _drain(bi):
        for j in range(RPI):
            pltpu.make_async_copy(bufs[bi].at[pl.ds(j * IDX_COLS, IDX_COLS)],
                                  acc.at[ibs[bi].at[j]], sas[bi]).wait()

    def _count(bi):
        for j in range(RPI):
            for q in range(IDX_COLS // L):
                iv = ibs[bi][j, pl.ds(q * L, L)]
                plsc.addupdate_scatter(counts, [iv], ones16)

    _load(row_base, 0)
    _load(row_base + RPI, 1)

    _wait_load(row_base, 0)
    _fire(0)
    _count(0)
    _load(row_base + 2 * RPI, 2)

    _wait_load(row_base + RPI, 1)
    _fire(1)
    _count(1)
    _drain(0)
    _load(row_base + 3 * RPI, 0)

    _wait_load(row_base + 2 * RPI, 2)
    _fire(2)
    _count(2)
    _drain(1)
    _load(row_base + 4 * RPI, 1)

    def _super(p, carry):
        for i in range(3):
            step = 3 * p + i
            row = row_base + step * RPI
            _wait_load(row, i)
            _fire(i)
            _count(i)
            nbi = (i + 2) % 3
            if i == 0:
                _drain(nbi)
                _load(row + 2 * RPI, nbi)
            else:
                @pl.when(p < SUPER - 1)
                def _(nbi=nbi, row=row):
                    _drain(nbi)
                    _load(row + 2 * RPI, nbi)
        return carry
    lax.fori_loop(1, SUPER, _super, None)
    _drain(0)
    _drain(1)
    _drain(2)

    @pl.when(s < EXTRA)
    def _extra():
        row = NS * BASE_ROWS + s
        e0 = row * IDX_COLS
        pltpu.sync_copy(idx_hbm.at[pl.ds(row, 1)], i0.at[pl.ds(0, 1)])
        pltpu.sync_copy(msg_hbm.at[pl.ds(e0, IDX_COLS), pl.ds(col0, DH)],
                        b0.at[pl.ds(0, IDX_COLS)])
        pltpu.sync_copy(b0.at[pl.ds(0, IDX_COLS)], acc.at[i0.at[0]],
                        add=True)
        for q in range(IDX_COLS // L):
            iv = i0[0, pl.ds(q * L, L)]
            plsc.addupdate_scatter(counts, [iv], ones16)

    pltpu.sync_copy(counts, cstage.at[s])
    plsc.subcore_barrier()

    pltpu.sync_copy(cstage.at[:, pl.ds(seg0, RPT)], cpart)
    def _merge(r, carry):
        tot = zero16
        for t_ in range(NS):
            tot = tot + cpart[t_, pl.ds(r * L, L)]
        recip[pl.ds(r * L, L)] = ones16 / jnp.maximum(tot, ones16)
        return carry
    lax.fori_loop(0, RPT // L, _merge, None)

    for start, n in ((0, CHUNK), (CHUNK, CHUNK), (2 * CHUNK, RPT - 2 * CHUNK)):
        pltpu.sync_copy(acc.at[pl.ds(seg0 + start, n)], b0.at[pl.ds(0, n)])
        def _div(r, carry, start=start):
            rv = plsc.load_gather(recip,
                                  [jnp.full((L,), start + r, jnp.int32)])
            for j in range(DH // L):
                b0[r, pl.ds(j * L, L)] = b0[r, pl.ds(j * L, L)] * rv
            return carry
        lax.fori_loop(0, n, _div, None)

        @pl.when(c == 0)
        def _w0(start=start, n=n):
            pltpu.sync_copy(b0.at[pl.ds(0, n)],
                            out0_hbm.at[pl.ds(seg0 + start, n)])

        @pl.when(c == 1)
        def _w1(start=start, n=n):
            pltpu.sync_copy(b0.at[pl.ds(0, n)],
                            out1_hbm.at[pl.ds(seg0 + start, n)])


@jax.jit
def kernel(msg, index, t):
    del t
    idx2d = index.astype(jnp.int32).reshape(IDX_ROWS, IDX_COLS)
    mesh = plsc.VectorSubcoreMesh(core_axis_name="c", subcore_axis_name="s",
                                  num_cores=NC, num_subcores=NS)
    out = pl.kernel(
        _sc_body,
        out_type=(jax.ShapeDtypeStruct((SEG_PAD, DH), jnp.float32),
                  jax.ShapeDtypeStruct((SEG_PAD, DH), jnp.float32)),
        mesh=mesh,
        compiler_params=pltpu.CompilerParams(use_tc_tiling_on_sc=False,
                                             needs_layout_passes=False),
        scratch_types=[
            pltpu.VMEM_SHARED((SEG_PAD, DH), jnp.float32),
            pltpu.VMEM_SHARED((NS, SEG_PAD), jnp.float32),
            pltpu.VMEM((CHUNK, DH), jnp.float32),
            pltpu.VMEM((CHUNK, DH), jnp.float32),
            pltpu.VMEM((CHUNK, DH), jnp.float32),
            pltpu.VMEM((RPI, IDX_COLS), jnp.int32),
            pltpu.VMEM((RPI, IDX_COLS), jnp.int32),
            pltpu.VMEM((RPI, IDX_COLS), jnp.int32),
            pltpu.VMEM((SEG_PAD,), jnp.float32),
            pltpu.VMEM((NS, RPT), jnp.float32),
            pltpu.VMEM((RPT,), jnp.float32),
            pltpu.VMEM((L, DH), jnp.float32),
            pltpu.SemaphoreType.DMA,
            pltpu.SemaphoreType.DMA,
            pltpu.SemaphoreType.DMA,
            pltpu.SemaphoreType.DMA,
            pltpu.SemaphoreType.DMA,
            pltpu.SemaphoreType.DMA,
            pltpu.SemaphoreType.DMA,
            pltpu.SemaphoreType.DMA,
            pltpu.SemaphoreType.DMA,
        ],
    )(msg, idx2d)
    return jnp.concatenate([out[0][:NSEG], out[1][:NSEG]], axis=1)

# --- scband reference (transcript-rebuilt; emitter-appended) ---
"""Pipeline reference for scband-mean-aggregator-58119497450036 (READ-ONLY COPY).

The authoritative reference and input builder live on the scoring server;
editing this copy changes nothing except your own understanding.
"""

import jax, jax.numpy as jnp
import numpy as np

NUM_NODES = 10000
NUM_EDGES = 320000
D_FEAT = 128

def setup_inputs(seed: int = 0) -> dict:
    key = jax.random.key(seed)
    k1, k2, k3 = jax.random.split(key, 3)
    msg = jax.random.normal(k1, (NUM_EDGES, D_FEAT), dtype=jnp.float32)
    index = jax.random.randint(k2, (NUM_EDGES,), 0, NUM_NODES, dtype=jnp.int64)
    t = jax.random.uniform(k3, (NUM_EDGES,), dtype=jnp.float32)
    return {"msg": msg, "index": index, "t": t}

def reference(msg, index, t):
    # scatter_mean(msg, index, dim=0): segment sum divided by per-segment count
    num_segments = NUM_NODES
    seg_sum = jax.ops.segment_sum(msg, index, num_segments=num_segments)
    counts = jax.ops.segment_sum(jnp.ones((msg.shape[0],), dtype=msg.dtype), index, num_segments=num_segments)
    counts = jnp.clip(counts, 1.0, None)
    out = seg_sum / counts[:, None]
    return out

if __name__ == "__main__":
    import jax
    _d = setup_inputs()
    print(jax.jit(kernel)(*tuple(_d.values())))

</pallas_src>

<mosaic_0001>
#map = affine_map<(d0, d1) -> (0, 0)>
module attributes {stable_mosaic.version = 14 : i64} {
  func.func @_sc_body(%arg0: i32, %arg1: i32, %arg2: memref<320000x128xf32, #tpu.memory_space<hbm>>, %arg3: memref<2500x128xi32, #tpu.memory_space<hbm>>, %arg4: memref<10240x64xf32, #tpu.memory_space<hbm>>, %arg5: memref<10240x64xf32, #tpu.memory_space<hbm>>, %arg6: memref<10240x64xf32, #tpu.memory_space<vmem_shared>>, %arg7: memref<16x10240xf32, #tpu.memory_space<vmem_shared>>, %arg8: memref<256x64xf32, #tpu.memory_space<vmem>>, %arg9: memref<256x64xf32, #tpu.memory_space<vmem>>, %arg10: memref<256x64xf32, #tpu.memory_space<vmem>>, %arg11: memref<2x128xi32, #tpu.memory_space<vmem>>, %arg12: memref<2x128xi32, #tpu.memory_space<vmem>>, %arg13: memref<2x128xi32, #tpu.memory_space<vmem>>, %arg14: memref<10240xf32, #tpu.memory_space<vmem>>, %arg15: memref<16x640xf32, #tpu.memory_space<vmem>>, %arg16: memref<640xf32, #tpu.memory_space<vmem>>, %arg17: memref<16x64xf32, #tpu.memory_space<vmem>>, %arg18: memref<!tpu.dma_semaphore, #tpu.memory_space<semaphore_mem>>, %arg19: memref<!tpu.dma_semaphore, #tpu.memory_space<semaphore_mem>>, %arg20: memref<!tpu.dma_semaphore, #tpu.memory_space<semaphore_mem>>, %arg21: memref<!tpu.dma_semaphore, #tpu.memory_space<semaphore_mem>>, %arg22: memref<!tpu.dma_semaphore, #tpu.memory_space<semaphore_mem>>, %arg23: memref<!tpu.dma_semaphore, #tpu.memory_space<semaphore_mem>>, %arg24: memref<!tpu.dma_semaphore, #tpu.memory_space<semaphore_mem>>, %arg25: memref<!tpu.dma_semaphore, #tpu.memory_space<semaphore_mem>>, %arg26: memref<!tpu.dma_semaphore, #tpu.memory_space<semaphore_mem>>) attributes {dimension_semantics = [#tpu.dimension_semantics<core_parallel>, #tpu.dimension_semantics<subcore_parallel>], iteration_bounds = array<i64: 2, 16>, scalar_prefetch = 0 : i64, scratch_operands = 21 : i64, tpu.core_type = #tpu.core_type<sc_vector_subcore>, window_params = [{transform_indices = #map}, {transform_indices = #map}, {transform_indices = #map}, {transform_indices = #map}]} {
    %mul3A = arith.constant 64 : i32
    %mul3A_0 = arith.muli %arg0, %mul3A : i32
    %mul3A_1 = arith.constant 640 : i32
    %mul3A_2 = arith.muli %arg1, %mul3A_1 : i32
    %mul3A_3 = arith.constant 156 : i32
    %mul3A_4 = arith.muli %arg1, %mul3A_3 : i32
    %broadcast_in_dim3A = arith.constant 0.000000e+00 : f32
    %broadcast_in_dim3A_5 = vector.broadcast %broadcast_in_dim3A : f32 to vector<16xf32>
    %broadcast_in_dim3A_6 = arith.constant 1.000000e+00 : f32
    %broadcast_in_dim3A_7 = vector.broadcast %broadcast_in_dim3A_6 : f32 to vector<16xf32>
    %swap3A = arith.constant 0 : i32
    %swap3A_8 = arith.index_cast %swap3A : i32 to index
    %swap3A_9 = arith.constant 0 : index
    %swap3A_10 = tpu.vector_load %arg17[%swap3A_8, %swap3A_9] {strides = array<i32>} : memref<16x64xf32, #tpu.memory_space<vmem>>, vector<16xf32>,
    tpu.vector_store %arg17[%swap3A_8, %swap3A_9], %broadcast_in_dim3A_5 {strides = array<i32>} : memref<16x64xf32, #tpu.memory_space<vmem>>, vector<16xf32>,
    %swap3A_11 = arith.constant 0 : i32
    %swap3A_12 = arith.index_cast %swap3A_11 : i32 to index
    %swap3A_13 = arith.constant 16 : index
    %swap3A_14 = tpu.vector_load %arg17[%swap3A_12, %swap3A_13] {strides = array<i32>} : memref<16x64xf32, #tpu.memory_space<vmem>>, vector<16xf32>,
    tpu.vector_store %arg17[%swap3A_12, %swap3A_13], %broadcast_in_dim3A_5 {strides = array<i32>} : memref<16x64xf32, #tpu.memory_space<vmem>>, vector<16xf32>,
    %swap3A_15 = arith.constant 0 : i32
    %swap3A_16 = arith.index_cast %swap3A_15 : i32 to index
    %swap3A_17 = arith.constant 32 : index
    %swap3A_18 = tpu.vector_load %arg17[%swap3A_16, %swap3A_17] {strides = array<i32>} : memref<16x64xf32, #tpu.memory_space<vmem>>, vector<16xf32>,
    tpu.vector_store %arg17[%swap3A_16, %swap3A_17], %broadcast_in_dim3A_5 {strides = array<i32>} : memref<16x64xf32, #tpu.memory_space<vmem>>, vector<16xf32>,
    %swap3A_19 = arith.constant 0 : i32
    %swap3A_20 = arith.index_cast %swap3A_19 : i32 to index
    %swap3A_21 = arith.constant 48 : index
    %swap3A_22 = tpu.vector_load %arg17[%swap3A_20, %swap3A_21] {strides = array<i32>} : memref<16x64xf32, #tpu.memory_space<vmem>>, vector<16xf32>,
    tpu.vector_store %arg17[%swap3A_20, %swap3A_21], %broadcast_in_dim3A_5 {strides = array<i32>} : memref<16x64xf32, #tpu.memory_space<vmem>>, vector<16xf32>,
    %swap3A_23 = arith.constant 1 : i32
    %swap3A_24 = arith.index_cast %swap3A_23 : i32 to index
    %swap3A_25 = arith.constant 0 : index
    %swap3A_26 = tpu.vector_load %arg17[%swap3A_24, %swap3A_25] {strides = array<i32>} : memref<16x64xf32, #tpu.memory_space<vmem>>, vector<16xf32>,
    tpu.vector_store %arg17[%swap3A_24, %swap3A_25], %broadcast_in_dim3A_5 {strides = array<i32>} : memref<16x64xf32, #tpu.memory_space<vmem>>, vector<16xf32>,
    %swap3A_27 = arith.constant 1 : i32
    %swap3A_28 = arith.index_cast %swap3A_27 : i32 to index
    %swap3A_29 = arith.constant 16 : index
    %swap3A_30 = tpu.vector_load %arg17[%swap3A_28, %swap3A_29] {strides = array<i32>} : memref<16x64xf32, #tpu.memory_space<vmem>>, vector<16xf32>,
    tpu.vector_store %arg17[%swap3A_28, %swap3A_29], %broadcast_in_dim3A_5 {strides = array<i32>} : memref<16x64xf32, #tpu.memory_space<vmem>>, vector<16xf32>,
    %swap3A_31 = arith.constant 1 : i32
    %swap3A_32 = arith.index_cast %swap3A_31 : i32 to index
    %swap3A_33 = arith.constant 32 : index
    %swap3A_34 = tpu.vector_load %arg17[%swap3A_32, %swap3A_33] {strides = array<i32>} : memref<16x64xf32, #tpu.memory_space<vmem>>, vector<16xf32>,
    tpu.vector_store %arg17[%swap3A_32, %swap3A_33], %broadcast_in_dim3A_5 {strides = array<i32>} : memref<16x64xf32, #tpu.memory_space<vmem>>, vector<16xf32>,
    %swap3A_35 = arith.constant 1 : i32
    %swap3A_36 = arith.index_cast %swap3A_35 : i32 to index
    %swap3A_37 = arith.constant 48 : index
    %swap3A_38 = tpu.vector_load %arg17[%swap3A_36, %swap3A_37] {strides = array<i32>} : memref<16x64xf32, #tpu.memory_space<vmem>>, vector<16xf32>,
    tpu.vector_store %arg17[%swap3A_36, %swap3A_37], %broadcast_in_dim3A_5 {strides = array<i32>} : memref<16x64xf32, #tpu.memory_space<vmem>>, vector<16xf32>,
    %swap3A_39 = arith.constant 2 : i32
    %swap3A_40 = arith.index_cast %swap3A_39 : i32 to index
    %swap3A_41 = arith.constant 0 : index
    %swap3A_42 = tpu.vector_load %arg17[%swap3A_40, %swap3A_41] {strides = array<i32>} : memref<16x64xf32, #tpu.memory_space<vmem>>, vector<16xf32>,
    tpu.vector_store %arg17[%swap3A_40, %swap3A_41], %broadcast_in_dim3A_5 {strides = array<i32>} : memref<16x64xf32, #tpu.memory_space<vmem>>, vector<16xf32>,
    %swap3A_43 = arith.constant 2 : i32
    %swap3A_44 = arith.index_cast %swap3A_43 : i32 to index
    %swap3A_45 = arith.constant 16 : index
    %swap3A_46 = tpu.vector_load %arg17[%swap3A_44, %swap3A_45] {strides = array<i32>} : memref<16x64xf32, #tpu.memory_space<vmem>>, vector<16xf32>,
    tpu.vector_store %arg17[%swap3A_44, %swap3A_45], %broadcast_in_dim3A_5 {strides = array<i32>} : memref<16x64xf32, #tpu.memory_space<vmem>>, vector<16xf32>,
    %swap3A_47 = arith.constant 2 : i32
    %swap3A_48 = arith.index_cast %swap3A_47 : i32 to index
    %swap3A_49 = arith.constant 32 : index
    %swap3A_50 = tpu.vector_load %arg17[%swap3A_48, %swap3A_49] {strides = array<i32>} : memref<16x64xf32, #tpu.memory_space<vmem>>, vector<16xf32>,
    tpu.vector_store %arg17[%swap3A_48, %swap3A_49], %broadcast_in_dim3A_5 {strides = array<i32>} : memref<16x64xf32, #tpu.memory_space<vmem>>, vector<16xf32>,
    %swap3A_51 = arith.constant 2 : i32
    %swap3A_52 = arith.index_cast %swap3A_51 : i32 to index
    %swap3A_53 = arith.constant 48 : index
    %swap3A_54 = tpu.vector_load %arg17[%swap3A_52, %swap3A_53] {strides = array<i32>} : memref<16x64xf32, #tpu.memory_space<vmem>>, vector<16xf32>,
    tpu.vector_store %arg17[%swap3A_52, %swap3A_53], %broadcast_in_dim3A_5 {strides = array<i32>} : memref<16x64xf32, #tpu.memory_space<vmem>>, vector<16xf32>,
    %swap3A_55 = arith.constant 3 : i32
    %swap3A_56 = arith.index_cast %swap3A_55 : i32 to index
    %swap3A_57 = arith.constant 0 : index
    %swap3A_58 = tpu.vector_load %arg17[%swap3A_56, %swap3A_57] {strides = array<i32>} : memref<16x64xf32, #tpu.memory_space<vmem>>, vector<16xf32>,
    tpu.vector_store %arg17[%swap3A_56, %swap3A_57], %broadcast_in_dim3A_5 {strides = array<i32>} : memref<16x64xf32, #tpu.memory_space<vmem>>, vector<16xf32>,
    %swap3A_59 = arith.constant 3 : i32
    %swap3A_60 = arith.index_cast %swap3A_59 : i32 to index
    %swap3A_61 = arith.constant 16 : index
    %swap3A_62 = tpu.vector_load %arg17[%swap3A_60, %swap3A_61] {strides = array<i32>} : memref<16x64xf32, #tpu.memory_space<vmem>>, vector<16xf32>,
    tpu.vector_store %arg17[%swap3A_60, %swap3A_61], %broadcast_in_dim3A_5 {strides = array<i32>} : memref<16x64xf32, #tpu.memory_space<vmem>>, vector<16xf32>,
    %swap3A_63 = arith.constant 3 : i32
    %swap3A_64 = arith.index_cast %swap3A_63 : i32 to index
    %swap3A_65 = arith.constant 32 : index
    %swap3A_66 = tpu.vector_load %arg17[%swap3A_64, %swap3A_65] {strides = array<i32>} : memref<16x64xf32, #tpu.memory_space<vmem>>, vector<16xf32>,
    tpu.vector_store %arg17[%swap3A_64, %swap3A_65], %broadcast_in_dim3A_5 {strides = array<i32>} : memref<16x64xf32, #tpu.memory_space<vmem>>, vector<16xf32>,
    %swap3A_67 = arith.constant 3 : i32
    %swap3A_68 = arith.index_cast %swap3A_67 : i32 to index
    %swap3A_69 = arith.constant 48 : index
    %swap3A_70 = tpu.vector_load %arg17[%swap3A_68, %swap3A_69] {strides = array<i32>} : memref<16x64xf32, #tpu.memory_space<vmem>>, vector<16xf32>,
    tpu.vector_store %arg17[%swap3A_68, %swap3A_69], %broadcast_in_dim3A_5 {strides = array<i32>} : memref<16x64xf32, #tpu.memory_space<vmem>>, vector<16xf32>,
    %swap3A_71 = arith.constant 4 : i32
    %swap3A_72 = arith.index_cast %swap3A_71 : i32 to index
    %swap3A_73 = arith.constant 0 : index
    %swap3A_74 = tpu.vector_load %arg17[%swap3A_72, %swap3A_73] {strides = array<i32>} : memref<16x64xf32, #tpu.memory_space<vmem>>, vector<16xf32>,
    tpu.vector_store %arg17[%swap3A_72, %swap3A_73], %broadcast_in_dim3A_5 {strides = array<i32>} : memref<16x64xf32, #tpu.memory_space<vmem>>, vector<16xf32>,
    %swap3A_75 = arith.constant 4 : i32
    %swap3A_76 = arith.index_cast %swap3A_75 : i32 to index
    %swap3A_77 = arith.constant 16 : index
    %swap3A_78 = tpu.vector_load %arg17[%swap3A_76, %swap3A_77] {strides = array<i32>} : memref<16x64xf32, #tpu.memory_space<vmem>>, vector<16xf32>,
    tpu.vector_store %arg17[%swap3A_76, %swap3A_77], %broadcast_in_dim3A_5 {strides = array<i32>} : memref<16x64xf32, #tpu.memory_space<vmem>>, vector<16xf32>,
    %swap3A_79 = arith.constant 4 : i32
    %swap3A_80 = arith.index_cast %swap3A_79 : i32 to index
    %swap3A_81 = arith.constant 32 : index
    %swap3A_82 = tpu.vector_load %arg17[%swap3A_80, %swap3A_81] {strides = array<i32>} : memref<16x64xf32, #tpu.memory_space<vmem>>, vector<16xf32>,
    tpu.vector_store %arg17[%swap3A_80, %swap3A_81], %broadcast_in_dim3A_5 {strides = array<i32>} : memref<16x64xf32, #tpu.memory_space<vmem>>, vector<16xf32>,
    %swap3A_83 = arith.constant 4 : i32
    %swap3A_84 = arith.index_cast %swap3A_83 : i32 to index
    %swap3A_85 = arith.constant 48 : index
    %swap3A_86 = tpu.vector_load %arg17[%swap3A_84, %swap3A_85] {strides = array<i32>} : memref<16x64xf32, #tpu.memory_space<vmem>>, vector<16xf32>,
    tpu.vector_store %arg17[%swap3A_84, %swap3A_85], %broadcast_in_dim3A_5 {strides = array<i32>} : memref<16x64xf32, #tpu.memory_space<vmem>>, vector<16xf32>,
    %swap3A_87 = arith.constant 5 : i32
    %swap3A_88 = arith.index_cast %swap3A_87 : i32 to index
    %swap3A_89 = arith.constant 0 : index
    %swap3A_90 = tpu.vector_load %arg17[%swap3A_88, %swap3A_89] {strides = array<i32>} : memref<16x64xf32, #tpu.memory_space<vmem>>, vector<16xf32>,
    tpu.vector_store %arg17[%swap3A_88, %swap3A_89], %broadcast_in_dim3A_5 {strides = array<i32>} : memref<16x64xf32, #tpu.memory_space<vmem>>, vector<16xf32>,
    %swap3A_91 = arith.constant 5 : i32
    %swap3A_92 = arith.index_cast %swap3A_91 : i32 to index
    %swap3A_93 = arith.constant 16 : index
    %swap3A_94 = tpu.vector_load %arg17[%swap3A_92, %swap3A_93] {strides = array<i32>} : memref<16x64xf32, #tpu.memory_space<vmem>>, vector<16xf32>,
    tpu.vector_store %arg17[%swap3A_92, %swap3A_93], %broadcast_in_dim3A_5 {strides = array<i32>} : memref<16x64xf32, #tpu.memory_space<vmem>>, vector<16xf32>,
    %swap3A_95 = arith.constant 5 : i32
    %swap3A_96 = arith.index_cast %swap3A_95 : i32 to index
    %swap3A_97 = arith.constant 32 : index
    %swap3A_98 = tpu.vector_load %arg17[%swap3A_96, %swap3A_97] {strides = array<i32>} : memref<16x64xf32, #tpu.memory_space<vmem>>, vector<16xf32>,
    tpu.vector_store %arg17[%swap3A_96, %swap3A_97], %broadcast_in_dim3A_5 {strides = array<i32>} : memref<16x64xf32, #tpu.memory_space<vmem>>, vector<16xf32>,
    %swap3A_99 = arith.constant 5 : i32
    %swap3A_100 = arith.index_cast %swap3A_99 : i32 to index
    %swap3A_101 = arith.constant 48 : index
    %swap3A_102 = tpu.vector_load %arg17[%swap3A_100, %swap3A_101] {strides = array<i32>} : memref<16x64xf32, #tpu.memory_space<vmem>>, vector<16xf32>,
    tpu.vector_store %arg17[%swap3A_100, %swap3A_101], %broadcast_in_dim3A_5 {strides = array<i32>} : memref<16x64xf32, #tpu.memory_space<vmem>>, vector<16xf32>,
    %swap3A_103 = arith.constant 6 : i32
    %swap3A_104 = arith.index_cast %swap3A_103 : i32 to index
    %swap3A_105 = arith.constant 0 : index
    %swap3A_106 = tpu.vector_load %arg17[%swap3A_104, %swap3A_105] {strides = array<i32>} : memref<16x64xf32, #tpu.memory_space<vmem>>, vector<16xf32>,
    tpu.vector_store %arg17[%swap3A_104, %swap3A_105], %broadcast_in_dim3A_5 {strides = array<i32>} : memref<16x64xf32, #tpu.memory_space<vmem>>, vector<16xf32>,
    %swap3A_107 = arith.constant 6 : i32
    %swap3A_108 = arith.index_cast %swap3A_107 : i32 to index
    %swap3A_109 = arith.constant 16 : index
    %swap3A_110 = tpu.vector_load %arg17[%swap3A_108, %swap3A_109] {strides = array<i32>} : memref<16x64xf32, #tpu.memory_space<vmem>>, vector<16xf32>,
    tpu.vector_store %arg17[%swap3A_108, %swap3A_109], %broadcast_in_dim3A_5 {strides = array<i32>} : memref<16x64xf32, #tpu.memory_space<vmem>>, vector<16xf32>,
    %swap3A_111 = arith.constant 6 : i32
    %swap3A_112 = arith.index_cast %swap3A_111 : i32 to index
    %swap3A_113 = arith.constant 32 : index
    %swap3A_114 = tpu.vector_load %arg17[%swap3A_112, %swap3A_113] {strides = array<i32>} : memref<16x64xf32, #tpu.memory_space<vmem>>, vector<16xf32>,
    tpu.vector_store %arg17[%swap3A_112, %swap3A_113], %broadcast_in_dim3A_5 {strides = array<i32>} : memref<16x64xf32, #tpu.memory_space<vmem>>, vector<16xf32>,
    %swap3A_115 = arith.constant 6 : i32
    %swap3A_116 = arith.index_cast %swap3A_115 : i32 to index
    %swap3A_117 = arith.constant 48 : index
    %swap3A_118 = tpu.vector_load %arg17[%swap3A_116, %swap3A_117] {strides = array<i32>} : memref<16x64xf32, #tpu.memory_space<vmem>>, vector<16xf32>,
    tpu.vector_store %arg17[%swap3A_116, %swap3A_117], %broadcast_in_dim3A_5 {strides = array<i32>} : memref<16x64xf32, #tpu.memory_space<vmem>>, vector<16xf32>,
    %swap3A_119 = arith.constant 7 : i32
    %swap3A_120 = arith.index_cast %swap3A_119 : i32 to index
    %swap3A_121 = arith.constant 0 : index
    %swap3A_122 = tpu.vector_load %arg17[%swap3A_120, %swap3A_121] {strides = array<i32>} : memref<16x64xf32, #tpu.memory_space<vmem>>, vector<16xf32>,
    tpu.vector_store %arg17[%swap3A_120, %swap3A_121], %broadcast_in_dim3A_5 {strides = array<i32>} : memref<16x64xf32, #tpu.memory_space<vmem>>, vector<16xf32>,
    %swap3A_123 = arith.constant 7 : i32
    %swap3A_124 = arith.index_cast %swap3A_123 : i32 to index
    %swap3A_125 = arith.constant 16 : index
    %swap3A_126 = tpu.vector_load %arg17[%swap3A_124, %swap3A_125] {strides = array<i32>} : memref<16x64xf32, #tpu.memory_space<vmem>>, vector<16xf32>,
    tpu.vector_store %arg17[%swap3A_124, %swap3A_125], %broadcast_in_dim3A_5 {strides = array<i32>} : memref<16x64xf32, #tpu.memory_space<vmem>>, vector<16xf32>,
    %swap3A_127 = arith.constant 7 : i32
    %swap3A_128 = arith.index_cast %swap3A_127 : i32 to index
    %swap3A_129 = arith.constant 32 : index
    %swap3A_130 = tpu.vector_load %arg17[%swap3A_128, %swap3A_129] {strides = array<i32>} : memref<16x64xf32, #tpu.memory_space<vmem>>, vector<16xf32>,
    tpu.vector_store %arg17[%swap3A_128, %swap3A_129], %broadcast_in_dim3A_5 {strides = array<i32>} : memref<16x64xf32, #tpu.memory_space<vmem>>, vector<16xf32>,
    %swap3A_131 = arith.constant 7 : i32
    %swap3A_132 = arith.index_cast %swap3A_131 : i32 to index
    %swap3A_133 = arith.constant 48 : index
    %swap3A_134 = tpu.vector_load %arg17[%swap3A_132, %swap3A_133] {strides = array<i32>} : memref<16x64xf32, #tpu.memory_space<vmem>>, vector<16xf32>,
    tpu.vector_store %arg17[%swap3A_132, %swap3A_133], %broadcast_in_dim3A_5 {strides = array<i32>} : memref<16x64xf32, #tpu.memory_space<vmem>>, vector<16xf32>,
    %swap3A_135 = arith.constant 8 : i32
    %swap3A_136 = arith.index_cast %swap3A_135 : i32 to index
    %swap3A_137 = arith.constant 0 : index
    %swap3A_138 = tpu.vector_load %arg17[%swap3A_136, %swap3A_137] {strides = array<i32>} : memref<16x64xf32, #tpu.memory_space<vmem>>, vector<16xf32>,
    tpu.vector_store %arg17[%swap3A_136, %swap3A_137], %broadcast_in_dim3A_5 {strides = array<i32>} : memref<16x64xf32, #tpu.memory_space<vmem>>, vector<16xf32>,
    %swap3A_139 = arith.constant 8 : i32
    %swap3A_140 = arith.index_cast %swap3A_139 : i32 to index
    %swap3A_141 = arith.constant 16 : index
    %swap3A_142 = tpu.vector_load %arg17[%swap3A_140, %swap3A_141] {strides = array<i32>} : memref<16x64xf32, #tpu.memory_space<vmem>>, vector<16xf32>,
    tpu.vector_store %arg17[%swap3A_140, %swap3A_141], %broadcast_in_dim3A_5 {strides = array<i32>} : memref<16x64xf32, #tpu.memory_space<vmem>>, vector<16xf32>,
    %swap3A_143 = arith.constant 8 : i32
    %swap3A_144 = arith.index_cast %swap3A_143 : i32 to index
    %swap3A_145 = arith.constant 32 : index
    %swap3A_146 = tpu.vector_load %arg17[%swap3A_144, %swap3A_145] {strides = array<i32>} : memref<16x64xf32, #tpu.memory_space<vmem>>, vector<16xf32>,
    tpu.vector_store %arg17[%swap3A_144, %swap3A_145], %broadcast_in_dim3A_5 {strides = array<i32>} : memref<16x64xf32, #tpu.memory_space<vmem>>, vector<16xf32>,
    %swap3A_147 = arith.constant 8 : i32
    %swap3A_148 = arith.index_cast %swap3A_147 : i32 to index
    %swap3A_149 = arith.constant 48 : index
    %swap3A_150 = tpu.vector_load %arg17[%swap3A_148, %swap3A_149] {strides = array<i32>} : memref<16x64xf32, #tpu.memory_space<vmem>>, vector<16xf32>,
    tpu.vector_store %arg17[%swap3A_148, %swap3A_149], %broadcast_in_dim3A_5 {strides = array<i32>} : memref<16x64xf32, #tpu.memory_space<vmem>>, vector<16xf32>,
    %swap3A_151 = arith.constant 9 : i32
    %swap3A_152 = arith.index_cast %swap3A_151 : i32 to index
    %swap3A_153 = arith.constant 0 : index
    %swap3A_154 = tpu.vector_load %arg17[%swap3A_152, %swap3A_153] {strides = array<i32>} : memref<16x64xf32, #tpu.memory_space<vmem>>, vector<16xf32>,
    tpu.vector_store %arg17[%swap3A_152, %swap3A_153], %broadcast_in_dim3A_5 {strides = array<i32>} : memref<16x64xf32, #tpu.memory_space<vmem>>, vector<16xf32>,
    %swap3A_155 = arith.constant 9 : i32
    %swap3A_156 = arith.index_cast %swap3A_155 : i32 to index
    %swap3A_157 = arith.constant 16 : index
    %swap3A_158 = tpu.vector_load %arg17[%swap3A_156, %swap3A_157] {strides = array<i32>} : memref<16x64xf32, #tpu.memory_space<vmem>>, vector<16xf32>,
    tpu.vector_store %arg17[%swap3A_156, %swap3A_157], %broadcast_in_dim3A_5 {strides = array<i32>} : memref<16x64xf32, #tpu.memory_space<vmem>>, vector<16xf32>,
    %swap3A_159 = arith.constant 9 : i32
    %swap3A_160 = arith.index_cast %swap3A_159 : i32 to index
    %swap3A_161 = arith.constant 32 : index
    %swap3A_162 = tpu.vector_load %arg17[%swap3A_160, %swap3A_161] {strides = array<i32>} : memref<16x64xf32, #tpu.memory_space<vmem>>, vector<16xf32>,
    tpu.vector_store %arg17[%swap3A_160, %swap3A_161], %broadcast_in_dim3A_5 {strides = array<i32>} : memref<16x64xf32, #tpu.memory_space<vmem>>, vector<16xf32>,
    %swap3A_163 = arith.constant 9 : i32
    %swap3A_164 = arith.index_cast %swap3A_163 : i32 to index
    %swap3A_165 = arith.constant 48 : index
    %swap3A_166 = tpu.vector_load %arg17[%swap3A_164, %swap3A_165] {strides = array<i32>} : memref<16x64xf32, #tpu.memory_space<vmem>>, vector<16xf32>,
    tpu.vector_store %arg17[%swap3A_164, %swap3A_165], %broadcast_in_dim3A_5 {strides = array<i32>} : memref<16x64xf32, #tpu.memory_space<vmem>>, vector<16xf32>,
    %swap3A_167 = arith.constant 10 : i32
    %swap3A_168 = arith.index_cast %swap3A_167 : i32 to index
    %swap3A_169 = arith.constant 0 : index
    %swap3A_170 = tpu.vector_load %arg17[%swap3A_168, %swap3A_169] {strides = array<i32>} : memref<16x64xf32, #tpu.memory_space<vmem>>, vector<16xf32>,
    tpu.vector_store %arg17[%swap3A_168, %swap3A_169], %broadcast_in_dim3A_5 {strides = array<i32>} : memref<16x64xf32, #tpu.memory_space<vmem>>, vector<16xf32>,
    %swap3A_171 = arith.constant 10 : i32
    %swap3A_172 = arith.index_cast %swap3A_171 : i32 to index
    %swap3A_173 = arith.constant 16 : index
    %swap3A_174 = tpu.vector_load %arg17[%swap3A_172, %swap3A_173] {strides = array<i32>} : memref<16x64xf32, #tpu.memory_space<vmem>>, vector<16xf32>,
    tpu.vector_store %arg17[%swap3A_172, %swap3A_173], %broadcast_in_dim3A_5 {strides = array<i32>} : memref<16x64xf32, #tpu.memory_space<vmem>>, vector<16xf32>,
    %swap3A_175 = arith.constant 10 : i32
    %swap3A_176 = arith.index_cast %swap3A_175 : i32 to index
    %swap3A_177 = arith.constant 32 : index
    %swap3A_178 = tpu.vector_load %arg17[%swap3A_176, %swap3A_177] {strides = array<i32>} : memref<16x64xf32, #tpu.memory_space<vmem>>, vector<16xf32>,
    tpu.vector_store %arg17[%swap3A_176, %swap3A_177], %broadcast_in_dim3A_5 {strides = array<i32>} : memref<16x64xf32, #tpu.memory_space<vmem>>, vector<16xf32>,
    %swap3A_179 = arith.constant 10 : i32
    %swap3A_180 = arith.index_cast %swap3A_179 : i32 to index
    %swap3A_181 = arith.constant 48 : index
    %swap3A_182 = tpu.vector_load %arg17[%swap3A_180, %swap3A_181] {strides = array<i32>} : memref<16x64xf32, #tpu.memory_space<vmem>>, vector<16xf32>,
    tpu.vector_store %arg17[%swap3A_180, %swap3A_181], %broadcast_in_dim3A_5 {strides = array<i32>} : memref<16x64xf32, #tpu.memory_space<vmem>>, vector<16xf32>,
    %swap3A_183 = arith.constant 11 : i32
    %swap3A_184 = arith.index_cast %swap3A_183 : i32 to index
    %swap3A_185 = arith.constant 0 : index
    %swap3A_186 = tpu.vector_load %arg17[%swap3A_184, %swap3A_185] {strides = array<i32>} : memref<16x64xf32, #tpu.memory_space<vmem>>, vector<16xf32>,
    tpu.vector_store %arg17[%swap3A_184, %swap3A_185], %broadcast_in_dim3A_5 {strides = array<i32>} : memref<16x64xf32, #tpu.memory_space<vmem>>, vector<16xf32>,
    %swap3A_187 = arith.constant 11 : i32
    %swap3A_188 = arith.index_cast %swap3A_187 : i32 to index
    %swap3A_189 = arith.constant 16 : index
    %swap3A_190 = tpu.vector_load %arg17[%swap3A_188, %swap3A_189] {strides = array<i32>} : memref<16x64xf32, #tpu.memory_space<vmem>>, vector<16xf32>,
    tpu.vector_store %arg17[%swap3A_188, %swap3A_189], %broadcast_in_dim3A_5 {strides = array<i32>} : memref<16x64xf32, #tpu.memory_space<vmem>>, vector<16xf32>,
    %swap3A_191 = arith.constant 11 : i32
    %swap3A_192 = arith.index_cast %swap3A_191 : i32 to index
    %swap3A_193 = arith.constant 32 : index
    %swap3A_194 = tpu.vector_load %arg17[%swap3A_192, %swap3A_193] {strides = array<i32>} : memref<16x64xf32, #tpu.memory_space<vmem>>, vector<16xf32>,
    tpu.vector_store %arg17[%swap3A_192, %swap3A_193], %broadcast_in_dim3A_5 {strides = array<i32>} : memref<16x64xf32, #tpu.memory_space<vmem>>, vector<16xf32>,
    %swap3A_195 = arith.constant 11 : i32
    %swap3A_196 = arith.index_cast %swap3A_195 : i32 to index
    %swap3A_197 = arith.constant 48 : index
    %swap3A_198 = tpu.vector_load %arg17[%swap3A_196, %swap3A_197] {strides = array<i32>} : memref<16x64xf32, #tpu.memory_space<vmem>>, vector<16xf32>,
    tpu.vector_store %arg17[%swap3A_196, %swap3A_197], %broadcast_in_dim3A_5 {strides = array<i32>} : memref<16x64xf32, #tpu.memory_space<vmem>>, vector<16xf32>,
    %swap3A_199 = arith.constant 12 : i32
    %swap3A_200 = arith.index_cast %swap3A_199 : i32 to index
    %swap3A_201 = arith.constant 0 : index
    %swap3A_202 = tpu.vector_load %arg17[%swap3A_200, %swap3A_201] {strides = array<i32>} : memref<16x64xf32, #tpu.memory_space<vmem>>, vector<16xf32>,
    tpu.vector_store %arg17[%swap3A_200, %swap3A_201], %broadcast_in_dim3A_5 {strides = array<i32>} : memref<16x64xf32, #tpu.memory_space<vmem>>, vector<16xf32>,
    %swap3A_203 = arith.constant 12 : i32
    %swap3A_204 = arith.index_cast %swap3A_203 : i32 to index
    %swap3A_205 = arith.constant 16 : index
    %swap3A_206 = tpu.vector_load %arg17[%swap3A_204, %swap3A_205] {strides = array<i32>} : memref<16x64xf32, #tpu.memory_space<vmem>>, vector<16xf32>,
    tpu.vector_store %arg17[%swap3A_204, %swap3A_205], %broadcast_in_dim3A_5 {strides = array<i32>} : memref<16x64xf32, #tpu.memory_space<vmem>>, vector<16xf32>,
    %swap3A_207 = arith.constant 12 : i32
    %swap3A_208 = arith.index_cast %swap3A_207 : i32 to index
    %swap3A_209 = arith.constant 32 : index
    %swap3A_210 = tpu.vector_load %arg17[%swap3A_208, %swap3A_209] {strides = array<i32>} : memref<16x64xf32, #tpu.memory_space<vmem>>, vector<16xf32>,
    tpu.vector_store %arg17[%swap3A_208, %swap3A_209], %broadcast_in_dim3A_5 {strides = array<i32>} : memref<16x64xf32, #tpu.memory_space<vmem>>, vector<16xf32>,
    %swap3A_211 = arith.constant 12 : i32
    %swap3A_212 = arith.index_cast %swap3A_211 : i32 to index
    %swap3A_213 = arith.constant 48 : index
    %swap3A_214 = tpu.vector_load %arg17[%swap3A_212, %swap3A_213] {strides = array<i32>} : memref<16x64xf32, #tpu.memory_space<vmem>>, vector<16xf32>,
    tpu.vector_store %arg17[%swap3A_212, %swap3A_213], %broadcast_in_dim3A_5 {strides = array<i32>} : memref<16x64xf32, #tpu.memory_space<vmem>>, vector<16xf32>,
    %swap3A_215 = arith.constant 13 : i32
    %swap3A_216 = arith.index_cast %swap3A_215 : i32 to index
    %swap3A_217 = arith.constant 0 : index
    %swap3A_218 = tpu.vector_load %arg17[%swap3A_216, %swap3A_217] {strides = array<i32>} : memref<16x64xf32, #tpu.memory_space<vmem>>, vector<16xf32>,
    tpu.vector_store %arg17[%swap3A_216, %swap3A_217], %broadcast_in_dim3A_5 {strides = array<i32>} : memref<16x64xf32, #tpu.memory_space<vmem>>, vector<16xf32>,
    %swap3A_219 = arith.constant 13 : i32
    %swap3A_220 = arith.index_cast %swap3A_219 : i32 to index
    %swap3A_221 = arith.constant 16 : index
    %swap3A_222 = tpu.vector_load %arg17[%swap3A_220, %swap3A_221] {strides = array<i32>} : memref<16x64xf32, #tpu.memory_space<vmem>>, vector<16xf32>,
    tpu.vector_store %arg17[%swap3A_220, %swap3A_221], %broadcast_in_dim3A_5 {strides = array<i32>} : memref<16x64xf32, #tpu.memory_space<vmem>>, vector<16xf32>,
    %swap3A_223 = arith.constant 13 : i32
    %swap3A_224 = arith.index_cast %swap3A_223 : i32 to index
    %swap3A_225 = arith.constant 32 : index
    %swap3A_226 = tpu.vector_load %arg17[%swap3A_224, %swap3A_225] {strides = array<i32>} : memref<16x64xf32, #tpu.memory_space<vmem>>, vector<16xf32>,
    tpu.vector_store %arg17[%swap3A_224, %swap3A_225], %broadcast_in_dim3A_5 {strides = array<i32>} : memref<16x64xf32, #tpu.memory_space<vmem>>, vector<16xf32>,
    %swap3A_227 = arith.constant 13 : i32
    %swap3A_228 = arith.index_cast %swap3A_227 : i32 to index
    %swap3A_229 = arith.constant 48 : index
    %swap3A_230 = tpu.vector_load %arg17[%swap3A_228, %swap3A_229] {strides = array<i32>} : memref<16x64xf32, #tpu.memory_space<vmem>>, vector<16xf32>,
    tpu.vector_store %arg17[%swap3A_228, %swap3A_229], %broadcast_in_dim3A_5 {strides = array<i32>} : memref<16x64xf32, #tpu.memory_space<vmem>>, vector<16xf32>,
    %swap3A_231 = arith.constant 14 : i32
    %swap3A_232 = arith.index_cast %swap3A_231 : i32 to index
    %swap3A_233 = arith.constant 0 : index
    %swap3A_234 = tpu.vector_load %arg17[%swap3A_232, %swap3A_233] {strides = array<i32>} : memref<16x64xf32, #tpu.memory_space<vmem>>, vector<16xf32>,
    tpu.vector_store %arg17[%swap3A_232, %swap3A_233], %broadcast_in_dim3A_5 {strides = array<i32>} : memref<16x64xf32, #tpu.memory_space<vmem>>, vector<16xf32>,
    %swap3A_235 = arith.constant 14 : i32
    %swap3A_236 = arith.index_cast %swap3A_235 : i32 to index
    %swap3A_237 = arith.constant 16 : index
    %swap3A_238 = tpu.vector_load %arg17[%swap3A_236, %swap3A_237] {strides = array<i32>} : memref<16x64xf32, #tpu.memory_space<vmem>>, vector<16xf32>,
    tpu.vector_store %arg17[%swap3A_236, %swap3A_237], %broadcast_in_dim3A_5 {strides = array<i32>} : memref<16x64xf32, #tpu.memory_space<vmem>>, vector<16xf32>,
    %swap3A_239 = arith.constant 14 : i32
    %swap3A_240 = arith.index_cast %swap3A_239 : i32 to index
    %swap3A_241 = arith.constant 32 : index
    %swap3A_242 = tpu.vector_load %arg17[%swap3A_240, %swap3A_241] {strides = array<i32>} : memref<16x64xf32, #tpu.memory_space<vmem>>, vector<16xf32>,
    tpu.vector_store %arg17[%swap3A_240, %swap3A_241], %broadcast_in_dim3A_5 {strides = array<i32>} : memref<16x64xf32, #tpu.memory_space<vmem>>, vector<16xf32>,
    %swap3A_243 = arith.constant 14 : i32
    %swap3A_244 = arith.index_cast %swap3A_243 : i32 to index
    %swap3A_245 = arith.constant 48 : index
    %swap3A_246 = tpu.vector_load %arg17[%swap3A_244, %swap3A_245] {strides = array<i32>} : memref<16x64xf32, #tpu.memory_space<vmem>>, vector<16xf32>,
    tpu.vector_store %arg17[%swap3A_244, %swap3A_245], %broadcast_in_dim3A_5 {strides = array<i32>} : memref<16x64xf32, #tpu.memory_space<vmem>>, vector<16xf32>,
    %swap3A_247 = arith.constant 15 : i32
    %swap3A_248 = arith.index_cast %swap3A_247 : i32 to index
    %swap3A_249 = arith.constant 0 : index
    %swap3A_250 = tpu.vector_load %arg17[%swap3A_248, %swap3A_249] {strides = array<i32>} : memref<16x64xf32, #tpu.memory_space<vmem>>, vector<16xf32>,
    tpu.vector_store %arg17[%swap3A_248, %swap3A_249], %broadcast_in_dim3A_5 {strides = array<i32>} : memref<16x64xf32, #tpu.memory_space<vmem>>, vector<16xf32>,
    %swap3A_251 = arith.constant 15 : i32
    %swap3A_252 = arith.index_cast %swap3A_251 : i32 to index
    %swap3A_253 = arith.constant 16 : index
    %swap3A_254 = tpu.vector_load %arg17[%swap3A_252, %swap3A_253] {strides = array<i32>} : memref<16x64xf32, #tpu.memory_space<vmem>>, vector<16xf32>,
    tpu.vector_store %arg17[%swap3A_252, %swap3A_253], %broadcast_in_dim3A_5 {strides = array<i32>} : memref<16x64xf32, #tpu.memory_space<vmem>>, vector<16xf32>,
    %swap3A_255 = arith.constant 15 : i32
    %swap3A_256 = arith.index_cast %swap3A_255 : i32 to index
    %swap3A_257 = arith.constant 32 : index
    %swap3A_258 = tpu.vector_load %arg17[%swap3A_256, %swap3A_257] {strides = array<i32>} : memref<16x64xf32, #tpu.memory_space<vmem>>, vector<16xf32>,
    tpu.vector_store %arg17[%swap3A_256, %swap3A_257], %broadcast_in_dim3A_5 {strides = array<i32>} : memref<16x64xf32, #tpu.memory_space<vmem>>, vector<16xf32>,
    %swap3A_259 = arith.constant 15 : i32
    %swap3A_260 = arith.index_cast %swap3A_259 : i32 to index
    %swap3A_261 = arith.constant 48 : index
    %swap3A_262 = tpu.vector_load %arg17[%swap3A_260, %swap3A_261] {strides = array<i32>} : memref<16x64xf32, #tpu.memory_space<vmem>>, vector<16xf32>,
    tpu.vector_store %arg17[%swap3A_260, %swap3A_261], %broadcast_in_dim3A_5 {strides = array<i32>} : memref<16x64xf32, #tpu.memory_space<vmem>>, vector<16xf32>,
    %scan3A = arith.constant 0 : i32
    %scan3A_263 = arith.constant 640 : i32
    %scan3A_264 = arith.addi %scan3A, %scan3A_263 : i32
    %scan3A_265 = arith.constant 1 : i32
    scf.for %scan3A_759 = %scan3A to %scan3A_264 step %scan3A_265  : i32 {
      %mul3A_760 = arith.constant 16 : i32
      %mul3A_761 = arith.muli %scan3A_759, %mul3A_760 : i32
      %swap3A_762 = arith.index_cast %mul3A_761 : i32 to index
      %swap3A_763 = tpu.vector_load %arg14[%swap3A_762] {strides = array<i32>} : memref<10240xf32, #tpu.memory_space<vmem>>, vector<16xf32>,
      tpu.vector_store %arg14[%swap3A_762], %broadcast_in_dim3A_5 {strides = array<i32>} : memref<10240xf32, #tpu.memory_space<vmem>>, vector<16xf32>,
    }
    %scan3A_266 = arith.constant 640 : i32
    %scan3A_267 = arith.constant 0 : i32
    %scan3A_268 = arith.constant 40 : i32
    %scan3A_269 = arith.addi %scan3A_267, %scan3A_268 : i32
    %scan3A_270 = arith.constant 1 : i32
    scf.for %scan3A_759 = %scan3A_267 to %scan3A_269 step %scan3A_270  : i32 {
      %mul3A_760 = arith.constant 16 : i32
      %mul3A_761 = arith.muli %scan3A_759, %mul3A_760 : i32
      %add3A_762 = arith.addi %mul3A_2, %mul3A_761 : i32
      "tpu.region"() ({
        %run_scoped3A = tpu.sem_alloc : memref<!tpu.dma_semaphore, #tpu.memory_space<semaphore_mem>>
        %dma_start3A_763 = arith.constant 0 : i32
        %dma_start3A_764 = tpu.memref_slice %arg6[%add3A_762, %dma_start3A_763] : memref<10240x64xf32, #tpu.memory_space<vmem_shared>> -> memref<16x64xf32, #tpu.memory_space<vmem_shared>>
        %dma_start3A_765 = arith.constant 0 : i32
        %dma_start3A_766 = tpu.memref_slice %arg6[%add3A_762, %dma_start3A_765] : memref<10240x64xf32, #tpu.memory_space<vmem_shared>> -> memref<16x64xf32, #tpu.memory_space<vmem_shared>>
        tpu.enqueue_dma source(%arg17 : memref<16x64xf32, #tpu.memory_space<vmem>>) target(%dma_start3A_766 : memref<16x64xf32, #tpu.memory_space<vmem_shared>>) target_semaphore(%run_scoped3A : memref<!tpu.dma_semaphore, #tpu.memory_space<semaphore_mem>>)
        %dma_wait3A_767 = arith.constant 0 : i32
        %dma_wait3A_768 = tpu.memref_slice %arg6[%add3A_762, %dma_wait3A_767] : memref<10240x64xf32, #tpu.memory_space<vmem_shared>> -> memref<16x64xf32, #tpu.memory_space<vmem_shared>>
        %dma_wait3A_769 = arith.constant 0 : i32
        %dma_wait3A_770 = tpu.memref_slice %arg6[%add3A_762, %dma_wait3A_769] : memref<10240x64xf32, #tpu.memory_space<vmem_shared>> -> memref<16x64xf32, #tpu.memory_space<vmem_shared>>
        tpu.wait_dma2 semaphore(%run_scoped3A : memref<!tpu.dma_semaphore, #tpu.memory_space<semaphore_mem>>) src(%arg17 : memref<16x64xf32, #tpu.memory_space<vmem>>) dst(%dma_wait3A_770 : memref<16x64xf32, #tpu.memory_space<vmem_shared>>)
        tpu.yield
      }) : () -> ()
    }
    %scan3A_271 = arith.constant 40 : i32
    %barrier3A = arith.constant 0 : index
    tpu.barrier barrier_id(%barrier3A)
    %dma_start3A = arith.constant 0 : i32
    %dma_start3A_272 = tpu.memref_slice %arg3[%mul3A_4, %dma_start3A] : memref<2500x128xi32, #tpu.memory_space<hbm>> -> memref<2x128xi32, #tpu.memory_space<hbm>>
    %dma_start3A_273 = arith.constant 0 : i32
    %dma_start3A_274 = tpu.memref_slice %arg3[%mul3A_4, %dma_start3A_273] : memref<2500x128xi32, #tpu.memory_space<hbm>> -> memref<2x128xi32, #tpu.memory_space<hbm>>
    tpu.enqueue_dma source(%dma_start3A_274 : memref<2x128xi32, #tpu.memory_space<hbm>>) target(%arg11 : memref<2x128xi32, #tpu.memory_space<vmem>>) target_semaphore(%arg18 : memref<!tpu.dma_semaphore, #tpu.memory_space<semaphore_mem>>)
    %mul3A_275 = arith.constant 128 : i32
    %mul3A_276 = arith.muli %mul3A_4, %mul3A_275 : i32
    %dma_start3A_277 = tpu.memref_slice %arg2[%mul3A_276, %mul3A_0] : memref<320000x128xf32, #tpu.memory_space<hbm>> -> memref<256x64xf32, #tpu.memory_space<hbm>>
    %dma_start3A_278 = tpu.memref_slice %arg2[%mul3A_276, %mul3A_0] : memref<320000x128xf32, #tpu.memory_space<hbm>> -> memref<256x64xf32, #tpu.memory_space<hbm>>
    tpu.enqueue_dma source(%dma_start3A_278 : memref<256x64xf32, #tpu.memory_space<hbm>>) target(%arg8 : memref<256x64xf32, #tpu.memory_space<vmem>>) target_semaphore(%arg19 : memref<!tpu.dma_semaphore, #tpu.memory_space<semaphore_mem>>)
    %add3A = arith.constant 2 : i32
    %add3A_279 = arith.addi %mul3A_4, %add3A : i32
    %dma_start3A_280 = arith.constant 0 : i32
    %dma_start3A_281 = tpu.memref_slice %arg3[%add3A_279, %dma_start3A_280] : memref<2500x128xi32, #tpu.memory_space<hbm>> -> memref<2x128xi32, #tpu.memory_space<hbm>>
    %dma_start3A_282 = arith.constant 0 : i32
    %dma_start3A_283 = tpu.memref_slice %arg3[%add3A_279, %dma_start3A_282] : memref<2500x128xi32, #tpu.memory_space<hbm>> -> memref<2x128xi32, #tpu.memory_space<hbm>>
    tpu.enqueue_dma source(%dma_start3A_283 : memref<2x128xi32, #tpu.memory_space<hbm>>) target(%arg12 : memref<2x128xi32, #tpu.memory_space<vmem>>) target_semaphore(%arg20 : memref<!tpu.dma_semaphore, #tpu.memory_space<semaphore_mem>>)
    %mul3A_284 = arith.constant 128 : i32
    %mul3A_285 = arith.muli %add3A_279, %mul3A_284 : i32
    %dma_start3A_286 = tpu.memref_slice %arg2[%mul3A_285, %mul3A_0] : memref<320000x128xf32, #tpu.memory_space<hbm>> -> memref<256x64xf32, #tpu.memory_space<hbm>>
    %dma_start3A_287 = tpu.memref_slice %arg2[%mul3A_285, %mul3A_0] : memref<320000x128xf32, #tpu.memory_space<hbm>> -> memref<256x64xf32, #tpu.memory_space<hbm>>
    tpu.enqueue_dma source(%dma_start3A_287 : memref<256x64xf32, #tpu.memory_space<hbm>>) target(%arg9 : memref<256x64xf32, #tpu.memory_space<vmem>>) target_semaphore(%arg21 : memref<!tpu.dma_semaphore, #tpu.memory_space<semaphore_mem>>)
    %dma_wait3A = arith.constant 0 : i32
    %dma_wait3A_288 = tpu.memref_slice %arg3[%mul3A_4, %dma_wait3A] : memref<2500x128xi32, #tpu.memory_space<hbm>> -> memref<2x128xi32, #tpu.memory_space<hbm>>
    %dma_wait3A_289 = arith.constant 0 : i32
    %dma_wait3A_290 = tpu.memref_slice %arg3[%mul3A_4, %dma_wait3A_289] : memref<2500x128xi32, #tpu.memory_space<hbm>> -> memref<2x128xi32, #tpu.memory_space<hbm>>
    tpu.wait_dma2 semaphore(%arg18 : memref<!tpu.dma_semaphore, #tpu.memory_space<semaphore_mem>>) src(%dma_wait3A_290 : memref<2x128xi32, #tpu.memory_space<hbm>>) dst(%arg11 : memref<2x128xi32, #tpu.memory_space<vmem>>)
    %mul3A_291 = arith.constant 128 : i32
    %mul3A_292 = arith.muli %mul3A_4, %mul3A_291 : i32
    %dma_wait3A_293 = tpu.memref_slice %arg2[%mul3A_292, %mul3A_0] : memref<320000x128xf32, #tpu.memory_space<hbm>> -> memref<256x64xf32, #tpu.memory_space<hbm>>
    %dma_wait3A_294 = tpu.memref_slice %arg2[%mul3A_292, %mul3A_0] : memref<320000x128xf32, #tpu.memory_space<hbm>> -> memref<256x64xf32, #tpu.memory_space<hbm>>
    tpu.wait_dma2 semaphore(%arg19 : memref<!tpu.dma_semaphore, #tpu.memory_space<semaphore_mem>>) src(%dma_wait3A_294 : memref<256x64xf32, #tpu.memory_space<hbm>>) dst(%arg8 : memref<256x64xf32, #tpu.memory_space<vmem>>)
    %dma_start3A_295 = arith.constant 0 : i32
    %dma_start3A_296 = arith.constant 0 : i32
    %dma_start3A_297 = arith.constant 0 : i32
    %dma_start3A_298 = tpu.memref_slice %arg8[%dma_start3A_296, %dma_start3A_297] : memref<256x64xf32, #tpu.memory_space<vmem>> -> memref<128x64xf32, #tpu.memory_space<vmem>>
    %dma_start3A_299 = arith.constant 0 : i32
    %dma_start3A_300 = tpu.memref_slice %arg11[%dma_start3A_295, %dma_start3A_299] : memref<2x128xi32, #tpu.memory_space<vmem>> -> memref<1x128xi32, #tpu.memory_space<vmem>>
    %dma_start3A_301 = tpu.memref_squeeze %dma_start3A_300 : memref<1x128xi32, #tpu.memory_space<vmem>> -> memref<128xi32, #tpu.memory_space<vmem>>
    %dma_start3A_302 = arith.constant 0 : i32
    %dma_start3A_303 = arith.constant 0 : i32
    %dma_start3A_304 = tpu.memref_slice %arg6[%dma_start3A_302, %dma_start3A_303] : memref<10240x64xf32, #tpu.memory_space<vmem_shared>> -> memref<10240x64xf32, #tpu.memory_space<vmem_shared>>
    tpu.enqueue_indirect_dma source(%dma_start3A_298 : memref<128x64xf32, #tpu.memory_space<vmem>>) target(%dma_start3A_304 : memref<10240x64xf32, #tpu.memory_space<vmem_shared>>) offsets(%dma_start3A_301 : memref<128xi32, #tpu.memory_space<vmem>>) semaphore(%arg24 : memref<!tpu.dma_semaphore, #tpu.memory_space<semaphore_mem>>) {add = true}
    %dma_start3A_305 = arith.constant 1 : i32
    %dma_start3A_306 = arith.constant 128 : i32
    %dma_start3A_307 = arith.constant 0 : i32
    %dma_start3A_308 = tpu.memref_slice %arg8[%dma_start3A_306, %dma_start3A_307] : memref<256x64xf32, #tpu.memory_space<vmem>> -> memref<128x64xf32, #tpu.memory_space<vmem>>
    %dma_start3A_309 = arith.constant 0 : i32
    %dma_start3A_310 = tpu.memref_slice %arg11[%dma_start3A_305, %dma_start3A_309] : memref<2x128xi32, #tpu.memory_space<vmem>> -> memref<1x128xi32, #tpu.memory_space<vmem>>
    %dma_start3A_311 = tpu.memref_squeeze %dma_start3A_310 : memref<1x128xi32, #tpu.memory_space<vmem>> -> memref<128xi32, #tpu.memory_space<vmem>>
    %dma_start3A_312 = arith.constant 0 : i32
    %dma_start3A_313 = arith.constant 0 : i32
    %dma_start3A_314 = tpu.memref_slice %arg6[%dma_start3A_312, %dma_start3A_313] : memref<10240x64xf32, #tpu.memory_space<vmem_shared>> -> memref<10240x64xf32, #tpu.memory_space<vmem_shared>>
    tpu.enqueue_indirect_dma source(%dma_start3A_308 : memref<128x64xf32, #tpu.memory_space<vmem>>) target(%dma_start3A_314 : memref<10240x64xf32, #tpu.memory_space<vmem_shared>>) offsets(%dma_start3A_311 : memref<128xi32, #tpu.memory_space<vmem>>) semaphore(%arg24 : memref<!tpu.dma_semaphore, #tpu.memory_space<semaphore_mem>>) {add = true}
    %get3A = arith.constant 0 : i32
    %get3A_315 = arith.index_cast %get3A : i32 to index
    %get3A_316 = arith.constant 0 : index
    %get3A_317 = tpu.vector_load %arg11[%get3A_315, %get3A_316] {strides = array<i32>} : memref<2x128xi32, #tpu.memory_space<vmem>>, vector<16xi32>,
    tpu.vector_store_idx %arg14[%get3A_317], %broadcast_in_dim3A_7 {add = true} : memref<10240xf32, #tpu.memory_space<vmem>>[vector<16xi32>], vector<16xf32>,
    %get3A_318 = arith.constant 0 : i32
    %get3A_319 = arith.index_cast %get3A_318 : i32 to index
    %get3A_320 = arith.constant 16 : index
    %get3A_321 = tpu.vector_load %arg11[%get3A_319, %get3A_320] {strides = array<i32>} : memref<2x128xi32, #tpu.memory_space<vmem>>, vector<16xi32>,
    tpu.vector_store_idx %arg14[%get3A_321], %broadcast_in_dim3A_7 {add = true} : memref<10240xf32, #tpu.memory_space<vmem>>[vector<16xi32>], vector<16xf32>,
    %get3A_322 = arith.constant 0 : i32
    %get3A_323 = arith.index_cast %get3A_322 : i32 to index
    %get3A_324 = arith.constant 32 : index
    %get3A_325 = tpu.vector_load %arg11[%get3A_323, %get3A_324] {strides = array<i32>} : memref<2x128xi32, #tpu.memory_space<vmem>>, vector<16xi32>,
    tpu.vector_store_idx %arg14[%get3A_325], %broadcast_in_dim3A_7 {add = true} : memref<10240xf32, #tpu.memory_space<vmem>>[vector<16xi32>], vector<16xf32>,
    %get3A_326 = arith.constant 0 : i32
    %get3A_327 = arith.index_cast %get3A_326 : i32 to index
    %get3A_328 = arith.constant 48 : index
    %get3A_329 = tpu.vector_load %arg11[%get3A_327, %get3A_328] {strides = array<i32>} : memref<2x128xi32, #tpu.memory_space<vmem>>, vector<16xi32>,
    tpu.vector_store_idx %arg14[%get3A_329], %broadcast_in_dim3A_7 {add = true} : memref<10240xf32, #tpu.memory_space<vmem>>[vector<16xi32>], vector<16xf32>,
    %get3A_330 = arith.constant 0 : i32
    %get3A_331 = arith.index_cast %get3A_330 : i32 to index
    %get3A_332 = arith.constant 64 : index
    %get3A_333 = tpu.vector_load %arg11[%get3A_331, %get3A_332] {strides = array<i32>} : memref<2x128xi32, #tpu.memory_space<vmem>>, vector<16xi32>,
    tpu.vector_store_idx %arg14[%get3A_333], %broadcast_in_dim3A_7 {add = true} : memref<10240xf32, #tpu.memory_space<vmem>>[vector<16xi32>], vector<16xf32>,
    %get3A_334 = arith.constant 0 : i32
    %get3A_335 = arith.index_cast %get3A_334 : i32 to index
    %get3A_336 = arith.constant 80 : index
    %get3A_337 = tpu.vector_load %arg11[%get3A_335, %get3A_336] {strides = array<i32>} : memref<2x128xi32, #tpu.memory_space<vmem>>, vector<16xi32>,
    tpu.vector_store_idx %arg14[%get3A_337], %broadcast_in_dim3A_7 {add = true} : memref<10240xf32, #tpu.memory_space<vmem>>[vector<16xi32>], vector<16xf32>,
    %get3A_338 = arith.constant 0 : i32
    %get3A_339 = arith.index_cast %get3A_338 : i32 to index
    %get3A_340 = arith.constant 96 : index
    %get3A_341 = tpu.vector_load %arg11[%get3A_339, %get3A_340] {strides = array<i32>} : memref<2x128xi32, #tpu.memory_space<vmem>>, vector<16xi32>,
    tpu.vector_store_idx %arg14[%get3A_341], %broadcast_in_dim3A_7 {add = true} : memref<10240xf32, #tpu.memory_space<vmem>>[vector<16xi32>], vector<16xf32>,
    %get3A_342 = arith.constant 0 : i32
    %get3A_343 = arith.index_cast %get3A_342 : i32 to index
    %get3A_344 = arith.constant 112 : index
    %get3A_345 = tpu.vector_load %arg11[%get3A_343, %get3A_344] {strides = array<i32>} : memref<2x128xi32, #tpu.memory_space<vmem>>, vector<16xi32>,
    tpu.vector_store_idx %arg14[%get3A_345], %broadcast_in_dim3A_7 {add = true} : memref<10240xf32, #tpu.memory_space<vmem>>[vector<16xi32>], vector<16xf32>,
    %get3A_346 = arith.constant 1 : i32
    %get3A_347 = arith.index_cast %get3A_346 : i32 to index
    %get3A_348 = arith.constant 0 : index
    %get3A_349 = tpu.vector_load %arg11[%get3A_347, %get3A_348] {strides = array<i32>} : memref<2x128xi32, #tpu.memory_space<vmem>>, vector<16xi32>,
    tpu.vector_store_idx %arg14[%get3A_349], %broadcast_in_dim3A_7 {add = true} : memref<10240xf32, #tpu.memory_space<vmem>>[vector<16xi32>], vector<16xf32>,
    %get3A_350 = arith.constant 1 : i32
    %get3A_351 = arith.index_cast %get3A_350 : i32 to index
    %get3A_352 = arith.constant 16 : index
    %get3A_353 = tpu.vector_load %arg11[%get3A_351, %get3A_352] {strides = array<i32>} : memref<2x128xi32, #tpu.memory_space<vmem>>, vector<16xi32>,
    tpu.vector_store_idx %arg14[%get3A_353], %broadcast_in_dim3A_7 {add = true} : memref<10240xf32, #tpu.memory_space<vmem>>[vector<16xi32>], vector<16xf32>,
    %get3A_354 = arith.constant 1 : i32
    %get3A_355 = arith.index_cast %get3A_354 : i32 to index
    %get3A_356 = arith.constant 32 : index
    %get3A_357 = tpu.vector_load %arg11[%get3A_355, %get3A_356] {strides = array<i32>} : memref<2x128xi32, #tpu.memory_space<vmem>>, vector<16xi32>,
    tpu.vector_store_idx %arg14[%get3A_357], %broadcast_in_dim3A_7 {add = true} : memref<10240xf32, #tpu.memory_space<vmem>>[vector<16xi32>], vector<16xf32>,
    %get3A_358 = arith.constant 1 : i32
    %get3A_359 = arith.index_cast %get3A_358 : i32 to index
    %get3A_360 = arith.constant 48 : index
    %get3A_361 = tpu.vector_load %arg11[%get3A_359, %get3A_360] {strides = array<i32>} : memref<2x128xi32, #tpu.memory_space<vmem>>, vector<16xi32>,
    tpu.vector_store_idx %arg14[%get3A_361], %broadcast_in_dim3A_7 {add = true} : memref<10240xf32, #tpu.memory_space<vmem>>[vector<16xi32>], vector<16xf32>,
    %get3A_362 = arith.constant 1 : i32
    %get3A_363 = arith.index_cast %get3A_362 : i32 to index
    %get3A_364 = arith.constant 64 : index
    %get3A_365 = tpu.vector_load %arg11[%get3A_363, %get3A_364] {strides = array<i32>} : memref<2x128xi32, #tpu.memory_space<vmem>>, vector<16xi32>,
    tpu.vector_store_idx %arg14[%get3A_365], %broadcast_in_dim3A_7 {add = true} : memref<10240xf32, #tpu.memory_space<vmem>>[vector<16xi32>], vector<16xf32>,
    %get3A_366 = arith.constant 1 : i32
    %get3A_367 = arith.index_cast %get3A_366 : i32 to index
    %get3A_368 = arith.constant 80 : index
    %get3A_369 = tpu.vector_load %arg11[%get3A_367, %get3A_368] {strides = array<i32>} : memref<2x128xi32, #tpu.memory_space<vmem>>, vector<16xi32>,
    tpu.vector_store_idx %arg14[%get3A_369], %broadcast_in_dim3A_7 {add = true} : memref<10240xf32, #tpu.memory_space<vmem>>[vector<16xi32>], vector<16xf32>,
    %get3A_370 = arith.constant 1 : i32
    %get3A_371 = arith.index_cast %get3A_370 : i32 to index
    %get3A_372 = arith.constant 96 : index
    %get3A_373 = tpu.vector_load %arg11[%get3A_371, %get3A_372] {strides = array<i32>} : memref<2x128xi32, #tpu.memory_space<vmem>>, vector<16xi32>,
    tpu.vector_store_idx %arg14[%get3A_373], %broadcast_in_dim3A_7 {add = true} : memref<10240xf32, #tpu.memory_space<vmem>>[vector<16xi32>], vector<16xf32>,
    %get3A_374 = arith.constant 1 : i32
    %get3A_375 = arith.index_cast %get3A_374 : i32 to index
    %get3A_376 = arith.constant 112 : index
    %get3A_377 = tpu.vector_load %arg11[%get3A_375, %get3A_376] {strides = array<i32>} : memref<2x128xi32, #tpu.memory_space<vmem>>, vector<16xi32>,
    tpu.vector_store_idx %arg14[%get3A_377], %broadcast_in_dim3A_7 {add = true} : memref<10240xf32, #tpu.memory_space<vmem>>[vector<16xi32>], vector<16xf32>,
    %add3A_378 = arith.constant 4 : i32
    %add3A_379 = arith.addi %mul3A_4, %add3A_378 : i32
    %dma_start3A_380 = arith.constant 0 : i32
    %dma_start3A_381 = tpu.memref_slice %arg3[%add3A_379, %dma_start3A_380] : memref<2500x128xi32, #tpu.memory_space<hbm>> -> memref<2x128xi32, #tpu.memory_space<hbm>>
    %dma_start3A_382 = arith.constant 0 : i32
    %dma_start3A_383 = tpu.memref_slice %arg3[%add3A_379, %dma_start3A_382] : memref<2500x128xi32, #tpu.memory_space<hbm>> -> memref<2x128xi32, #tpu.memory_space<hbm>>
    tpu.enqueue_dma source(%dma_start3A_383 : memref<2x128xi32, #tpu.memory_space<hbm>>) target(%arg13 : memref<2x128xi32, #tpu.memory_space<vmem>>) target_semaphore(%arg22 : memref<!tpu.dma_semaphore, #tpu.memory_space<semaphore_mem>>)
    %mul3A_384 = arith.constant 128 : i32
    %mul3A_385 = arith.muli %add3A_379, %mul3A_384 : i32
    %dma_start3A_386 = tpu.memref_slice %arg2[%mul3A_385, %mul3A_0] : memref<320000x128xf32, #tpu.memory_space<hbm>> -> memref<256x64xf32, #tpu.memory_space<hbm>>
    %dma_start3A_387 = tpu.memref_slice %arg2[%mul3A_385, %mul3A_0] : memref<320000x128xf32, #tpu.memory_space<hbm>> -> memref<256x64xf32, #tpu.memory_space<hbm>>
    tpu.enqueue_dma source(%dma_start3A_387 : memref<256x64xf32, #tpu.memory_space<hbm>>) target(%arg10 : memref<256x64xf32, #tpu.memory_space<vmem>>) target_semaphore(%arg23 : memref<!tpu.dma_semaphore, #tpu.memory_space<semaphore_mem>>)
    %add3A_388 = arith.constant 2 : i32
    %add3A_389 = arith.addi %mul3A_4, %add3A_388 : i32
    %dma_wait3A_390 = arith.constant 0 : i32
    %dma_wait3A_391 = tpu.memref_slice %arg3[%add3A_389, %dma_wait3A_390] : memref<2500x128xi32, #tpu.memory_space<hbm>> -> memref<2x128xi32, #tpu.memory_space<hbm>>
    %dma_wait3A_392 = arith.constant 0 : i32
    %dma_wait3A_393 = tpu.memref_slice %arg3[%add3A_389, %dma_wait3A_392] : memref<2500x128xi32, #tpu.memory_space<hbm>> -> memref<2x128xi32, #tpu.memory_space<hbm>>
    tpu.wait_dma2 semaphore(%arg20 : memref<!tpu.dma_semaphore, #tpu.memory_space<semaphore_mem>>) src(%dma_wait3A_393 : memref<2x128xi32, #tpu.memory_space<hbm>>) dst(%arg12 : memref<2x128xi32, #tpu.memory_space<vmem>>)
    %mul3A_394 = arith.constant 128 : i32
    %mul3A_395 = arith.muli %add3A_389, %mul3A_394 : i32
    %dma_wait3A_396 = tpu.memref_slice %arg2[%mul3A_395, %mul3A_0] : memref<320000x128xf32, #tpu.memory_space<hbm>> -> memref<256x64xf32, #tpu.memory_space<hbm>>
    %dma_wait3A_397 = tpu.memref_slice %arg2[%mul3A_395, %mul3A_0] : memref<320000x128xf32, #tpu.memory_space<hbm>> -> memref<256x64xf32, #tpu.memory_space<hbm>>
    tpu.wait_dma2 semaphore(%arg21 : memref<!tpu.dma_semaphore, #tpu.memory_space<semaphore_mem>>) src(%dma_wait3A_397 : memref<256x64xf32, #tpu.memory_space<hbm>>) dst(%arg9 : memref<256x64xf32, #tpu.memory_space<vmem>>)
    %dma_start3A_398 = arith.constant 0 : i32
    %dma_start3A_399 = arith.constant 0 : i32
    %dma_start3A_400 = arith.constant 0 : i32
    %dma_start3A_401 = tpu.memref_slice %arg9[%dma_start3A_399, %dma_start3A_400] : memref<256x64xf32, #tpu.memory_space<vmem>> -> memref<128x64xf32, #tpu.memory_space<vmem>>
    %dma_start3A_402 = arith.constant 0 : i32
    %dma_start3A_403 = tpu.memref_slice %arg12[%dma_start3A_398, %dma_start3A_402] : memref<2x128xi32, #tpu.memory_space<vmem>> -> memref<1x128xi32, #tpu.memory_space<vmem>>
    %dma_start3A_404 = tpu.memref_squeeze %dma_start3A_403 : memref<1x128xi32, #tpu.memory_space<vmem>> -> memref<128xi32, #tpu.memory_space<vmem>>
    %dma_start3A_405 = arith.constant 0 : i32
    %dma_start3A_406 = arith.constant 0 : i32
    %dma_start3A_407 = tpu.memref_slice %arg6[%dma_start3A_405, %dma_start3A_406] : memref<10240x64xf32, #tpu.memory_space<vmem_shared>> -> memref<10240x64xf32, #tpu.memory_space<vmem_shared>>
    tpu.enqueue_indirect_dma source(%dma_start3A_401 : memref<128x64xf32, #tpu.memory_space<vmem>>) target(%dma_start3A_407 : memref<10240x64xf32, #tpu.memory_space<vmem_shared>>) offsets(%dma_start3A_404 : memref<128xi32, #tpu.memory_space<vmem>>) semaphore(%arg25 : memref<!tpu.dma_semaphore, #tpu.memory_space<semaphore_mem>>) {add = true}
    %dma_start3A_408 = arith.constant 1 : i32
    %dma_start3A_409 = arith.constant 128 : i32
    %dma_start3A_410 = arith.constant 0 : i32
    %dma_start3A_411 = tpu.memref_slice %arg9[%dma_start3A_409, %dma_start3A_410] : memref<256x64xf32, #tpu.memory_space<vmem>> -> memref<128x64xf32, #tpu.memory_space<vmem>>
    %dma_start3A_412 = arith.constant 0 : i32
    %dma_start3A_413 = tpu.memref_slice %arg12[%dma_start3A_408, %dma_start3A_412] : memref<2x128xi32, #tpu.memory_space<vmem>> -> memref<1x128xi32, #tpu.memory_space<vmem>>
    %dma_start3A_414 = tpu.memref_squeeze %dma_start3A_413 : memref<1x128xi32, #tpu.memory_space<vmem>> -> memref<128xi32, #tpu.memory_space<vmem>>
    %dma_start3A_415 = arith.constant 0 : i32
    %dma_start3A_416 = arith.constant 0 : i32
    %dma_start3A_417 = tpu.memref_slice %arg6[%dma_start3A_415, %dma_start3A_416] : memref<10240x64xf32, #tpu.memory_space<vmem_shared>> -> memref<10240x64xf32, #tpu.memory_space<vmem_shared>>
    tpu.enqueue_indirect_dma source(%dma_start3A_411 : memref<128x64xf32, #tpu.memory_space<vmem>>) target(%dma_start3A_417 : memref<10240x64xf32, #tpu.memory_space<vmem_shared>>) offsets(%dma_start3A_414 : memref<128xi32, #tpu.memory_space<vmem>>) semaphore(%arg25 : memref<!tpu.dma_semaphore, #tpu.memory_space<semaphore_mem>>) {add = true}
    %get3A_418 = arith.constant 0 : i32
    %get3A_419 = arith.index_cast %get3A_418 : i32 to index
    %get3A_420 = arith.constant 0 : index
    %get3A_421 = tpu.vector_load %arg12[%get3A_419, %get3A_420] {strides = array<i32>} : memref<2x128xi32, #tpu.memory_space<vmem>>, vector<16xi32>,
    tpu.vector_store_idx %arg14[%get3A_421], %broadcast_in_dim3A_7 {add = true} : memref<10240xf32, #tpu.memory_space<vmem>>[vector<16xi32>], vector<16xf32>,
    %get3A_422 = arith.constant 0 : i32
    %get3A_423 = arith.index_cast %get3A_422 : i32 to index
    %get3A_424 = arith.constant 16 : index
    %get3A_425 = tpu.vector_load %arg12[%get3A_423, %get3A_424] {strides = array<i32>} : memref<2x128xi32, #tpu.memory_space<vmem>>, vector<16xi32>,
    tpu.vector_store_idx %arg14[%get3A_425], %broadcast_in_dim3A_7 {add = true} : memref<10240xf32, #tpu.memory_space<vmem>>[vector<16xi32>], vector<16xf32>,
    %get3A_426 = arith.constant 0 : i32
    %get3A_427 = arith.index_cast %get3A_426 : i32 to index
    %get3A_428 = arith.constant 32 : index
    %get3A_429 = tpu.vector_load %arg12[%get3A_427, %get3A_428] {strides = array<i32>} : memref<2x128xi32, #tpu.memory_space<vmem>>, vector<16xi32>,
    tpu.vector_store_idx %arg14[%get3A_429], %broadcast_in_dim3A_7 {add = true} : memref<10240xf32, #tpu.memory_space<vmem>>[vector<16xi32>], vector<16xf32>,
    %get3A_430 = arith.constant 0 : i32
    %get3A_431 = arith.index_cast %get3A_430 : i32 to index
    %get3A_432 = arith.constant 48 : index
    %get3A_433 = tpu.vector_load %arg12[%get3A_431, %get3A_432] {strides = array<i32>} : memref<2x128xi32, #tpu.memory_space<vmem>>, vector<16xi32>,
    tpu.vector_store_idx %arg14[%get3A_433], %broadcast_in_dim3A_7 {add = true} : memref<10240xf32, #tpu.memory_space<vmem>>[vector<16xi32>], vector<16xf32>,
    %get3A_434 = arith.constant 0 : i32
    %get3A_435 = arith.index_cast %get3A_434 : i32 to index
    %get3A_436 = arith.constant 64 : index
    %get3A_437 = tpu.vector_load %arg12[%get3A_435, %get3A_436] {strides = array<i32>} : memref<2x128xi32, #tpu.memory_space<vmem>>, vector<16xi32>,
    tpu.vector_store_idx %arg14[%get3A_437], %broadcast_in_dim3A_7 {add = true} : memref<10240xf32, #tpu.memory_space<vmem>>[vector<16xi32>], vector<16xf32>,
    %get3A_438 = arith.constant 0 : i32
    %get3A_439 = arith.index_cast %get3A_438 : i32 to index
    %get3A_440 = arith.constant 80 : index
    %get3A_441 = tpu.vector_load %arg12[%get3A_439, %get3A_440] {strides = array<i32>} : memref<2x128xi32, #tpu.memory_space<vmem>>, vector<16xi32>,
    tpu.vector_store_idx %arg14[%get3A_441], %broadcast_in_dim3A_7 {add = true} : memref<10240xf32, #tpu.memory_space<vmem>>[vector<16xi32>], vector<16xf32>,
    %get3A_442 = arith.constant 0 : i32
    %get3A_443 = arith.index_cast %get3A_442 : i32 to index
    %get3A_444 = arith.constant 96 : index
    %get3A_445 = tpu.vector_load %arg12[%get3A_443, %get3A_444] {strides = array<i32>} : memref<2x128xi32, #tpu.memory_space<vmem>>, vector<16xi32>,
    tpu.vector_store_idx %arg14[%get3A_445], %broadcast_in_dim3A_7 {add = true} : memref<10240xf32, #tpu.memory_space<vmem>>[vector<16xi32>], vector<16xf32>,
    %get3A_446 = arith.constant 0 : i32
    %get3A_447 = arith.index_cast %get3A_446 : i32 to index
    %get3A_448 = arith.constant 112 : index
    %get3A_449 = tpu.vector_load %arg12[%get3A_447, %get3A_448] {strides = array<i32>} : memref<2x128xi32, #tpu.memory_space<vmem>>, vector<16xi32>,
    tpu.vector_store_idx %arg14[%get3A_449], %broadcast_in_dim3A_7 {add = true} : memref<10240xf32, #tpu.memory_space<vmem>>[vector<16xi32>], vector<16xf32>,
    %get3A_450 = arith.constant 1 : i32
    %get3A_451 = arith.index_cast %get3A_450 : i32 to index
    %get3A_452 = arith.constant 0 : index
    %get3A_453 = tpu.vector_load %arg12[%get3A_451, %get3A_452] {strides = array<i32>} : memref<2x128xi32, #tpu.memory_space<vmem>>, vector<16xi32>,
    tpu.vector_store_idx %arg14[%get3A_453], %broadcast_in_dim3A_7 {add = true} : memref<10240xf32, #tpu.memory_space<vmem>>[vector<16xi32>], vector<16xf32>,
    %get3A_454 = arith.constant 1 : i32
    %get3A_455 = arith.index_cast %get3A_454 : i32 to index
    %get3A_456 = arith.constant 16 : index
    %get3A_457 = tpu.vector_load %arg12[%get3A_455, %get3A_456] {strides = array<i32>} : memref<2x128xi32, #tpu.memory_space<vmem>>, vector<16xi32>,
    tpu.vector_store_idx %arg14[%get3A_457], %broadcast_in_dim3A_7 {add = true} : memref<10240xf32, #tpu.memory_space<vmem>>[vector<16xi32>], vector<16xf32>,
    %get3A_458 = arith.constant 1 : i32
    %get3A_459 = arith.index_cast %get3A_458 : i32 to index
    %get3A_460 = arith.constant 32 : index
    %get3A_461 = tpu.vector_load %arg12[%get3A_459, %get3A_460] {strides = array<i32>} : memref<2x128xi32, #tpu.memory_space<vmem>>, vector<16xi32>,
    tpu.vector_store_idx %arg14[%get3A_461], %broadcast_in_dim3A_7 {add = true} : memref<10240xf32, #tpu.memory_space<vmem>>[vector<16xi32>], vector<16xf32>,
    %get3A_462 = arith.constant 1 : i32
    %get3A_463 = arith.index_cast %get3A_462 : i32 to index
    %get3A_464 = arith.constant 48 : index
    %get3A_465 = tpu.vector_load %arg12[%get3A_463, %get3A_464] {strides = array<i32>} : memref<2x128xi32, #tpu.memory_space<vmem>>, vector<16xi32>,
    tpu.vector_store_idx %arg14[%get3A_465], %broadcast_in_dim3A_7 {add = true} : memref<10240xf32, #tpu.memory_space<vmem>>[vector<16xi32>], vector<16xf32>,
    %get3A_466 = arith.constant 1 : i32
    %get3A_467 = arith.index_cast %get3A_466 : i32 to index
    %get3A_468 = arith.constant 64 : index
    %get3A_469 = tpu.vector_load %arg12[%get3A_467, %get3A_468] {strides = array<i32>} : memref<2x128xi32, #tpu.memory_space<vmem>>, vector<16xi32>,
    tpu.vector_store_idx %arg14[%get3A_469], %broadcast_in_dim3A_7 {add = true} : memref<10240xf32, #tpu.memory_space<vmem>>[vector<16xi32>], vector<16xf32>,
    %get3A_470 = arith.constant 1 : i32
    %get3A_471 = arith.index_cast %get3A_470 : i32 to index
    %get3A_472 = arith.constant 80 : index
    %get3A_473 = tpu.vector_load %arg12[%get3A_471, %get3A_472] {strides = array<i32>} : memref<2x128xi32, #tpu.memory_space<vmem>>, vector<16xi32>,
    tpu.vector_store_idx %arg14[%get3A_473], %broadcast_in_dim3A_7 {add = true} : memref<10240xf32, #tpu.memory_space<vmem>>[vector<16xi32>], vector<16xf32>,
    %get3A_474 = arith.constant 1 : i32
    %get3A_475 = arith.index_cast %get3A_474 : i32 to index
    %get3A_476 = arith.constant 96 : index
    %get3A_477 = tpu.vector_load %arg12[%get3A_475, %get3A_476] {strides = array<i32>} : memref<2x128xi32, #tpu.memory_space<vmem>>, vector<16xi32>,
    tpu.vector_store_idx %arg14[%get3A_477], %broadcast_in_dim3A_7 {add = true} : memref<10240xf32, #tpu.memory_space<vmem>>[vector<16xi32>], vector<16xf32>,
    %get3A_478 = arith.constant 1 : i32
    %get3A_479 = arith.index_cast %get3A_478 : i32 to index
    %get3A_480 = arith.constant 112 : index
    %get3A_481 = tpu.vector_load %arg12[%get3A_479, %get3A_480] {strides = array<i32>} : memref<2x128xi32, #tpu.memory_space<vmem>>, vector<16xi32>,
    tpu.vector_store_idx %arg14[%get3A_481], %broadcast_in_dim3A_7 {add = true} : memref<10240xf32, #tpu.memory_space<vmem>>[vector<16xi32>], vector<16xf32>,
    %dma_wait3A_482 = arith.constant 0 : i32
    %dma_wait3A_483 = arith.constant 0 : i32
    %dma_wait3A_484 = arith.constant 0 : i32
    %dma_wait3A_485 = tpu.memref_slice %arg8[%dma_wait3A_483, %dma_wait3A_484] : memref<256x64xf32, #tpu.memory_space<vmem>> -> memref<128x64xf32, #tpu.memory_space<vmem>>
    %dma_wait3A_486 = arith.constant 0 : i32
    %dma_wait3A_487 = tpu.memref_slice %arg11[%dma_wait3A_482, %dma_wait3A_486] : memref<2x128xi32, #tpu.memory_space<vmem>> -> memref<1x128xi32, #tpu.memory_space<vmem>>
    %dma_wait3A_488 = tpu.memref_squeeze %dma_wait3A_487 : memref<1x128xi32, #tpu.memory_space<vmem>> -> memref<128xi32, #tpu.memory_space<vmem>>
    %dma_wait3A_489 = arith.constant 0 : i32
    %dma_wait3A_490 = arith.constant 0 : i32
    %dma_wait3A_491 = tpu.memref_slice %arg6[%dma_wait3A_489, %dma_wait3A_490] : memref<10240x64xf32, #tpu.memory_space<vmem_shared>> -> memref<10240x64xf32, #tpu.memory_space<vmem_shared>>
    tpu.wait_indirect_dma semaphore(%arg24 : memref<!tpu.dma_semaphore, #tpu.memory_space<semaphore_mem>>) src(%dma_wait3A_485 : memref<128x64xf32, #tpu.memory_space<vmem>>) dst(%dma_wait3A_491 : memref<10240x64xf32, #tpu.memory_space<vmem_shared>>)
    %dma_wait3A_492 = arith.constant 1 : i32
    %dma_wait3A_493 = arith.constant 128 : i32
    %dma_wait3A_494 = arith.constant 0 : i32
    %dma_wait3A_495 = tpu.memref_slice %arg8[%dma_wait3A_493, %dma_wait3A_494] : memref<256x64xf32, #tpu.memory_space<vmem>> -> memref<128x64xf32, #tpu.memory_space<vmem>>
    %dma_wait3A_496 = arith.constant 0 : i32
    %dma_wait3A_497 = tpu.memref_slice %arg11[%dma_wait3A_492, %dma_wait3A_496] : memref<2x128xi32, #tpu.memory_space<vmem>> -> memref<1x128xi32, #tpu.memory_space<vmem>>
    %dma_wait3A_498 = tpu.memref_squeeze %dma_wait3A_497 : memref<1x128xi32, #tpu.memory_space<vmem>> -> memref<128xi32, #tpu.memory_space<vmem>>
    %dma_wait3A_499 = arith.constant 0 : i32
    %dma_wait3A_500 = arith.constant 0 : i32
    %dma_wait3A_501 = tpu.memref_slice %arg6[%dma_wait3A_499, %dma_wait3A_500] : memref<10240x64xf32, #tpu.memory_space<vmem_shared>> -> memref<10240x64xf32, #tpu.memory_space<vmem_shared>>
    tpu.wait_indirect_dma semaphore(%arg24 : memref<!tpu.dma_semaphore, #tpu.memory_space<semaphore_mem>>) src(%dma_wait3A_495 : memref<128x64xf32, #tpu.memory_space<vmem>>) dst(%dma_wait3A_501 : memref<10240x64xf32, #tpu.memory_space<vmem_shared>>)
    %add3A_502 = arith.constant 6 : i32
    %add3A_503 = arith.addi %mul3A_4, %add3A_502 : i32
    %dma_start3A_504 = arith.constant 0 : i32
    %dma_start3A_505 = tpu.memref_slice %arg3[%add3A_503, %dma_start3A_504] : memref<2500x128xi32, #tpu.memory_space<hbm>> -> memref<2x128xi32, #tpu.memory_space<hbm>>
    %dma_start3A_506 = arith.constant 0 : i32
    %dma_start3A_507 = tpu.memref_slice %arg3[%add3A_503, %dma_start3A_506] : memref<2500x128xi32, #tpu.memory_space<hbm>> -> memref<2x128xi32, #tpu.memory_space<hbm>>
    tpu.enqueue_dma source(%dma_start3A_507 : memref<2x128xi32, #tpu.memory_space<hbm>>) target(%arg11 : memref<2x128xi32, #tpu.memory_space<vmem>>) target_semaphore(%arg18 : memref<!tpu.dma_semaphore, #tpu.memory_space<semaphore_mem>>)
    %mul3A_508 = arith.constant 128 : i32
    %mul3A_509 = arith.muli %add3A_503, %mul3A_508 : i32
    %dma_start3A_510 = tpu.memref_slice %arg2[%mul3A_509, %mul3A_0] : memref<320000x128xf32, #tpu.memory_space<hbm>> -> memref<256x64xf32, #tpu.memory_space<hbm>>
    %dma_start3A_511 = tpu.memref_slice %arg2[%mul3A_509, %mul3A_0] : memref<320000x128xf32, #tpu.memory_space<hbm>> -> memref<256x64xf32, #tpu.memory_space<hbm>>
    tpu.enqueue_dma source(%dma_start3A_511 : memref<256x64xf32, #tpu.memory_space<hbm>>) target(%arg8 : memref<256x64xf32, #tpu.memory_space<vmem>>) target_semaphore(%arg19 : memref<!tpu.dma_semaphore, #tpu.memory_space<semaphore_mem>>)
    %add3A_512 = arith.constant 4 : i32
    %add3A_513 = arith.addi %mul3A_4, %add3A_512 : i32
    %dma_wait3A_514 = arith.constant 0 : i32
    %dma_wait3A_515 = tpu.memref_slice %arg3[%add3A_513, %dma_wait3A_514] : memref<2500x128xi32, #tpu.memory_space<hbm>> -> memref<2x128xi32, #tpu.memory_space<hbm>>
    %dma_wait3A_516 = arith.constant 0 : i32
    %dma_wait3A_517 = tpu.memref_slice %arg3[%add3A_513, %dma_wait3A_516] : memref<2500x128xi32, #tpu.memory_space<hbm>> -> memref<2x128xi32, #tpu.memory_space<hbm>>
    tpu.wait_dma2 semaphore(%arg22 : memref<!tpu.dma_semaphore, #tpu.memory_space<semaphore_mem>>) src(%dma_wait3A_517 : memref<2x128xi32, #tpu.memory_space<hbm>>) dst(%arg13 : memref<2x128xi32, #tpu.memory_space<vmem>>)
    %mul3A_518 = arith.constant 128 : i32
    %mul3A_519 = arith.muli %add3A_513, %mul3A_518 : i32
    %dma_wait3A_520 = tpu.memref_slice %arg2[%mul3A_519, %mul3A_0] : memref<320000x128xf32, #tpu.memory_space<hbm>> -> memref<256x64xf32, #tpu.memory_space<hbm>>
    %dma_wait3A_521 = tpu.memref_slice %arg2[%mul3A_519, %mul3A_0] : memref<320000x128xf32, #tpu.memory_space<hbm>> -> memref<256x64xf32, #tpu.memory_space<hbm>>
    tpu.wait_dma2 semaphore(%arg23 : memref<!tpu.dma_semaphore, #tpu.memory_space<semaphore_mem>>) src(%dma_wait3A_521 : memref<256x64xf32, #tpu.memory_space<hbm>>) dst(%arg10 : memref<256x64xf32, #tpu.memory_space<vmem>>)
    %dma_start3A_522 = arith.constant 0 : i32
    %dma_start3A_523 = arith.constant 0 : i32
    %dma_start3A_524 = arith.constant 0 : i32
    %dma_start3A_525 = tpu.memref_slice %arg10[%dma_start3A_523, %dma_start3A_524] : memref<256x64xf32, #tpu.memory_space<vmem>> -> memref<128x64xf32, #tpu.memory_space<vmem>>
    %dma_start3A_526 = arith.constant 0 : i32
    %dma_start3A_527 = tpu.memref_slice %arg13[%dma_start3A_522, %dma_start3A_526] : memref<2x128xi32, #tpu.memory_space<vmem>> -> memref<1x128xi32, #tpu.memory_space<vmem>>
    %dma_start3A_528 = tpu.memref_squeeze %dma_start3A_527 : memref<1x128xi32, #tpu.memory_space<vmem>> -> memref<128xi32, #tpu.memory_space<vmem>>
    %dma_start3A_529 = arith.constant 0 : i32
    %dma_start3A_530 = arith.constant 0 : i32
    %dma_start3A_531 = tpu.memref_slice %arg6[%dma_start3A_529, %dma_start3A_530] : memref<10240x64xf32, #tpu.memory_space<vmem_shared>> -> memref<10240x64xf32, #tpu.memory_space<vmem_shared>>
    tpu.enqueue_indirect_dma source(%dma_start3A_525 : memref<128x64xf32, #tpu.memory_space<vmem>>) target(%dma_start3A_531 : memref<10240x64xf32, #tpu.memory_space<vmem_shared>>) offsets(%dma_start3A_528 : memref<128xi32, #tpu.memory_space<vmem>>) semaphore(%arg26 : memref<!tpu.dma_semaphore, #tpu.memory_space<semaphore_mem>>) {add = true}
    %dma_start3A_532 = arith.constant 1 : i32
    %dma_start3A_533 = arith.constant 128 : i32
    %dma_start3A_534 = arith.constant 0 : i32
    %dma_start3A_535 = tpu.memref_slice %arg10[%dma_start3A_533, %dma_start3A_534] : memref<256x64xf32, #tpu.memory_space<vmem>> -> memref<128x64xf32, #tpu.memory_space<vmem>>
    %dma_start3A_536 = arith.constant 0 : i32
    %dma_start3A_537 = tpu.memref_slice %arg13[%dma_start3A_532, %dma_start3A_536] : memref<2x128xi32, #tpu.memory_space<vmem>> -> memref<1x128xi32, #tpu.memory_space<vmem>>
    %dma_start3A_538 = tpu.memref_squeeze %dma_start3A_537 : memref<1x128xi32, #tpu.memory_space<vmem>> -> memref<128xi32, #tpu.memory_space<vmem>>
    %dma_start3A_539 = arith.constant 0 : i32
    %dma_start3A_540 = arith.constant 0 : i32
    %dma_start3A_541 = tpu.memref_slice %arg6[%dma_start3A_539, %dma_start3A_540] : memref<10240x64xf32, #tpu.memory_space<vmem_shared>> -> memref<10240x64xf32, #tpu.memory_space<vmem_shared>>
    tpu.enqueue_indirect_dma source(%dma_start3A_535 : memref<128x64xf32, #tpu.memory_space<vmem>>) target(%dma_start3A_541 : memref<10240x64xf32, #tpu.memory_space<vmem_shared>>) offsets(%dma_start3A_538 : memref<128xi32, #tpu.memory_space<vmem>>) semaphore(%arg26 : memref<!tpu.dma_semaphore, #tpu.memory_space<semaphore_mem>>) {add = true}
    %get3A_542 = arith.constant 0 : i32
    %get3A_543 = arith.index_cast %get3A_542 : i32 to index
    %get3A_544 = arith.constant 0 : index
    %get3A_545 = tpu.vector_load %arg13[%get3A_543, %get3A_544] {strides = array<i32>} : memref<2x128xi32, #tpu.memory_space<vmem>>, vector<16xi32>,
    tpu.vector_store_idx %arg14[%get3A_545], %broadcast_in_dim3A_7 {add = true} : memref<10240xf32, #tpu.memory_space<vmem>>[vector<16xi32>], vector<16xf32>,
    %get3A_546 = arith.constant 0 : i32
    %get3A_547 = arith.index_cast %get3A_546 : i32 to index
    %get3A_548 = arith.constant 16 : index
    %get3A_549 = tpu.vector_load %arg13[%get3A_547, %get3A_548] {strides = array<i32>} : memref<2x128xi32, #tpu.memory_space<vmem>>, vector<16xi32>,
    tpu.vector_store_idx %arg14[%get3A_549], %broadcast_in_dim3A_7 {add = true} : memref<10240xf32, #tpu.memory_space<vmem>>[vector<16xi32>], vector<16xf32>,
    %get3A_550 = arith.constant 0 : i32
    %get3A_551 = arith.index_cast %get3A_550 : i32 to index
    %get3A_552 = arith.constant 32 : index
    %get3A_553 = tpu.vector_load %arg13[%get3A_551, %get3A_552] {strides = array<i32>} : memref<2x128xi32, #tpu.memory_space<vmem>>, vector<16xi32>,
    tpu.vector_store_idx %arg14[%get3A_553], %broadcast_in_dim3A_7 {add = true} : memref<10240xf32, #tpu.memory_space<vmem>>[vector<16xi32>], vector<16xf32>,
    %get3A_554 = arith.constant 0 : i32
    %get3A_555 = arith.index_cast %get3A_554 : i32 to index
    %get3A_556 = arith.constant 48 : index
    %get3A_557 = tpu.vector_load %arg13[%get3A_555, %get3A_556] {strides = array<i32>} : memref<2x128xi32, #tpu.memory_space<vmem>>, vector<16xi32>,
    tpu.vector_store_idx %arg14[%get3A_557], %broadcast_in_dim3A_7 {add = true} : memref<10240xf32, #tpu.memory_space<vmem>>[vector<16xi32>], vector<16xf32>,
    %get3A_558 = arith.constant 0 : i32
    %get3A_559 = arith.index_cast %get3A_558 : i32 to index
    %get3A_560 = arith.constant 64 : index
    %get3A_561 = tpu.vector_load %arg13[%get3A_559, %get3A_560] {strides = array<i32>} : memref<2x128xi32, #tpu.memory_space<vmem>>, vector<16xi32>,
    tpu.vector_store_idx %arg14[%get3A_561], %broadcast_in_dim3A_7 {add = true} : memref<10240xf32, #tpu.memory_space<vmem>>[vector<16xi32>], vector<16xf32>,
    %get3A_562 = arith.constant 0 : i32
    %get3A_563 = arith.index_cast %get3A_562 : i32 to index
    %get3A_564 = arith.constant 80 : index
    %get3A_565 = tpu.vector_load %arg13[%get3A_563, %get3A_564] {strides = array<i32>} : memref<2x128xi32, #tpu.memory_space<vmem>>, vector<16xi32>,
    tpu.vector_store_idx %arg14[%get3A_565], %broadcast_in_dim3A_7 {add = true} : memref<10240xf32, #tpu.memory_space<vmem>>[vector<16xi32>], vector<16xf32>,
    %get3A_566 = arith.constant 0 : i32
    %get3A_567 = arith.index_cast %get3A_566 : i32 to index
    %get3A_568 = arith.constant 96 : index
    %get3A_569 = tpu.vector_load %arg13[%get3A_567, %get3A_568] {strides = array<i32>} : memref<2x128xi32, #tpu.memory_space<vmem>>, vector<16xi32>,
    tpu.vector_store_idx %arg14[%get3A_569], %broadcast_in_dim3A_7 {add = true} : memref<10240xf32, #tpu.memory_space<vmem>>[vector<16xi32>], vector<16xf32>,
    %get3A_570 = arith.constant 0 : i32
    %get3A_571 = arith.index_cast %get3A_570 : i32 to index
    %get3A_572 = arith.constant 112 : index
    %get3A_573 = tpu.vector_load %arg13[%get3A_571, %get3A_572] {strides = array<i32>} : memref<2x128xi32, #tpu.memory_space<vmem>>, vector<16xi32>,
    tpu.vector_store_idx %arg14[%get3A_573], %broadcast_in_dim3A_7 {add = true} : memref<10240xf32, #tpu.memory_space<vmem>>[vector<16xi32>], vector<16xf32>,
    %get3A_574 = arith.constant 1 : i32
    %get3A_575 = arith.index_cast %get3A_574 : i32 to index
    %get3A_576 = arith.constant 0 : index
    %get3A_577 = tpu.vector_load %arg13[%get3A_575, %get3A_576] {strides = array<i32>} : memref<2x128xi32, #tpu.memory_space<vmem>>, vector<16xi32>,
    tpu.vector_store_idx %arg14[%get3A_577], %broadcast_in_dim3A_7 {add = true} : memref<10240xf32, #tpu.memory_space<vmem>>[vector<16xi32>], vector<16xf32>,
    %get3A_578 = arith.constant 1 : i32
    %get3A_579 = arith.index_cast %get3A_578 : i32 to index
    %get3A_580 = arith.constant 16 : index
    %get3A_581 = tpu.vector_load %arg13[%get3A_579, %get3A_580] {strides = array<i32>} : memref<2x128xi32, #tpu.memory_space<vmem>>, vector<16xi32>,
    tpu.vector_store_idx %arg14[%get3A_581], %broadcast_in_dim3A_7 {add = true} : memref<10240xf32, #tpu.memory_space<vmem>>[vector<16xi32>], vector<16xf32>,
    %get3A_582 = arith.constant 1 : i32
    %get3A_583 = arith.index_cast %get3A_582 : i32 to index
    %get3A_584 = arith.constant 32 : index
    %get3A_585 = tpu.vector_load %arg13[%get3A_583, %get3A_584] {strides = array<i32>} : memref<2x128xi32, #tpu.memory_space<vmem>>, vector<16xi32>,
    tpu.vector_store_idx %arg14[%get3A_585], %broadcast_in_dim3A_7 {add = true} : memref<10240xf32, #tpu.memory_space<vmem>>[vector<16xi32>], vector<16xf32>,
    %get3A_586 = arith.constant 1 : i32
    %get3A_587 = arith.index_cast %get3A_586 : i32 to index
    %get3A_588 = arith.constant 48 : index
    %get3A_589 = tpu.vector_load %arg13[%get3A_587, %get3A_588] {strides = array<i32>} : memref<2x128xi32, #tpu.memory_space<vmem>>, vector<16xi32>,
    tpu.vector_store_idx %arg14[%get3A_589], %broadcast_in_dim3A_7 {add = true} : memref<10240xf32, #tpu.memory_space<vmem>>[vector<16xi32>], vector<16xf32>,
    %get3A_590 = arith.constant 1 : i32
    %get3A_591 = arith.index_cast %get3A_590 : i32 to index
    %get3A_592 = arith.constant 64 : index
    %get3A_593 = tpu.vector_load %arg13[%get3A_591, %get3A_592] {strides = array<i32>} : memref<2x128xi32, #tpu.memory_space<vmem>>, vector<16xi32>,
    tpu.vector_store_idx %arg14[%get3A_593], %broadcast_in_dim3A_7 {add = true} : memref<10240xf32, #tpu.memory_space<vmem>>[vector<16xi32>], vector<16xf32>,
    %get3A_594 = arith.constant 1 : i32
    %get3A_595 = arith.index_cast %get3A_594 : i32 to index
    %get3A_596 = arith.constant 80 : index
    %get3A_597 = tpu.vector_load %arg13[%get3A_595, %get3A_596] {strides = array<i32>} : memref<2x128xi32, #tpu.memory_space<vmem>>, vector<16xi32>,
    tpu.vector_store_idx %arg14[%get3A_597], %broadcast_in_dim3A_7 {add = true} : memref<10240xf32, #tpu.memory_space<vmem>>[vector<16xi32>], vector<16xf32>,
    %get3A_598 = arith.constant 1 : i32
    %get3A_599 = arith.index_cast %get3A_598 : i32 to index
    %get3A_600 = arith.constant 96 : index
    %get3A_601 = tpu.vector_load %arg13[%get3A_599, %get3A_600] {strides = array<i32>} : memref<2x128xi32, #tpu.memory_space<vmem>>, vector<16xi32>,
    tpu.vector_store_idx %arg14[%get3A_601], %broadcast_in_dim3A_7 {add = true} : memref<10240xf32, #tpu.memory_space<vmem>>[vector<16xi32>], vector<16xf32>,
    %get3A_602 = arith.constant 1 : i32
    %get3A_603 = arith.index_cast %get3A_602 : i32 to index
    %get3A_604 = arith.constant 112 : index
    %get3A_605 = tpu.vector_load %arg13[%get3A_603, %get3A_604] {strides = array<i32>} : memref<2x128xi32, #tpu.memory_space<vmem>>, vector<16xi32>,
    tpu.vector_store_idx %arg14[%get3A_605], %broadcast_in_dim3A_7 {add = true} : memref<10240xf32, #tpu.memory_space<vmem>>[vector<16xi32>], vector<16xf32>,
    %dma_wait3A_606 = arith.constant 0 : i32
    %dma_wait3A_607 = arith.constant 0 : i32
    %dma_wait3A_608 = arith.constant 0 : i32
    %dma_wait3A_609 = tpu.memref_slice %arg9[%dma_wait3A_607, %dma_wait3A_608] : memref<256x64xf32, #tpu.memory_space<vmem>> -> memref<128x64xf32, #tpu.memory_space<vmem>>
    %dma_wait3A_610 = arith.constant 0 : i32
    %dma_wait3A_611 = tpu.memref_slice %arg12[%dma_wait3A_606, %dma_wait3A_610] : memref<2x128xi32, #tpu.memory_space<vmem>> -> memref<1x128xi32, #tpu.memory_space<vmem>>
    %dma_wait3A_612 = tpu.memref_squeeze %dma_wait3A_611 : memref<1x128xi32, #tpu.memory_space<vmem>> -> memref<128xi32, #tpu.memory_space<vmem>>
    %dma_wait3A_613 = arith.constant 0 : i32
    %dma_wait3A_614 = arith.constant 0 : i32
    %dma_wait3A_615 = tpu.memref_slice %arg6[%dma_wait3A_613, %dma_wait3A_614] : memref<10240x64xf32, #tpu.memory_space<vmem_shared>> -> memref<10240x64xf32, #tpu.memory_space<vmem_shared>>
    tpu.wait_indirect_dma semaphore(%arg25 : memref<!tpu.dma_semaphore, #tpu.memory_space<semaphore_mem>>) src(%dma_wait3A_609 : memref<128x64xf32, #tpu.memory_space<vmem>>) dst(%dma_wait3A_615 : memref<10240x64xf32, #tpu.memory_space<vmem_shared>>)
    %dma_wait3A_616 = arith.constant 1 : i32
    %dma_wait3A_617 = arith.constant 128 : i32
    %dma_wait3A_618 = arith.constant 0 : i32
    %dma_wait3A_619 = tpu.memref_slice %arg9[%dma_wait3A_617, %dma_wait3A_618] : memref<256x64xf32, #tpu.memory_space<vmem>> -> memref<128x64xf32, #tpu.memory_space<vmem>>
    %dma_wait3A_620 = arith.constant 0 : i32
    %dma_wait3A_621 = tpu.memref_slice %arg12[%dma_wait3A_616, %dma_wait3A_620] : memref<2x128xi32, #tpu.memory_space<vmem>> -> memref<1x128xi32, #tpu.memory_space<vmem>>
    %dma_wait3A_622 = tpu.memref_squeeze %dma_wait3A_621 : memref<1x128xi32, #tpu.memory_space<vmem>> -> memref<128xi32, #tpu.memory_space<vmem>>
    %dma_wait3A_623 = arith.constant 0 : i32
    %dma_wait3A_624 = arith.constant 0 : i32
    %dma_wait3A_625 = tpu.memref_slice %arg6[%dma_wait3A_623, %dma_wait3A_624] : memref<10240x64xf32, #tpu.memory_space<vmem_shared>> -> memref<10240x64xf32, #tpu.memory_space<vmem_shared>>
    tpu.wait_indirect_dma semaphore(%arg25 : memref<!tpu.dma_semaphore, #tpu.memory_space<semaphore_mem>>) src(%dma_wait3A_619 : memref<128x64xf32, #tpu.memory_space<vmem>>) dst(%dma_wait3A_625 : memref<10240x64xf32, #tpu.memory_space<vmem_shared>>)
    %add3A_626 = arith.constant 8 : i32
    %add3A_627 = arith.addi %mul3A_4, %add3A_626 : i32
    %dma_start3A_628 = arith.constant 0 : i32
    %dma_start3A_629 = tpu.memref_slice %arg3[%add3A_627, %dma_start3A_628] : memref<2500x128xi32, #tpu.memory_space<hbm>> -> memref<2x128xi32, #tpu.memory_space<hbm>>
    %dma_start3A_630 = arith.constant 0 : i32
    %dma_start3A_631 = tpu.memref_slice %arg3[%add3A_627, %dma_start3A_630] : memref<2500x128xi32, #tpu.memory_space<hbm>> -> memref<2x128xi32, #tpu.memory_space<hbm>>
    tpu.enqueue_dma source(%dma_start3A_631 : memref<2x128xi32, #tpu.memory_space<hbm>>) target(%arg12 : memref<2x128xi32, #tpu.memory_space<vmem>>) target_semaphore(%arg20 : memref<!tpu.dma_semaphore, #tpu.memory_space<semaphore_mem>>)
    %mul3A_632 = arith.constant 128 : i32
    %mul3A_633 = arith.muli %add3A_627, %mul3A_632 : i32
    %dma_start3A_634 = tpu.memref_slice %arg2[%mul3A_633, %mul3A_0] : memref<320000x128xf32, #tpu.memory_space<hbm>> -> memref<256x64xf32, #tpu.memory_space<hbm>>
    %dma_start3A_635 = tpu.memref_slice %arg2[%mul3A_633, %mul3A_0] : memref<320000x128xf32, #tpu.memory_space<hbm>> -> memref<256x64xf32, #tpu.memory_space<hbm>>
    tpu.enqueue_dma source(%dma_start3A_635 : memref<256x64xf32, #tpu.memory_space<hbm>>) target(%arg9 : memref<256x64xf32, #tpu.memory_space<vmem>>) target_semaphore(%arg21 : memref<!tpu.dma_semaphore, #tpu.memory_space<semaphore_mem>>)
    %scan3A_636 = arith.constant 1 : i32
    %scan3A_637 = arith.constant 25 : i32
    %scan3A_638 = arith.addi %scan3A_636, %scan3A_637 : i32
    %scan3A_639 = arith.constant 1 : i32
    scf.for %scan3A_759 = %scan3A_636 to %scan3A_638 step %scan3A_639  : i32 {
      %mul3A_760 = arith.constant 3 : i32
      %mul3A_761 = arith.muli %mul3A_760, %scan3A_759 : i32
      %add3A_762 = arith.constant 0 : i32
      %add3A_763 = arith.addi %mul3A_761, %add3A_762 : i32
      %mul3A_764 = arith.constant 2 : i32
      %mul3A_765 = arith.muli %add3A_763, %mul3A_764 : i32
      %add3A_766 = arith.addi %mul3A_4, %mul3A_765 : i32
      %dma_wait3A_767 = arith.constant 0 : i32
      %dma_wait3A_768 = tpu.memref_slice %arg3[%add3A_766, %dma_wait3A_767] : memref<2500x128xi32, #tpu.memory_space<hbm>> -> memref<2x128xi32, #tpu.memory_space<hbm>>
      %dma_wait3A_769 = arith.constant 0 : i32
      %dma_wait3A_770 = tpu.memref_slice %arg3[%add3A_766, %dma_wait3A_769] : memref<2500x128xi32, #tpu.memory_space<hbm>> -> memref<2x128xi32, #tpu.memory_space<hbm>>
      tpu.wait_dma2 semaphore(%arg18 : memref<!tpu.dma_semaphore, #tpu.memory_space<semaphore_mem>>) src(%dma_wait3A_770 : memref<2x128xi32, #tpu.memory_space<hbm>>) dst(%arg11 : memref<2x128xi32, #tpu.memory_space<vmem>>)
      %mul3A_771 = arith.constant 128 : i32
      %mul3A_772 = arith.muli %add3A_766, %mul3A_771 : i32
      %dma_wait3A_773 = tpu.memref_slice %arg2[%mul3A_772, %mul3A_0] : memref<320000x128xf32, #tpu.memory_space<hbm>> -> memref<256x64xf32, #tpu.memory_space<hbm>>
      %dma_wait3A_774 = tpu.memref_slice %arg2[%mul3A_772, %mul3A_0] : memref<320000x128xf32, #tpu.memory_space<hbm>> -> memref<256x64xf32, #tpu.memory_space<hbm>>
      tpu.wait_dma2 semaphore(%arg19 : memref<!tpu.dma_semaphore, #tpu.memory_space<semaphore_mem>>) src(%dma_wait3A_774 : memref<256x64xf32, #tpu.memory_space<hbm>>) dst(%arg8 : memref<256x64xf32, #tpu.memory_space<vmem>>)
      %dma_start3A_775 = arith.constant 0 : i32
      %dma_start3A_776 = arith.constant 0 : i32
      %dma_start3A_777 = arith.constant 0 : i32
      %dma_start3A_778 = tpu.memref_slice %arg8[%dma_start3A_776, %dma_start3A_777] : memref<256x64xf32, #tpu.memory_space<vmem>> -> memref<128x64xf32, #tpu.memory_space<vmem>>
      %dma_start3A_779 = arith.constant 0 : i32
      %dma_start3A_780 = tpu.memref_slice %arg11[%dma_start3A_775, %dma_start3A_779] : memref<2x128xi32, #tpu.memory_space<vmem>> -> memref<1x128xi32, #tpu.memory_space<vmem>>
      %dma_start3A_781 = tpu.memref_squeeze %dma_start3A_780 : memref<1x128xi32, #tpu.memory_space<vmem>> -> memref<128xi32, #tpu.memory_space<vmem>>
      %dma_start3A_782 = arith.constant 0 : i32
      %dma_start3A_783 = arith.constant 0 : i32
      %dma_start3A_784 = tpu.memref_slice %arg6[%dma_start3A_782, %dma_start3A_783] : memref<10240x64xf32, #tpu.memory_space<vmem_shared>> -> memref<10240x64xf32, #tpu.memory_space<vmem_shared>>
      tpu.enqueue_indirect_dma source(%dma_start3A_778 : memref<128x64xf32, #tpu.memory_space<vmem>>) target(%dma_start3A_784 : memref<10240x64xf32, #tpu.memory_space<vmem_shared>>) offsets(%dma_start3A_781 : memref<128xi32, #tpu.memory_space<vmem>>) semaphore(%arg24 : memref<!tpu.dma_semaphore, #tpu.memory_space<semaphore_mem>>) {add = true}
      %dma_start3A_785 = arith.constant 1 : i32
      %dma_start3A_786 = arith.constant 128 : i32
      %dma_start3A_787 = arith.constant 0 : i32
      %dma_start3A_788 = tpu.memref_slice %arg8[%dma_start3A_786, %dma_start3A_787] : memref<256x64xf32, #tpu.memory_space<vmem>> -> memref<128x64xf32, #tpu.memory_space<vmem>>
      %dma_start3A_789 = arith.constant 0 : i32
      %dma_start3A_790 = tpu.memref_slice %arg11[%dma_start3A_785, %dma_start3A_789] : memref<2x128xi32, #tpu.memory_space<vmem>> -> memref<1x128xi32, #tpu.memory_space<vmem>>
      %dma_start3A_791 = tpu.memref_squeeze %dma_start3A_790 : memref<1x128xi32, #tpu.memory_space<vmem>> -> memref<128xi32, #tpu.memory_space<vmem>>
      %dma_start3A_792 = arith.constant 0 : i32
      %dma_start3A_793 = arith.constant 0 : i32
      %dma_start3A_794 = tpu.memref_slice %arg6[%dma_start3A_792, %dma_start3A_793] : memref<10240x64xf32, #tpu.memory_space<vmem_shared>> -> memref<10240x64xf32, #tpu.memory_space<vmem_shared>>
      tpu.enqueue_indirect_dma source(%dma_start3A_788 : memref<128x64xf32, #tpu.memory_space<vmem>>) target(%dma_start3A_794 : memref<10240x64xf32, #tpu.memory_space<vmem_shared>>) offsets(%dma_start3A_791 : memref<128xi32, #tpu.memory_space<vmem>>) semaphore(%arg24 : memref<!tpu.dma_semaphore, #tpu.memory_space<semaphore_mem>>) {add = true}
      %get3A_795 = arith.constant 0 : i32
      %get3A_796 = arith.index_cast %get3A_795 : i32 to index
      %get3A_797 = arith.constant 0 : index
      %get3A_798 = tpu.vector_load %arg11[%get3A_796, %get3A_797] {strides = array<i32>} : memref<2x128xi32, #tpu.memory_space<vmem>>, vector<16xi32>,
      tpu.vector_store_idx %arg14[%get3A_798], %broadcast_in_dim3A_7 {add = true} : memref<10240xf32, #tpu.memory_space<vmem>>[vector<16xi32>], vector<16xf32>,
      %get3A_799 = arith.constant 0 : i32
      %get3A_800 = arith.index_cast %get3A_799 : i32 to index
      %get3A_801 = arith.constant 16 : index
      %get3A_802 = tpu.vector_load %arg11[%get3A_800, %get3A_801] {strides = array<i32>} : memref<2x128xi32, #tpu.memory_space<vmem>>, vector<16xi32>,
      tpu.vector_store_idx %arg14[%get3A_802], %broadcast_in_dim3A_7 {add = true} : memref<10240xf32, #tpu.memory_space<vmem>>[vector<16xi32>], vector<16xf32>,
      %get3A_803 = arith.constant 0 : i32
      %get3A_804 = arith.index_cast %get3A_803 : i32 to index
      %get3A_805 = arith.constant 32 : index
      %get3A_806 = tpu.vector_load %arg11[%get3A_804, %get3A_805] {strides = array<i32>} : memref<2x128xi32, #tpu.memory_space<vmem>>, vector<16xi32>,
      tpu.vector_store_idx %arg14[%get3A_806], %broadcast_in_dim3A_7 {add = true} : memref<10240xf32, #tpu.memory_space<vmem>>[vector<16xi32>], vector<16xf32>,
      %get3A_807 = arith.constant 0 : i32
      %get3A_808 = arith.index_cast %get3A_807 : i32 to index
      %get3A_809 = arith.constant 48 : index
      %get3A_810 = tpu.vector_load %arg11[%get3A_808, %get3A_809] {strides = array<i32>} : memref<2x128xi32, #tpu.memory_space<vmem>>, vector<16xi32>,
      tpu.vector_store_idx %arg14[%get3A_810], %broadcast_in_dim3A_7 {add = true} : memref<10240xf32, #tpu.memory_space<vmem>>[vector<16xi32>], vector<16xf32>,
      %get3A_811 = arith.constant 0 : i32
      %get3A_812 = arith.index_cast %get3A_811 : i32 to index
      %get3A_813 = arith.constant 64 : index
      %get3A_814 = tpu.vector_load %arg11[%get3A_812, %get3A_813] {strides = array<i32>} : memref<2x128xi32, #tpu.memory_space<vmem>>, vector<16xi32>,
      tpu.vector_store_idx %arg14[%get3A_814], %broadcast_in_dim3A_7 {add = true} : memref<10240xf32, #tpu.memory_space<vmem>>[vector<16xi32>], vector<16xf32>,
      %get3A_815 = arith.constant 0 : i32
      %get3A_816 = arith.index_cast %get3A_815 : i32 to index
      %get3A_817 = arith.constant 80 : index
      %get3A_818 = tpu.vector_load %arg11[%get3A_816, %get3A_817] {strides = array<i32>} : memref<2x128xi32, #tpu.memory_space<vmem>>, vector<16xi32>,
      tpu.vector_store_idx %arg14[%get3A_818], %broadcast_in_dim3A_7 {add = true} : memref<10240xf32, #tpu.memory_space<vmem>>[vector<16xi32>], vector<16xf32>,
      %get3A_819 = arith.constant 0 : i32
      %get3A_820 = arith.index_cast %get3A_819 : i32 to index
      %get3A_821 = arith.constant 96 : index
      %get3A_822 = tpu.vector_load %arg11[%get3A_820, %get3A_821] {strides = array<i32>} : memref<2x128xi32, #tpu.memory_space<vmem>>, vector<16xi32>,
      tpu.vector_store_idx %arg14[%get3A_822], %broadcast_in_dim3A_7 {add = true} : memref<10240xf32, #tpu.memory_space<vmem>>[vector<16xi32>], vector<16xf32>,
      %get3A_823 = arith.constant 0 : i32
      %get3A_824 = arith.index_cast %get3A_823 : i32 to index
      %get3A_825 = arith.constant 112 : index
      %get3A_826 = tpu.vector_load %arg11[%get3A_824, %get3A_825] {strides = array<i32>} : memref<2x128xi32, #tpu.memory_space<vmem>>, vector<16xi32>,
      tpu.vector_store_idx %arg14[%get3A_826], %broadcast_in_dim3A_7 {add = true} : memref<10240xf32, #tpu.memory_space<vmem>>[vector<16xi32>], vector<16xf32>,
      %get3A_827 = arith.constant 1 : i32
      %get3A_828 = arith.index_cast %get3A_827 : i32 to index
      %get3A_829 = arith.constant 0 : index
      %get3A_830 = tpu.vector_load %arg11[%get3A_828, %get3A_829] {strides = array<i32>} : memref<2x128xi32, #tpu.memory_space<vmem>>, vector<16xi32>,
      tpu.vector_store_idx %arg14[%get3A_830], %broadcast_in_dim3A_7 {add = true} : memref<10240xf32, #tpu.memory_space<vmem>>[vector<16xi32>], vector<16xf32>,
      %get3A_831 = arith.constant 1 : i32
      %get3A_832 = arith.index_cast %get3A_831 : i32 to index
      %get3A_833 = arith.constant 16 : index
      %get3A_834 = tpu.vector_load %arg11[%get3A_832, %get3A_833] {strides = array<i32>} : memref<2x128xi32, #tpu.memory_space<vmem>>, vector<16xi32>,
      tpu.vector_store_idx %arg14[%get3A_834], %broadcast_in_dim3A_7 {add = true} : memref<10240xf32, #tpu.memory_space<vmem>>[vector<16xi32>], vector<16xf32>,
      %get3A_835 = arith.constant 1 : i32
      %get3A_836 = arith.index_cast %get3A_835 : i32 to index
      %get3A_837 = arith.constant 32 : index
      %get3A_838 = tpu.vector_load %arg11[%get3A_836, %get3A_837] {strides = array<i32>} : memref<2x128xi32, #tpu.memory_space<vmem>>, vector<16xi32>,
      tpu.vector_store_idx %arg14[%get3A_838], %broadcast_in_dim3A_7 {add = true} : memref<10240xf32, #tpu.memory_space<vmem>>[vector<16xi32>], vector<16xf32>,
      %get3A_839 = arith.constant 1 : i32
      %get3A_840 = arith.index_cast %get3A_839 : i32 to index
      %get3A_841 = arith.constant 48 : index
      %get3A_842 = tpu.vector_load %arg11[%get3A_840, %get3A_841] {strides = array<i32>} : memref<2x128xi32, #tpu.memory_space<vmem>>, vector<16xi32>,
      tpu.vector_store_idx %arg14[%get3A_842], %broadcast_in_dim3A_7 {add = true} : memref<10240xf32, #tpu.memory_space<vmem>>[vector<16xi32>], vector<16xf32>,
      %get3A_843 = arith.constant 1 : i32
      %get3A_844 = arith.index_cast %get3A_843 : i32 to index
      %get3A_845 = arith.constant 64 : index
      %get3A_846 = tpu.vector_load %arg11[%get3A_844, %get3A_845] {strides = array<i32>} : memref<2x128xi32, #tpu.memory_space<vmem>>, vector<16xi32>,
      tpu.vector_store_idx %arg14[%get3A_846], %broadcast_in_dim3A_7 {add = true} : memref<10240xf32, #tpu.memory_space<vmem>>[vector<16xi32>], vector<16xf32>,
      %get3A_847 = arith.constant 1 : i32
      %get3A_848 = arith.index_cast %get3A_847 : i32 to index
      %get3A_849 = arith.constant 80 : index
      %get3A_850 = tpu.vector_load %arg11[%get3A_848, %get3A_849] {strides = array<i32>} : memref<2x128xi32, #tpu.memory_space<vmem>>, vector<16xi32>,
      tpu.vector_store_idx %arg14[%get3A_850], %broadcast_in_dim3A_7 {add = true} : memref<10240xf32, #tpu.memory_space<vmem>>[vector<16xi32>], vector<16xf32>,
      %get3A_851 = arith.constant 1 : i32
      %get3A_852 = arith.index_cast %get3A_851 : i32 to index
      %get3A_853 = arith.constant 96 : index
      %get3A_854 = tpu.vector_load %arg11[%get3A_852, %get3A_853] {strides = array<i32>} : memref<2x128xi32, #tpu.memory_space<vmem>>, vector<16xi32>,
      tpu.vector_store_idx %arg14[%get3A_854], %broadcast_in_dim3A_7 {add = true} : memref<10240xf32, #tpu.memory_space<vmem>>[vector<16xi32>], vector<16xf32>,
      %get3A_855 = arith.constant 1 : i32
      %get3A_856 = arith.index_cast %get3A_855 : i32 to index
      %get3A_857 = arith.constant 112 : index
      %get3A_858 = tpu.vector_load %arg11[%get3A_856, %get3A_857] {strides = array<i32>} : memref<2x128xi32, #tpu.memory_space<vmem>>, vector<16xi32>,
      tpu.vector_store_idx %arg14[%get3A_858], %broadcast_in_dim3A_7 {add = true} : memref<10240xf32, #tpu.memory_space<vmem>>[vector<16xi32>], vector<16xf32>,
      %dma_wait3A_859 = arith.constant 0 : i32
      %dma_wait3A_860 = arith.constant 0 : i32
      %dma_wait3A_861 = arith.constant 0 : i32
      %dma_wait3A_862 = tpu.memref_slice %arg10[%dma_wait3A_860, %dma_wait3A_861] : memref<256x64xf32, #tpu.memory_space<vmem>> -> memref<128x64xf32, #tpu.memory_space<vmem>>
      %dma_wait3A_863 = arith.constant 0 : i32
      %dma_wait3A_864 = tpu.memref_slice %arg13[%dma_wait3A_859, %dma_wait3A_863] : memref<2x128xi32, #tpu.memory_space<vmem>> -> memref<1x128xi32, #tpu.memory_space<vmem>>
      %dma_wait3A_865 = tpu.memref_squeeze %dma_wait3A_864 : memref<1x128xi32, #tpu.memory_space<vmem>> -> memref<128xi32, #tpu.memory_space<vmem>>
      %dma_wait3A_866 = arith.constant 0 : i32
      %dma_wait3A_867 = arith.constant 0 : i32
      %dma_wait3A_868 = tpu.memref_slice %arg6[%dma_wait3A_866, %dma_wait3A_867] : memref<10240x64xf32, #tpu.memory_space<vmem_shared>> -> memref<10240x64xf32, #tpu.memory_space<vmem_shared>>
      tpu.wait_indirect_dma semaphore(%arg26 : memref<!tpu.dma_semaphore, #tpu.memory_space<semaphore_mem>>) src(%dma_wait3A_862 : memref<128x64xf32, #tpu.memory_space<vmem>>) dst(%dma_wait3A_868 : memref<10240x64xf32, #tpu.memory_space<vmem_shared>>)
      %dma_wait3A_869 = arith.constant 1 : i32
      %dma_wait3A_870 = arith.constant 128 : i32
      %dma_wait3A_871 = arith.constant 0 : i32
      %dma_wait3A_872 = tpu.memref_slice %arg10[%dma_wait3A_870, %dma_wait3A_871] : memref<256x64xf32, #tpu.memory_space<vmem>> -> memref<128x64xf32, #tpu.memory_space<vmem>>
      %dma_wait3A_873 = arith.constant 0 : i32
      %dma_wait3A_874 = tpu.memref_slice %arg13[%dma_wait3A_869, %dma_wait3A_873] : memref<2x128xi32, #tpu.memory_space<vmem>> -> memref<1x128xi32, #tpu.memory_space<vmem>>
      %dma_wait3A_875 = tpu.memref_squeeze %dma_wait3A_874 : memref<1x128xi32, #tpu.memory_space<vmem>> -> memref<128xi32, #tpu.memory_space<vmem>>
      %dma_wait3A_876 = arith.constant 0 : i32
      %dma_wait3A_877 = arith.constant 0 : i32
      %dma_wait3A_878 = tpu.memref_slice %arg6[%dma_wait3A_876, %dma_wait3A_877] : memref<10240x64xf32, #tpu.memory_space<vmem_shared>> -> memref<10240x64xf32, #tpu.memory_space<vmem_shared>>
      tpu.wait_indirect_dma semaphore(%arg26 : memref<!tpu.dma_semaphore, #tpu.memory_space<semaphore_mem>>) src(%dma_wait3A_872 : memref<128x64xf32, #tpu.memory_space<vmem>>) dst(%dma_wait3A_878 : memref<10240x64xf32, #tpu.memory_space<vmem_shared>>)
      %add3A_879 = arith.constant 4 : i32
      %add3A_880 = arith.addi %add3A_766, %add3A_879 : i32
      %dma_start3A_881 = arith.constant 0 : i32
      %dma_start3A_882 = tpu.memref_slice %arg3[%add3A_880, %dma_start3A_881] : memref<2500x128xi32, #tpu.memory_space<hbm>> -> memref<2x128xi32, #tpu.memory_space<hbm>>
      %dma_start3A_883 = arith.constant 0 : i32
      %dma_start3A_884 = tpu.memref_slice %arg3[%add3A_880, %dma_start3A_883] : memref<2500x128xi32, #tpu.memory_space<hbm>> -> memref<2x128xi32, #tpu.memory_space<hbm>>
      tpu.enqueue_dma source(%dma_start3A_884 : memref<2x128xi32, #tpu.memory_space<hbm>>) target(%arg13 : memref<2x128xi32, #tpu.memory_space<vmem>>) target_semaphore(%arg22 : memref<!tpu.dma_semaphore, #tpu.memory_space<semaphore_mem>>)
      %mul3A_885 = arith.constant 128 : i32
      %mul3A_886 = arith.muli %add3A_880, %mul3A_885 : i32
      %dma_start3A_887 = tpu.memref_slice %arg2[%mul3A_886, %mul3A_0] : memref<320000x128xf32, #tpu.memory_space<hbm>> -> memref<256x64xf32, #tpu.memory_space<hbm>>
      %dma_start3A_888 = tpu.memref_slice %arg2[%mul3A_886, %mul3A_0] : memref<320000x128xf32, #tpu.memory_space<hbm>> -> memref<256x64xf32, #tpu.memory_space<hbm>>
      tpu.enqueue_dma source(%dma_start3A_888 : memref<256x64xf32, #tpu.memory_space<hbm>>) target(%arg10 : memref<256x64xf32, #tpu.memory_space<vmem>>) target_semaphore(%arg23 : memref<!tpu.dma_semaphore, #tpu.memory_space<semaphore_mem>>)
      %mul3A_889 = arith.constant 3 : i32
      %mul3A_890 = arith.muli %mul3A_889, %scan3A_759 : i32
      %add3A_891 = arith.constant 1 : i32
      %add3A_892 = arith.addi %mul3A_890, %add3A_891 : i32
      %mul3A_893 = arith.constant 2 : i32
      %mul3A_894 = arith.muli %add3A_892, %mul3A_893 : i32
      %add3A_895 = arith.addi %mul3A_4, %mul3A_894 : i32
      %dma_wait3A_896 = arith.constant 0 : i32
      %dma_wait3A_897 = tpu.memref_slice %arg3[%add3A_895, %dma_wait3A_896] : memref<2500x128xi32, #tpu.memory_space<hbm>> -> memref<2x128xi32, #tpu.memory_space<hbm>>
      %dma_wait3A_898 = arith.constant 0 : i32
      %dma_wait3A_899 = tpu.memref_slice %arg3[%add3A_895, %dma_wait3A_898] : memref<2500x128xi32, #tpu.memory_space<hbm>> -> memref<2x128xi32, #tpu.memory_space<hbm>>
      tpu.wait_dma2 semaphore(%arg20 : memref<!tpu.dma_semaphore, #tpu.memory_space<semaphore_mem>>) src(%dma_wait3A_899 : memref<2x128xi32, #tpu.memory_space<hbm>>) dst(%arg12 : memref<2x128xi32, #tpu.memory_space<vmem>>)
      %mul3A_900 = arith.constant 128 : i32
      %mul3A_901 = arith.muli %add3A_895, %mul3A_900 : i32
      %dma_wait3A_902 = tpu.memref_slice %arg2[%mul3A_901, %mul3A_0] : memref<320000x128xf32, #tpu.memory_space<hbm>> -> memref<256x64xf32, #tpu.memory_space<hbm>>
      %dma_wait3A_903 = tpu.memref_slice %arg2[%mul3A_901, %mul3A_0] : memref<320000x128xf32, #tpu.memory_space<hbm>> -> memref<256x64xf32, #tpu.memory_space<hbm>>
      tpu.wait_dma2 semaphore(%arg21 : memref<!tpu.dma_semaphore, #tpu.memory_space<semaphore_mem>>) src(%dma_wait3A_903 : memref<256x64xf32, #tpu.memory_space<hbm>>) dst(%arg9 : memref<256x64xf32, #tpu.memory_space<vmem>>)
      %dma_start3A_904 = arith.constant 0 : i32
      %dma_start3A_905 = arith.constant 0 : i32
      %dma_start3A_906 = arith.constant 0 : i32
      %dma_start3A_907 = tpu.memref_slice %arg9[%dma_start3A_905, %dma_start3A_906] : memref<256x64xf32, #tpu.memory_space<vmem>> -> memref<128x64xf32, #tpu.memory_space<vmem>>
      %dma_start3A_908 = arith.constant 0 : i32
      %dma_start3A_909 = tpu.memref_slice %arg12[%dma_start3A_904, %dma_start3A_908] : memref<2x128xi32, #tpu.memory_space<vmem>> -> memref<1x128xi32, #tpu.memory_space<vmem>>
      %dma_start3A_910 = tpu.memref_squeeze %dma_start3A_909 : memref<1x128xi32, #tpu.memory_space<vmem>> -> memref<128xi32, #tpu.memory_space<vmem>>
      %dma_start3A_911 = arith.constant 0 : i32
      %dma_start3A_912 = arith.constant 0 : i32
      %dma_start3A_913 = tpu.memref_slice %arg6[%dma_start3A_911, %dma_start3A_912] : memref<10240x64xf32, #tpu.memory_space<vmem_shared>> -> memref<10240x64xf32, #tpu.memory_space<vmem_shared>>
      tpu.enqueue_indirect_dma source(%dma_start3A_907 : memref<128x64xf32, #tpu.memory_space<vmem>>) target(%dma_start3A_913 : memref<10240x64xf32, #tpu.memory_space<vmem_shared>>) offsets(%dma_start3A_910 : memref<128xi32, #tpu.memory_space<vmem>>) semaphore(%arg25 : memref<!tpu.dma_semaphore, #tpu.memory_space<semaphore_mem>>) {add = true}
      %dma_start3A_914 = arith.constant 1 : i32
      %dma_start3A_915 = arith.constant 128 : i32
      %dma_start3A_916 = arith.constant 0 : i32
      %dma_start3A_917 = tpu.memref_slice %arg9[%dma_start3A_915, %dma_start3A_916] : memref<256x64xf32, #tpu.memory_space<vmem>> -> memref<128x64xf32, #tpu.memory_space<vmem>>
      %dma_start3A_918 = arith.constant 0 : i32
      %dma_start3A_919 = tpu.memref_slice %arg12[%dma_start3A_914, %dma_start3A_918] : memref<2x128xi32, #tpu.memory_space<vmem>> -> memref<1x128xi32, #tpu.memory_space<vmem>>
      %dma_start3A_920 = tpu.memref_squeeze %dma_start3A_919 : memref<1x128xi32, #tpu.memory_space<vmem>> -> memref<128xi32, #tpu.memory_space<vmem>>
      %dma_start3A_921 = arith.constant 0 : i32
      %dma_start3A_922 = arith.constant 0 : i32
      %dma_start3A_923 = tpu.memref_slice %arg6[%dma_start3A_921, %dma_start3A_922] : memref<10240x64xf32, #tpu.memory_space<vmem_shared>> -> memref<10240x64xf32, #tpu.memory_space<vmem_shared>>
      tpu.enqueue_indirect_dma source(%dma_start3A_917 : memref<128x64xf32, #tpu.memory_space<vmem>>) target(%dma_start3A_923 : memref<10240x64xf32, #tpu.memory_space<vmem_shared>>) offsets(%dma_start3A_920 : memref<128xi32, #tpu.memory_space<vmem>>) semaphore(%arg25 : memref<!tpu.dma_semaphore, #tpu.memory_space<semaphore_mem>>) {add = true}
      %get3A_924 = arith.constant 0 : i32
      %get3A_925 = arith.index_cast %get3A_924 : i32 to index
      %get3A_926 = arith.constant 0 : index
      %get3A_927 = tpu.vector_load %arg12[%get3A_925, %get3A_926] {strides = array<i32>} : memref<2x128xi32, #tpu.memory_space<vmem>>, vector<16xi32>,
      tpu.vector_store_idx %arg14[%get3A_927], %broadcast_in_dim3A_7 {add = true} : memref<10240xf32, #tpu.memory_space<vmem>>[vector<16xi32>], vector<16xf32>,
      %get3A_928 = arith.constant 0 : i32
      %get3A_929 = arith.index_cast %get3A_928 : i32 to index
      %get3A_930 = arith.constant 16 : index
      %get3A_931 = tpu.vector_load %arg12[%get3A_929, %get3A_930] {strides = array<i32>} : memref<2x128xi32, #tpu.memory_space<vmem>>, vector<16xi32>,
      tpu.vector_store_idx %arg14[%get3A_931], %broadcast_in_dim3A_7 {add = true} : memref<10240xf32, #tpu.memory_space<vmem>>[vector<16xi32>], vector<16xf32>,
      %get3A_932 = arith.constant 0 : i32
      %get3A_933 = arith.index_cast %get3A_932 : i32 to index
      %get3A_934 = arith.constant 32 : index
      %get3A_935 = tpu.vector_load %arg12[%get3A_933, %get3A_934] {strides = array<i32>} : memref<2x128xi32, #tpu.memory_space<vmem>>, vector<16xi32>,
      tpu.vector_store_idx %arg14[%get3A_935], %broadcast_in_dim3A_7 {add = true} : memref<10240xf32, #tpu.memory_space<vmem>>[vector<16xi32>], vector<16xf32>,
      %get3A_936 = arith.constant 0 : i32
      %get3A_937 = arith.index_cast %get3A_936 : i32 to index
      %get3A_938 = arith.constant 48 : index
      %get3A_939 = tpu.vector_load %arg12[%get3A_937, %get3A_938] {strides = array<i32>} : memref<2x128xi32, #tpu.memory_space<vmem>>, vector<16xi32>,
      tpu.vector_store_idx %arg14[%get3A_939], %broadcast_in_dim3A_7 {add = true} : memref<10240xf32, #tpu.memory_space<vmem>>[vector<16xi32>], vector<16xf32>,
      %get3A_940 = arith.constant 0 : i32
      %get3A_941 = arith.index_cast %get3A_940 : i32 to index
      %get3A_942 = arith.constant 64 : index
      %get3A_943 = tpu.vector_load %arg12[%get3A_941, %get3A_942] {strides = array<i32>} : memref<2x128xi32, #tpu.memory_space<vmem>>, vector<16xi32>,
      tpu.vector_store_idx %arg14[%get3A_943], %broadcast_in_dim3A_7 {add = true} : memref<10240xf32, #tpu.memory_space<vmem>>[vector<16xi32>], vector<16xf32>,
      %get3A_944 = arith.constant 0 : i32
      %get3A_945 = arith.index_cast %get3A_944 : i32 to index
      %get3A_946 = arith.constant 80 : index
      %get3A_947 = tpu.vector_load %arg12[%get3A_945, %get3A_946] {strides = array<i32>} : memref<2x128xi32, #tpu.memory_space<vmem>>, vector<16xi32>,
      tpu.vector_store_idx %arg14[%get3A_947], %broadcast_in_dim3A_7 {add = true} : memref<10240xf32, #tpu.memory_space<vmem>>[vector<16xi32>], vector<16xf32>,
      %get3A_948 = arith.constant 0 : i32
      %get3A_949 = arith.index_cast %get3A_948 : i32 to index
      %get3A_950 = arith.constant 96 : index
      %get3A_951 = tpu.vector_load %arg12[%get3A_949, %get3A_950] {strides = array<i32>} : memref<2x128xi32, #tpu.memory_space<vmem>>, vector<16xi32>,
      tpu.vector_store_idx %arg14[%get3A_951], %broadcast_in_dim3A_7 {add = true} : memref<10240xf32, #tpu.memory_space<vmem>>[vector<16xi32>], vector<16xf32>,
      %get3A_952 = arith.constant 0 : i32
      %get3A_953 = arith.index_cast %get3A_952 : i32 to index
      %get3A_954 = arith.constant 112 : index
      %get3A_955 = tpu.vector_load %arg12[%get3A_953, %get3A_954] {strides = array<i32>} : memref<2x128xi32, #tpu.memory_space<vmem>>, vector<16xi32>,
      tpu.vector_store_idx %arg14[%get3A_955], %broadcast_in_dim3A_7 {add = true} : memref<10240xf32, #tpu.memory_space<vmem>>[vector<16xi32>], vector<16xf32>,
      %get3A_956 = arith.constant 1 : i32
      %get3A_957 = arith.index_cast %get3A_956 : i32 to index
      %get3A_958 = arith.constant 0 : index
      %get3A_959 = tpu.vector_load %arg12[%get3A_957, %get3A_958] {strides = array<i32>} : memref<2x128xi32, #tpu.memory_space<vmem>>, vector<16xi32>,
      tpu.vector_store_idx %arg14[%get3A_959], %broadcast_in_dim3A_7 {add = true} : memref<10240xf32, #tpu.memory_space<vmem>>[vector<16xi32>], vector<16xf32>,
      %get3A_960 = arith.constant 1 : i32
      %get3A_961 = arith.index_cast %get3A_960 : i32 to index
      %get3A_962 = arith.constant 16 : index
      %get3A_963 = tpu.vector_load %arg12[%get3A_961, %get3A_962] {strides = array<i32>} : memref<2x128xi32, #tpu.memory_space<vmem>>, vector<16xi32>,
      tpu.vector_store_idx %arg14[%get3A_963], %broadcast_in_dim3A_7 {add = true} : memref<10240xf32, #tpu.memory_space<vmem>>[vector<16xi32>], vector<16xf32>,
      %get3A_964 = arith.constant 1 : i32
      %get3A_965 = arith.index_cast %get3A_964 : i32 to index
      %get3A_966 = arith.constant 32 : index
      %get3A_967 = tpu.vector_load %arg12[%get3A_965, %get3A_966] {strides = array<i32>} : memref<2x128xi32, #tpu.memory_space<vmem>>, vector<16xi32>,
      tpu.vector_store_idx %arg14[%get3A_967], %broadcast_in_dim3A_7 {add = true} : memref<10240xf32, #tpu.memory_space<vmem>>[vector<16xi32>], vector<16xf32>,
      %get3A_968 = arith.constant 1 : i32
      %get3A_969 = arith.index_cast %get3A_968 : i32 to index
      %get3A_970 = arith.constant 48 : index
      %get3A_971 = tpu.vector_load %arg12[%get3A_969, %get3A_970] {strides = array<i32>} : memref<2x128xi32, #tpu.memory_space<vmem>>, vector<16xi32>,
      tpu.vector_store_idx %arg14[%get3A_971], %broadcast_in_dim3A_7 {add = true} : memref<10240xf32, #tpu.memory_space<vmem>>[vector<16xi32>], vector<16xf32>,
      %get3A_972 = arith.constant 1 : i32
      %get3A_973 = arith.index_cast %get3A_972 : i32 to index
      %get3A_974 = arith.constant 64 : index
      %get3A_975 = tpu.vector_load %arg12[%get3A_973, %get3A_974] {strides = array<i32>} : memref<2x128xi32, #tpu.memory_space<vmem>>, vector<16xi32>,
      tpu.vector_store_idx %arg14[%get3A_975], %broadcast_in_dim3A_7 {add = true} : memref<10240xf32, #tpu.memory_space<vmem>>[vector<16xi32>], vector<16xf32>,
      %get3A_976 = arith.constant 1 : i32
      %get3A_977 = arith.index_cast %get3A_976 : i32 to index
      %get3A_978 = arith.constant 80 : index
      %get3A_979 = tpu.vector_load %arg12[%get3A_977, %get3A_978] {strides = array<i32>} : memref<2x128xi32, #tpu.memory_space<vmem>>, vector<16xi32>,
      tpu.vector_store_idx %arg14[%get3A_979], %broadcast_in_dim3A_7 {add = true} : memref<10240xf32, #tpu.memory_space<vmem>>[vector<16xi32>], vector<16xf32>,
      %get3A_980 = arith.constant 1 : i32
      %get3A_981 = arith.index_cast %get3A_980 : i32 to index
      %get3A_982 = arith.constant 96 : index
      %get3A_983 = tpu.vector_load %arg12[%get3A_981, %get3A_982] {strides = array<i32>} : memref<2x128xi32, #tpu.memory_space<vmem>>, vector<16xi32>,
      tpu.vector_store_idx %arg14[%get3A_983], %broadcast_in_dim3A_7 {add = true} : memref<10240xf32, #tpu.memory_space<vmem>>[vector<16xi32>], vector<16xf32>,
      %get3A_984 = arith.constant 1 : i32
      %get3A_985 = arith.index_cast %get3A_984 : i32 to index
      %get3A_986 = arith.constant 112 : index
      %get3A_987 = tpu.vector_load %arg12[%get3A_985, %get3A_986] {strides = array<i32>} : memref<2x128xi32, #tpu.memory_space<vmem>>, vector<16xi32>,
      tpu.vector_store_idx %arg14[%get3A_987], %broadcast_in_dim3A_7 {add = true} : memref<10240xf32, #tpu.memory_space<vmem>>[vector<16xi32>], vector<16xf32>,
      %lt3A_988 = arith.constant 25 : i32
      %lt3A_989 = arith.cmpi slt, %scan3A_759, %lt3A_988 : i32
      %convert_element_type3A_990 = arith.extui %lt3A_989 : i1 to i32
      %cond3A_991 = arith.constant 0 : i32
      %cond3A_992 = arith.cmpi ne, %convert_element_type3A_990, %cond3A_991 : i32
      scf.if %cond3A_992 {
        %dma_wait3A_1097 = arith.constant 0 : i32
        %dma_wait3A_1098 = arith.constant 0 : i32
        %dma_wait3A_1099 = arith.constant 0 : i32
        %dma_wait3A_1100 = tpu.memref_slice %arg8[%dma_wait3A_1098, %dma_wait3A_1099] : memref<256x64xf32, #tpu.memory_space<vmem>> -> memref<128x64xf32, #tpu.memory_space<vmem>>
        %dma_wait3A_1101 = arith.constant 0 : i32
        %dma_wait3A_1102 = tpu.memref_slice %arg11[%dma_wait3A_1097, %dma_wait3A_1101] : memref<2x128xi32, #tpu.memory_space<vmem>> -> memref<1x128xi32, #tpu.memory_space<vmem>>
        %dma_wait3A_1103 = tpu.memref_squeeze %dma_wait3A_1102 : memref<1x128xi32, #tpu.memory_space<vmem>> -> memref<128xi32, #tpu.memory_space<vmem>>
        %dma_wait3A_1104 = arith.constant 0 : i32
        %dma_wait3A_1105 = arith.constant 0 : i32
        %dma_wait3A_1106 = tpu.memref_slice %arg6[%dma_wait3A_1104, %dma_wait3A_1105] : memref<10240x64xf32, #tpu.memory_space<vmem_shared>> -> memref<10240x64xf32, #tpu.memory_space<vmem_shared>>
        tpu.wait_indirect_dma semaphore(%arg24 : memref<!tpu.dma_semaphore, #tpu.memory_space<semaphore_mem>>) src(%dma_wait3A_1100 : memref<128x64xf32, #tpu.memory_space<vmem>>) dst(%dma_wait3A_1106 : memref<10240x64xf32, #tpu.memory_space<vmem_shared>>)
        %dma_wait3A_1107 = arith.constant 1 : i32
        %dma_wait3A_1108 = arith.constant 128 : i32
        %dma_wait3A_1109 = arith.constant 0 : i32
        %dma_wait3A_1110 = tpu.memref_slice %arg8[%dma_wait3A_1108, %dma_wait3A_1109] : memref<256x64xf32, #tpu.memory_space<vmem>> -> memref<128x64xf32, #tpu.memory_space<vmem>>
        %dma_wait3A_1111 = arith.constant 0 : i32
        %dma_wait3A_1112 = tpu.memref_slice %arg11[%dma_wait3A_1107, %dma_wait3A_1111] : memref<2x128xi32, #tpu.memory_space<vmem>> -> memref<1x128xi32, #tpu.memory_space<vmem>>
        %dma_wait3A_1113 = tpu.memref_squeeze %dma_wait3A_1112 : memref<1x128xi32, #tpu.memory_space<vmem>> -> memref<128xi32, #tpu.memory_space<vmem>>
        %dma_wait3A_1114 = arith.constant 0 : i32
        %dma_wait3A_1115 = arith.constant 0 : i32
        %dma_wait3A_1116 = tpu.memref_slice %arg6[%dma_wait3A_1114, %dma_wait3A_1115] : memref<10240x64xf32, #tpu.memory_space<vmem_shared>> -> memref<10240x64xf32, #tpu.memory_space<vmem_shared>>
        tpu.wait_indirect_dma semaphore(%arg24 : memref<!tpu.dma_semaphore, #tpu.memory_space<semaphore_mem>>) src(%dma_wait3A_1110 : memref<128x64xf32, #tpu.memory_space<vmem>>) dst(%dma_wait3A_1116 : memref<10240x64xf32, #tpu.memory_space<vmem_shared>>)
        %add3A_1117 = arith.constant 4 : i32
        %add3A_1118 = arith.addi %add3A_895, %add3A_1117 : i32
        %dma_start3A_1119 = arith.constant 0 : i32
        %dma_start3A_1120 = tpu.memref_slice %arg3[%add3A_1118, %dma_start3A_1119] : memref<2500x128xi32, #tpu.memory_space<hbm>> -> memref<2x128xi32, #tpu.memory_space<hbm>>
        %dma_start3A_1121 = arith.constant 0 : i32
        %dma_start3A_1122 = tpu.memref_slice %arg3[%add3A_1118, %dma_start3A_1121] : memref<2500x128xi32, #tpu.memory_space<hbm>> -> memref<2x128xi32, #tpu.memory_space<hbm>>
        tpu.enqueue_dma source(%dma_start3A_1122 : memref<2x128xi32, #tpu.memory_space<hbm>>) target(%arg11 : memref<2x128xi32, #tpu.memory_space<vmem>>) target_semaphore(%arg18 : memref<!tpu.dma_semaphore, #tpu.memory_space<semaphore_mem>>)
        %mul3A_1123 = arith.constant 128 : i32
        %mul3A_1124 = arith.muli %add3A_1118, %mul3A_1123 : i32
        %dma_start3A_1125 = tpu.memref_slice %arg2[%mul3A_1124, %mul3A_0] : memref<320000x128xf32, #tpu.memory_space<hbm>> -> memref<256x64xf32, #tpu.memory_space<hbm>>
        %dma_start3A_1126 = tpu.memref_slice %arg2[%mul3A_1124, %mul3A_0] : memref<320000x128xf32, #tpu.memory_space<hbm>> -> memref<256x64xf32, #tpu.memory_space<hbm>>
        tpu.enqueue_dma source(%dma_start3A_1126 : memref<256x64xf32, #tpu.memory_space<hbm>>) target(%arg8 : memref<256x64xf32, #tpu.memory_space<vmem>>) target_semaphore(%arg19 : memref<!tpu.dma_semaphore, #tpu.memory_space<semaphore_mem>>)
      } else {
      }
      %mul3A_993 = arith.constant 3 : i32
      %mul3A_994 = arith.muli %mul3A_993, %scan3A_759 : i32
      %add3A_995 = arith.constant 2 : i32
      %add3A_996 = arith.addi %mul3A_994, %add3A_995 : i32
      %mul3A_997 = arith.constant 2 : i32
      %mul3A_998 = arith.muli %add3A_996, %mul3A_997 : i32
      %add3A_999 = arith.addi %mul3A_4, %mul3A_998 : i32
      %dma_wait3A_1000 = arith.constant 0 : i32
      %dma_wait3A_1001 = tpu.memref_slice %arg3[%add3A_999, %dma_wait3A_1000] : memref<2500x128xi32, #tpu.memory_space<hbm>> -> memref<2x128xi32, #tpu.memory_space<hbm>>
      %dma_wait3A_1002 = arith.constant 0 : i32
      %dma_wait3A_1003 = tpu.memref_slice %arg3[%add3A_999, %dma_wait3A_1002] : memref<2500x128xi32, #tpu.memory_space<hbm>> -> memref<2x128xi32, #tpu.memory_space<hbm>>
      tpu.wait_dma2 semaphore(%arg22 : memref<!tpu.dma_semaphore, #tpu.memory_space<semaphore_mem>>) src(%dma_wait3A_1003 : memref<2x128xi32, #tpu.memory_space<hbm>>) dst(%arg13 : memref<2x128xi32, #tpu.memory_space<vmem>>)
      %mul3A_1004 = arith.constant 128 : i32
      %mul3A_1005 = arith.muli %add3A_999, %mul3A_1004 : i32
      %dma_wait3A_1006 = tpu.memref_slice %arg2[%mul3A_1005, %mul3A_0] : memref<320000x128xf32, #tpu.memory_space<hbm>> -> memref<256x64xf32, #tpu.memory_space<hbm>>
      %dma_wait3A_1007 = tpu.memref_slice %arg2[%mul3A_1005, %mul3A_0] : memref<320000x128xf32, #tpu.memory_space<hbm>> -> memref<256x64xf32, #tpu.memory_space<hbm>>
      tpu.wait_dma2 semaphore(%arg23 : memref<!tpu.dma_semaphore, #tpu.memory_space<semaphore_mem>>) src(%dma_wait3A_1007 : memref<256x64xf32, #tpu.memory_space<hbm>>) dst(%arg10 : memref<256x64xf32, #tpu.memory_space<vmem>>)
      %dma_start3A_1008 = arith.constant 0 : i32
      %dma_start3A_1009 = arith.constant 0 : i32
      %dma_start3A_1010 = arith.constant 0 : i32
      %dma_start3A_1011 = tpu.memref_slice %arg10[%dma_start3A_1009, %dma_start3A_1010] : memref<256x64xf32, #tpu.memory_space<vmem>> -> memref<128x64xf32, #tpu.memory_space<vmem>>
      %dma_start3A_1012 = arith.constant 0 : i32
      %dma_start3A_1013 = tpu.memref_slice %arg13[%dma_start3A_1008, %dma_start3A_1012] : memref<2x128xi32, #tpu.memory_space<vmem>> -> memref<1x128xi32, #tpu.memory_space<vmem>>
      %dma_start3A_1014 = tpu.memref_squeeze %dma_start3A_1013 : memref<1x128xi32, #tpu.memory_space<vmem>> -> memref<128xi32, #tpu.memory_space<vmem>>
      %dma_start3A_1015 = arith.constant 0 : i32
      %dma_start3A_1016 = arith.constant 0 : i32
      %dma_start3A_1017 = tpu.memref_slice %arg6[%dma_start3A_1015, %dma_start3A_1016] : memref<10240x64xf32, #tpu.memory_space<vmem_shared>> -> memref<10240x64xf32, #tpu.memory_space<vmem_shared>>
      tpu.enqueue_indirect_dma source(%dma_start3A_1011 : memref<128x64xf32, #tpu.memory_space<vmem>>) target(%dma_start3A_1017 : memref<10240x64xf32, #tpu.memory_space<vmem_shared>>) offsets(%dma_start3A_1014 : memref<128xi32, #tpu.memory_space<vmem>>) semaphore(%arg26 : memref<!tpu.dma_semaphore, #tpu.memory_space<semaphore_mem>>) {add = true}
      %dma_start3A_1018 = arith.constant 1 : i32
      %dma_start3A_1019 = arith.constant 128 : i32
      %dma_start3A_1020 = arith.constant 0 : i32
      %dma_start3A_1021 = tpu.memref_slice %arg10[%dma_start3A_1019, %dma_start3A_1020] : memref<256x64xf32, #tpu.memory_space<vmem>> -> memref<128x64xf32, #tpu.memory_space<vmem>>
      %dma_start3A_1022 = arith.constant 0 : i32
      %dma_start3A_1023 = tpu.memref_slice %arg13[%dma_start3A_1018, %dma_start3A_1022] : memref<2x128xi32, #tpu.memory_space<vmem>> -> memref<1x128xi32, #tpu.memory_space<vmem>>
      %dma_start3A_1024 = tpu.memref_squeeze %dma_start3A_1023 : memref<1x128xi32, #tpu.memory_space<vmem>> -> memref<128xi32, #tpu.memory_space<vmem>>
      %dma_start3A_1025 = arith.constant 0 : i32
      %dma_start3A_1026 = arith.constant 0 : i32
      %dma_start3A_1027 = tpu.memref_slice %arg6[%dma_start3A_1025, %dma_start3A_1026] : memref<10240x64xf32, #tpu.memory_space<vmem_shared>> -> memref<10240x64xf32, #tpu.memory_space<vmem_shared>>
      tpu.enqueue_indirect_dma source(%dma_start3A_1021 : memref<128x64xf32, #tpu.memory_space<vmem>>) target(%dma_start3A_1027 : memref<10240x64xf32, #tpu.memory_space<vmem_shared>>) offsets(%dma_start3A_1024 : memref<128xi32, #tpu.memory_space<vmem>>) semaphore(%arg26 : memref<!tpu.dma_semaphore, #tpu.memory_space<semaphore_mem>>) {add = true}
      %get3A_1028 = arith.constant 0 : i32
      %get3A_1029 = arith.index_cast %get3A_1028 : i32 to index
      %get3A_1030 = arith.constant 0 : index
      %get3A_1031 = tpu.vector_load %arg13[%get3A_1029, %get3A_1030] {strides = array<i32>} : memref<2x128xi32, #tpu.memory_space<vmem>>, vector<16xi32>,
      tpu.vector_store_idx %arg14[%get3A_1031], %broadcast_in_dim3A_7 {add = true} : memref<10240xf32, #tpu.memory_space<vmem>>[vector<16xi32>], vector<16xf32>,
      %get3A_1032 = arith.constant 0 : i32
      %get3A_1033 = arith.index_cast %get3A_1032 : i32 to index
      %get3A_1034 = arith.constant 16 : index
      %get3A_1035 = tpu.vector_load %arg13[%get3A_1033, %get3A_1034] {strides = array<i32>} : memref<2x128xi32, #tpu.memory_space<vmem>>, vector<16xi32>,
      tpu.vector_store_idx %arg14[%get3A_1035], %broadcast_in_dim3A_7 {add = true} : memref<10240xf32, #tpu.memory_space<vmem>>[vector<16xi32>], vector<16xf32>,
      %get3A_1036 = arith.constant 0 : i32
      %get3A_1037 = arith.index_cast %get3A_1036 : i32 to index
      %get3A_1038 = arith.constant 32 : index
      %get3A_1039 = tpu.vector_load %arg13[%get3A_1037, %get3A_1038] {strides = array<i32>} : memref<2x128xi32, #tpu.memory_space<vmem>>, vector<16xi32>,
      tpu.vector_store_idx %arg14[%get3A_1039], %broadcast_in_dim3A_7 {add = true} : memref<10240xf32, #tpu.memory_space<vmem>>[vector<16xi32>], vector<16xf32>,
      %get3A_1040 = arith.constant 0 : i32
      %get3A_1041 = arith.index_cast %get3A_1040 : i32 to index
      %get3A_1042 = arith.constant 48 : index
      %get3A_1043 = tpu.vector_load %arg13[%get3A_1041, %get3A_1042] {strides = array<i32>} : memref<2x128xi32, #tpu.memory_space<vmem>>, vector<16xi32>,
      tpu.vector_store_idx %arg14[%get3A_1043], %broadcast_in_dim3A_7 {add = true} : memref<10240xf32, #tpu.memory_space<vmem>>[vector<16xi32>], vector<16xf32>,
      %get3A_1044 = arith.constant 0 : i32
      %get3A_1045 = arith.index_cast %get3A_1044 : i32 to index
      %get3A_1046 = arith.constant 64 : index
      %get3A_1047 = tpu.vector_load %arg13[%get3A_1045, %get3A_1046] {strides = array<i32>} : memref<2x128xi32, #tpu.memory_space<vmem>>, vector<16xi32>,
      tpu.vector_store_idx %arg14[%get3A_1047], %broadcast_in_dim3A_7 {add = true} : memref<10240xf32, #tpu.memory_space<vmem>>[vector<16xi32>], vector<16xf32>,
      %get3A_1048 = arith.constant 0 : i32
      %get3A_1049 = arith.index_cast %get3A_1048 : i32 to index
      %get3A_1050 = arith.constant 80 : index
      %get3A_1051 = tpu.vector_load %arg13[%get3A_1049, %get3A_1050] {strides = array<i32>} : memref<2x128xi32, #tpu.memory_space<vmem>>, vector<16xi32>,
      tpu.vector_store_idx %arg14[%get3A_1051], %broadcast_in_dim3A_7 {add = true} : memref<10240xf32, #tpu.memory_space<vmem>>[vector<16xi32>], vector<16xf32>,
      %get3A_1052 = arith.constant 0 : i32
      %get3A_1053 = arith.index_cast %get3A_1052 : i32 to index
      %get3A_1054 = arith.constant 96 : index
      %get3A_1055 = tpu.vector_load %arg13[%get3A_1053, %get3A_1054] {strides = array<i32>} : memref<2x128xi32, #tpu.memory_space<vmem>>, vector<16xi32>,
      tpu.vector_store_idx %arg14[%get3A_1055], %broadcast_in_dim3A_7 {add = true} : memref<10240xf32, #tpu.memory_space<vmem>>[vector<16xi32>], vector<16xf32>,
      %get3A_1056 = arith.constant 0 : i32
      %get3A_1057 = arith.index_cast %get3A_1056 : i32 to index
      %get3A_1058 = arith.constant 112 : index
      %get3A_1059 = tpu.vector_load %arg13[%get3A_1057, %get3A_1058] {strides = array<i32>} : memref<2x128xi32, #tpu.memory_space<vmem>>, vector<16xi32>,
      tpu.vector_store_idx %arg14[%get3A_1059], %broadcast_in_dim3A_7 {add = true} : memref<10240xf32, #tpu.memory_space<vmem>>[vector<16xi32>], vector<16xf32>,
      %get3A_1060 = arith.constant 1 : i32
      %get3A_1061 = arith.index_cast %get3A_1060 : i32 to index
      %get3A_1062 = arith.constant 0 : index
      %get3A_1063 = tpu.vector_load %arg13[%get3A_1061, %get3A_1062] {strides = array<i32>} : memref<2x128xi32, #tpu.memory_space<vmem>>, vector<16xi32>,
      tpu.vector_store_idx %arg14[%get3A_1063], %broadcast_in_dim3A_7 {add = true} : memref<10240xf32, #tpu.memory_space<vmem>>[vector<16xi32>], vector<16xf32>,
      %get3A_1064 = arith.constant 1 : i32
      %get3A_1065 = arith.index_cast %get3A_1064 : i32 to index
      %get3A_1066 = arith.constant 16 : index
      %get3A_1067 = tpu.vector_load %arg13[%get3A_1065, %get3A_1066] {strides = array<i32>} : memref<2x128xi32, #tpu.memory_space<vmem>>, vector<16xi32>,
      tpu.vector_store_idx %arg14[%get3A_1067], %broadcast_in_dim3A_7 {add = true} : memref<10240xf32, #tpu.memory_space<vmem>>[vector<16xi32>], vector<16xf32>,
      %get3A_1068 = arith.constant 1 : i32
      %get3A_1069 = arith.index_cast %get3A_1068 : i32 to index
      %get3A_1070 = arith.constant 32 : index
      %get3A_1071 = tpu.vector_load %arg13[%get3A_1069, %get3A_1070] {strides = array<i32>} : memref<2x128xi32, #tpu.memory_space<vmem>>, vector<16xi32>,
      tpu.vector_store_idx %arg14[%get3A_1071], %broadcast_in_dim3A_7 {add = true} : memref<10240xf32, #tpu.memory_space<vmem>>[vector<16xi32>], vector<16xf32>,
      %get3A_1072 = arith.constant 1 : i32
      %get3A_1073 = arith.index_cast %get3A_1072 : i32 to index
      %get3A_1074 = arith.constant 48 : index
      %get3A_1075 = tpu.vector_load %arg13[%get3A_1073, %get3A_1074] {strides = array<i32>} : memref<2x128xi32, #tpu.memory_space<vmem>>, vector<16xi32>,
      tpu.vector_store_idx %arg14[%get3A_1075], %broadcast_in_dim3A_7 {add = true} : memref<10240xf32, #tpu.memory_space<vmem>>[vector<16xi32>], vector<16xf32>,
      %get3A_1076 = arith.constant 1 : i32
      %get3A_1077 = arith.index_cast %get3A_1076 : i32 to index
      %get3A_1078 = arith.constant 64 : index
      %get3A_1079 = tpu.vector_load %arg13[%get3A_1077, %get3A_1078] {strides = array<i32>} : memref<2x128xi32, #tpu.memory_space<vmem>>, vector<16xi32>,
      tpu.vector_store_idx %arg14[%get3A_1079], %broadcast_in_dim3A_7 {add = true} : memref<10240xf32, #tpu.memory_space<vmem>>[vector<16xi32>], vector<16xf32>,
      %get3A_1080 = arith.constant 1 : i32
      %get3A_1081 = arith.index_cast %get3A_1080 : i32 to index
      %get3A_1082 = arith.constant 80 : index
      %get3A_1083 = tpu.vector_load %arg13[%get3A_1081, %get3A_1082] {strides = array<i32>} : memref<2x128xi32, #tpu.memory_space<vmem>>, vector<16xi32>,
      tpu.vector_store_idx %arg14[%get3A_1083], %broadcast_in_dim3A_7 {add = true} : memref<10240xf32, #tpu.memory_space<vmem>>[vector<16xi32>], vector<16xf32>,
      %get3A_1084 = arith.constant 1 : i32
      %get3A_1085 = arith.index_cast %get3A_1084 : i32 to index
      %get3A_1086 = arith.constant 96 : index
      %get3A_1087 = tpu.vector_load %arg13[%get3A_1085, %get3A_1086] {strides = array<i32>} : memref<2x128xi32, #tpu.memory_space<vmem>>, vector<16xi32>,
      tpu.vector_store_idx %arg14[%get3A_1087], %broadcast_in_dim3A_7 {add = true} : memref<10240xf32, #tpu.memory_space<vmem>>[vector<16xi32>], vector<16xf32>,
      %get3A_1088 = arith.constant 1 : i32
      %get3A_1089 = arith.index_cast %get3A_1088 : i32 to index
      %get3A_1090 = arith.constant 112 : index
      %get3A_1091 = tpu.vector_load %arg13[%get3A_1089, %get3A_1090] {strides = array<i32>} : memref<2x128xi32, #tpu.memory_space<vmem>>, vector<16xi32>,
      tpu.vector_store_idx %arg14[%get3A_1091], %broadcast_in_dim3A_7 {add = true} : memref<10240xf32, #tpu.memory_space<vmem>>[vector<16xi32>], vector<16xf32>,
      %lt3A_1092 = arith.constant 25 : i32
      %lt3A_1093 = arith.cmpi slt, %scan3A_759, %lt3A_1092 : i32
      %convert_element_type3A_1094 = arith.extui %lt3A_1093 : i1 to i32
      %cond3A_1095 = arith.constant 0 : i32
      %cond3A_1096 = arith.cmpi ne, %convert_element_type3A_1094, %cond3A_1095 : i32
      scf.if %cond3A_1096 {
        %dma_wait3A_1097 = arith.constant 0 : i32
        %dma_wait3A_1098 = arith.constant 0 : i32
        %dma_wait3A_1099 = arith.constant 0 : i32
        %dma_wait3A_1100 = tpu.memref_slice %arg9[%dma_wait3A_1098, %dma_wait3A_1099] : memref<256x64xf32, #tpu.memory_space<vmem>> -> memref<128x64xf32, #tpu.memory_space<vmem>>
        %dma_wait3A_1101 = arith.constant 0 : i32
        %dma_wait3A_1102 = tpu.memref_slice %arg12[%dma_wait3A_1097, %dma_wait3A_1101] : memref<2x128xi32, #tpu.memory_space<vmem>> -> memref<1x128xi32, #tpu.memory_space<vmem>>
        %dma_wait3A_1103 = tpu.memref_squeeze %dma_wait3A_1102 : memref<1x128xi32, #tpu.memory_space<vmem>> -> memref<128xi32, #tpu.memory_space<vmem>>
        %dma_wait3A_1104 = arith.constant 0 : i32
        %dma_wait3A_1105 = arith.constant 0 : i32
        %dma_wait3A_1106 = tpu.memref_slice %arg6[%dma_wait3A_1104, %dma_wait3A_1105] : memref<10240x64xf32, #tpu.memory_space<vmem_shared>> -> memref<10240x64xf32, #tpu.memory_space<vmem_shared>>
        tpu.wait_indirect_dma semaphore(%arg25 : memref<!tpu.dma_semaphore, #tpu.memory_space<semaphore_mem>>) src(%dma_wait3A_1100 : memref<128x64xf32, #tpu.memory_space<vmem>>) dst(%dma_wait3A_1106 : memref<10240x64xf32, #tpu.memory_space<vmem_shared>>)
        %dma_wait3A_1107 = arith.constant 1 : i32
        %dma_wait3A_1108 = arith.constant 128 : i32
        %dma_wait3A_1109 = arith.constant 0 : i32
        %dma_wait3A_1110 = tpu.memref_slice %arg9[%dma_wait3A_1108, %dma_wait3A_1109] : memref<256x64xf32, #tpu.memory_space<vmem>> -> memref<128x64xf32, #tpu.memory_space<vmem>>
        %dma_wait3A_1111 = arith.constant 0 : i32
        %dma_wait3A_1112 = tpu.memref_slice %arg12[%dma_wait3A_1107, %dma_wait3A_1111] : memref<2x128xi32, #tpu.memory_space<vmem>> -> memref<1x128xi32, #tpu.memory_space<vmem>>
        %dma_wait3A_1113 = tpu.memref_squeeze %dma_wait3A_1112 : memref<1x128xi32, #tpu.memory_space<vmem>> -> memref<128xi32, #tpu.memory_space<vmem>>
        %dma_wait3A_1114 = arith.constant 0 : i32
        %dma_wait3A_1115 = arith.constant 0 : i32
        %dma_wait3A_1116 = tpu.memref_slice %arg6[%dma_wait3A_1114, %dma_wait3A_1115] : memref<10240x64xf32, #tpu.memory_space<vmem_shared>> -> memref<10240x64xf32, #tpu.memory_space<vmem_shared>>
        tpu.wait_indirect_dma semaphore(%arg25 : memref<!tpu.dma_semaphore, #tpu.memory_space<semaphore_mem>>) src(%dma_wait3A_1110 : memref<128x64xf32, #tpu.memory_space<vmem>>) dst(%dma_wait3A_1116 : memref<10240x64xf32, #tpu.memory_space<vmem_shared>>)
        %add3A_1117 = arith.constant 4 : i32
        %add3A_1118 = arith.addi %add3A_999, %add3A_1117 : i32
        %dma_start3A_1119 = arith.constant 0 : i32
        %dma_start3A_1120 = tpu.memref_slice %arg3[%add3A_1118, %dma_start3A_1119] : memref<2500x128xi32, #tpu.memory_space<hbm>> -> memref<2x128xi32, #tpu.memory_space<hbm>>
        %dma_start3A_1121 = arith.constant 0 : i32
        %dma_start3A_1122 = tpu.memref_slice %arg3[%add3A_1118, %dma_start3A_1121] : memref<2500x128xi32, #tpu.memory_space<hbm>> -> memref<2x128xi32, #tpu.memory_space<hbm>>
        tpu.enqueue_dma source(%dma_start3A_1122 : memref<2x128xi32, #tpu.memory_space<hbm>>) target(%arg12 : memref<2x128xi32, #tpu.memory_space<vmem>>) target_semaphore(%arg20 : memref<!tpu.dma_semaphore, #tpu.memory_space<semaphore_mem>>)
        %mul3A_1123 = arith.constant 128 : i32
        %mul3A_1124 = arith.muli %add3A_1118, %mul3A_1123 : i32
        %dma_start3A_1125 = tpu.memref_slice %arg2[%mul3A_1124, %mul3A_0] : memref<320000x128xf32, #tpu.memory_space<hbm>> -> memref<256x64xf32, #tpu.memory_space<hbm>>
        %dma_start3A_1126 = tpu.memref_slice %arg2[%mul3A_1124, %mul3A_0] : memref<320000x128xf32, #tpu.memory_space<hbm>> -> memref<256x64xf32, #tpu.memory_space<hbm>>
        tpu.enqueue_dma source(%dma_start3A_1126 : memref<256x64xf32, #tpu.memory_space<hbm>>) target(%arg9 : memref<256x64xf32, #tpu.memory_space<vmem>>) target_semaphore(%arg21 : memref<!tpu.dma_semaphore, #tpu.memory_space<semaphore_mem>>)
      } else {
      }
    }
    %scan3A_640 = arith.constant 25 : i32
    %dma_wait3A_641 = arith.constant 0 : i32
    %dma_wait3A_642 = arith.constant 0 : i32
    %dma_wait3A_643 = arith.constant 0 : i32
    %dma_wait3A_644 = tpu.memref_slice %arg8[%dma_wait3A_642, %dma_wait3A_643] : memref<256x64xf32, #tpu.memory_space<vmem>> -> memref<128x64xf32, #tpu.memory_space<vmem>>
    %dma_wait3A_645 = arith.constant 0 : i32
    %dma_wait3A_646 = tpu.memref_slice %arg11[%dma_wait3A_641, %dma_wait3A_645] : memref<2x128xi32, #tpu.memory_space<vmem>> -> memref<1x128xi32, #tpu.memory_space<vmem>>
    %dma_wait3A_647 = tpu.memref_squeeze %dma_wait3A_646 : memref<1x128xi32, #tpu.memory_space<vmem>> -> memref<128xi32, #tpu.memory_space<vmem>>
    %dma_wait3A_648 = arith.constant 0 : i32
    %dma_wait3A_649 = arith.constant 0 : i32
    %dma_wait3A_650 = tpu.memref_slice %arg6[%dma_wait3A_648, %dma_wait3A_649] : memref<10240x64xf32, #tpu.memory_space<vmem_shared>> -> memref<10240x64xf32, #tpu.memory_space<vmem_shared>>
    tpu.wait_indirect_dma semaphore(%arg24 : memref<!tpu.dma_semaphore, #tpu.memory_space<semaphore_mem>>) src(%dma_wait3A_644 : memref<128x64xf32, #tpu.memory_space<vmem>>) dst(%dma_wait3A_650 : memref<10240x64xf32, #tpu.memory_space<vmem_shared>>)
    %dma_wait3A_651 = arith.constant 1 : i32
    %dma_wait3A_652 = arith.constant 128 : i32
    %dma_wait3A_653 = arith.constant 0 : i32
    %dma_wait3A_654 = tpu.memref_slice %arg8[%dma_wait3A_652, %dma_wait3A_653] : memref<256x64xf32, #tpu.memory_space<vmem>> -> memref<128x64xf32, #tpu.memory_space<vmem>>
    %dma_wait3A_655 = arith.constant 0 : i32
    %dma_wait3A_656 = tpu.memref_slice %arg11[%dma_wait3A_651, %dma_wait3A_655] : memref<2x128xi32, #tpu.memory_space<vmem>> -> memref<1x128xi32, #tpu.memory_space<vmem>>
    %dma_wait3A_657 = tpu.memref_squeeze %dma_wait3A_656 : memref<1x128xi32, #tpu.memory_space<vmem>> -> memref<128xi32, #tpu.memory_space<vmem>>
    %dma_wait3A_658 = arith.constant 0 : i32
    %dma_wait3A_659 = arith.constant 0 : i32
    %dma_wait3A_660 = tpu.memref_slice %arg6[%dma_wait3A_658, %dma_wait3A_659] : memref<10240x64xf32, #tpu.memory_space<vmem_shared>> -> memref<10240x64xf32, #tpu.memory_space<vmem_shared>>
    tpu.wait_indirect_dma semaphore(%arg24 : memref<!tpu.dma_semaphore, #tpu.memory_space<semaphore_mem>>) src(%dma_wait3A_654 : memref<128x64xf32, #tpu.memory_space<vmem>>) dst(%dma_wait3A_660 : memref<10240x64xf32, #tpu.memory_space<vmem_shared>>)
    %dma_wait3A_661 = arith.constant 0 : i32
    %dma_wait3A_662 = arith.constant 0 : i32
    %dma_wait3A_663 = arith.constant 0 : i32
    %dma_wait3A_664 = tpu.memref_slice %arg9[%dma_wait3A_662, %dma_wait3A_663] : memref<256x64xf32, #tpu.memory_space<vmem>> -> memref<128x64xf32, #tpu.memory_space<vmem>>
    %dma_wait3A_665 = arith.constant 0 : i32
    %dma_wait3A_666 = tpu.memref_slice %arg12[%dma_wait3A_661, %dma_wait3A_665] : memref<2x128xi32, #tpu.memory_space<vmem>> -> memref<1x128xi32, #tpu.memory_space<vmem>>
    %dma_wait3A_667 = tpu.memref_squeeze %dma_wait3A_666 : memref<1x128xi32, #tpu.memory_space<vmem>> -> memref<128xi32, #tpu.memory_space<vmem>>
    %dma_wait3A_668 = arith.constant 0 : i32
    %dma_wait3A_669 = arith.constant 0 : i32
    %dma_wait3A_670 = tpu.memref_slice %arg6[%dma_wait3A_668, %dma_wait3A_669] : memref<10240x64xf32, #tpu.memory_space<vmem_shared>> -> memref<10240x64xf32, #tpu.memory_space<vmem_shared>>
    tpu.wait_indirect_dma semaphore(%arg25 : memref<!tpu.dma_semaphore, #tpu.memory_space<semaphore_mem>>) src(%dma_wait3A_664 : memref<128x64xf32, #tpu.memory_space<vmem>>) dst(%dma_wait3A_670 : memref<10240x64xf32, #tpu.memory_space<vmem_shared>>)
    %dma_wait3A_671 = arith.constant 1 : i32
    %dma_wait3A_672 = arith.constant 128 : i32
    %dma_wait3A_673 = arith.constant 0 : i32
    %dma_wait3A_674 = tpu.memref_slice %arg9[%dma_wait3A_672, %dma_wait3A_673] : memref<256x64xf32, #tpu.memory_space<vmem>> -> memref<128x64xf32, #tpu.memory_space<vmem>>
    %dma_wait3A_675 = arith.constant 0 : i32
    %dma_wait3A_676 = tpu.memref_slice %arg12[%dma_wait3A_671, %dma_wait3A_675] : memref<2x128xi32, #tpu.memory_space<vmem>> -> memref<1x128xi32, #tpu.memory_space<vmem>>
    %dma_wait3A_677 = tpu.memref_squeeze %dma_wait3A_676 : memref<1x128xi32, #tpu.memory_space<vmem>> -> memref<128xi32, #tpu.memory_space<vmem>>
    %dma_wait3A_678 = arith.constant 0 : i32
    %dma_wait3A_679 = arith.constant 0 : i32
    %dma_wait3A_680 = tpu.memref_slice %arg6[%dma_wait3A_678, %dma_wait3A_679] : memref<10240x64xf32, #tpu.memory_space<vmem_shared>> -> memref<10240x64xf32, #tpu.memory_space<vmem_shared>>
    tpu.wait_indirect_dma semaphore(%arg25 : memref<!tpu.dma_semaphore, #tpu.memory_space<semaphore_mem>>) src(%dma_wait3A_674 : memref<128x64xf32, #tpu.memory_space<vmem>>) dst(%dma_wait3A_680 : memref<10240x64xf32, #tpu.memory_space<vmem_shared>>)
    %dma_wait3A_681 = arith.constant 0 : i32
    %dma_wait3A_682 = arith.constant 0 : i32
    %dma_wait3A_683 = arith.constant 0 : i32
    %dma_wait3A_684 = tpu.memref_slice %arg10[%dma_wait3A_682, %dma_wait3A_683] : memref<256x64xf32, #tpu.memory_space<vmem>> -> memref<128x64xf32, #tpu.memory_space<vmem>>
    %dma_wait3A_685 = arith.constant 0 : i32
    %dma_wait3A_686 = tpu.memref_slice %arg13[%dma_wait3A_681, %dma_wait3A_685] : memref<2x128xi32, #tpu.memory_space<vmem>> -> memref<1x128xi32, #tpu.memory_space<vmem>>
    %dma_wait3A_687 = tpu.memref_squeeze %dma_wait3A_686 : memref<1x128xi32, #tpu.memory_space<vmem>> -> memref<128xi32, #tpu.memory_space<vmem>>
    %dma_wait3A_688 = arith.constant 0 : i32
    %dma_wait3A_689 = arith.constant 0 : i32
    %dma_wait3A_690 = tpu.memref_slice %arg6[%dma_wait3A_688, %dma_wait3A_689] : memref<10240x64xf32, #tpu.memory_space<vmem_shared>> -> memref<10240x64xf32, #tpu.memory_space<vmem_shared>>
    tpu.wait_indirect_dma semaphore(%arg26 : memref<!tpu.dma_semaphore, #tpu.memory_space<semaphore_mem>>) src(%dma_wait3A_684 : memref<128x64xf32, #tpu.memory_space<vmem>>) dst(%dma_wait3A_690 : memref<10240x64xf32, #tpu.memory_space<vmem_shared>>)
    %dma_wait3A_691 = arith.constant 1 : i32
    %dma_wait3A_692 = arith.constant 128 : i32
    %dma_wait3A_693 = arith.constant 0 : i32
    %dma_wait3A_694 = tpu.memref_slice %arg10[%dma_wait3A_692, %dma_wait3A_693] : memref<256x64xf32, #tpu.memory_space<vmem>> -> memref<128x64xf32, #tpu.memory_space<vmem>>
    %dma_wait3A_695 = arith.constant 0 : i32
    %dma_wait3A_696 = tpu.memref_slice %arg13[%dma_wait3A_691, %dma_wait3A_695] : memref<2x128xi32, #tpu.memory_space<vmem>> -> memref<1x128xi32, #tpu.memory_space<vmem>>
    %dma_wait3A_697 = tpu.memref_squeeze %dma_wait3A_696 : memref<1x128xi32, #tpu.memory_space<vmem>> -> memref<128xi32, #tpu.memory_space<vmem>>
    %dma_wait3A_698 = arith.constant 0 : i32
    %dma_wait3A_699 = arith.constant 0 : i32
    %dma_wait3A_700 = tpu.memref_slice %arg6[%dma_wait3A_698, %dma_wait3A_699] : memref<10240x64xf32, #tpu.memory_space<vmem_shared>> -> memref<10240x64xf32, #tpu.memory_space<vmem_shared>>
    tpu.wait_indirect_dma semaphore(%arg26 : memref<!tpu.dma_semaphore, #tpu.memory_space<semaphore_mem>>) src(%dma_wait3A_694 : memref<128x64xf32, #tpu.memory_space<vmem>>) dst(%dma_wait3A_700 : memref<10240x64xf32, #tpu.memory_space<vmem_shared>>)
    %lt3A = arith.constant 4 : i32
    %lt3A_701 = arith.cmpi slt, %arg1, %lt3A : i32
    %convert_element_type3A = arith.extui %lt3A_701 : i1 to i32
    %cond3A = arith.constant 0 : i32
    %cond3A_702 = arith.cmpi ne, %convert_element_type3A, %cond3A : i32
    scf.if %cond3A_702 {
      %add3A_759 = arith.constant 2496 : i32
      %add3A_760 = arith.addi %add3A_759, %arg1 : i32
      %mul3A_761 = arith.constant 128 : i32
      %mul3A_762 = arith.muli %add3A_760, %mul3A_761 : i32
      "tpu.region"() ({
        %run_scoped3A_795 = tpu.sem_alloc : memref<!tpu.dma_semaphore, #tpu.memory_space<semaphore_mem>>
        %dma_start3A_796 = arith.constant 0 : i32
        %dma_start3A_797 = arith.constant 0 : i32
        %dma_start3A_798 = tpu.memref_slice %arg11[%dma_start3A_796, %dma_start3A_797] : memref<2x128xi32, #tpu.memory_space<vmem>> -> memref<1x128xi32, #tpu.memory_space<vmem>>
        %dma_start3A_799 = arith.constant 0 : i32
        %dma_start3A_800 = tpu.memref_slice %arg3[%add3A_760, %dma_start3A_799] : memref<2500x128xi32, #tpu.memory_space<hbm>> -> memref<1x128xi32, #tpu.memory_space<hbm>>
        %dma_start3A_801 = arith.constant 0 : i32
        %dma_start3A_802 = arith.constant 0 : i32
        %dma_start3A_803 = tpu.memref_slice %arg11[%dma_start3A_801, %dma_start3A_802] : memref<2x128xi32, #tpu.memory_space<vmem>> -> memref<1x128xi32, #tpu.memory_space<vmem>>
        %dma_start3A_804 = arith.constant 0 : i32
        %dma_start3A_805 = tpu.memref_slice %arg3[%add3A_760, %dma_start3A_804] : memref<2500x128xi32, #tpu.memory_space<hbm>> -> memref<1x128xi32, #tpu.memory_space<hbm>>
        tpu.enqueue_dma source(%dma_start3A_805 : memref<1x128xi32, #tpu.memory_space<hbm>>) target(%dma_start3A_803 : memref<1x128xi32, #tpu.memory_space<vmem>>) target_semaphore(%run_scoped3A_795 : memref<!tpu.dma_semaphore, #tpu.memory_space<semaphore_mem>>)
        %dma_wait3A_806 = arith.constant 0 : i32
        %dma_wait3A_807 = arith.constant 0 : i32
        %dma_wait3A_808 = tpu.memref_slice %arg11[%dma_wait3A_806, %dma_wait3A_807] : memref<2x128xi32, #tpu.memory_space<vmem>> -> memref<1x128xi32, #tpu.memory_space<vmem>>
        %dma_wait3A_809 = arith.constant 0 : i32
        %dma_wait3A_810 = tpu.memref_slice %arg3[%add3A_760, %dma_wait3A_809] : memref<2500x128xi32, #tpu.memory_space<hbm>> -> memref<1x128xi32, #tpu.memory_space<hbm>>
        %dma_wait3A_811 = arith.constant 0 : i32
        %dma_wait3A_812 = arith.constant 0 : i32
        %dma_wait3A_813 = tpu.memref_slice %arg11[%dma_wait3A_811, %dma_wait3A_812] : memref<2x128xi32, #tpu.memory_space<vmem>> -> memref<1x128xi32, #tpu.memory_space<vmem>>
        %dma_wait3A_814 = arith.constant 0 : i32
        %dma_wait3A_815 = tpu.memref_slice %arg3[%add3A_760, %dma_wait3A_814] : memref<2500x128xi32, #tpu.memory_space<hbm>> -> memref<1x128xi32, #tpu.memory_space<hbm>>
        tpu.wait_dma2 semaphore(%run_scoped3A_795 : memref<!tpu.dma_semaphore, #tpu.memory_space<semaphore_mem>>) src(%dma_wait3A_815 : memref<1x128xi32, #tpu.memory_space<hbm>>) dst(%dma_wait3A_813 : memref<1x128xi32, #tpu.memory_space<vmem>>)
        tpu.yield
      }) : () -> ()
      "tpu.region"() ({
        %run_scoped3A_795 = tpu.sem_alloc : memref<!tpu.dma_semaphore, #tpu.memory_space<semaphore_mem>>
        %dma_start3A_796 = arith.constant 0 : i32
        %dma_start3A_797 = arith.constant 0 : i32
        %dma_start3A_798 = tpu.memref_slice %arg8[%dma_start3A_796, %dma_start3A_797] : memref<256x64xf32, #tpu.memory_space<vmem>> -> memref<128x64xf32, #tpu.memory_space<vmem>>
        %dma_start3A_799 = tpu.memref_slice %arg2[%mul3A_762, %mul3A_0] : memref<320000x128xf32, #tpu.memory_space<hbm>> -> memref<128x64xf32, #tpu.memory_space<hbm>>
        %dma_start3A_800 = arith.constant 0 : i32
        %dma_start3A_801 = arith.constant 0 : i32
        %dma_start3A_802 = tpu.memref_slice %arg8[%dma_start3A_800, %dma_start3A_801] : memref<256x64xf32, #tpu.memory_space<vmem>> -> memref<128x64xf32, #tpu.memory_space<vmem>>
        %dma_start3A_803 = tpu.memref_slice %arg2[%mul3A_762, %mul3A_0] : memref<320000x128xf32, #tpu.memory_space<hbm>> -> memref<128x64xf32, #tpu.memory_space<hbm>>
        tpu.enqueue_dma source(%dma_start3A_803 : memref<128x64xf32, #tpu.memory_space<hbm>>) target(%dma_start3A_802 : memref<128x64xf32, #tpu.memory_space<vmem>>) target_semaphore(%run_scoped3A_795 : memref<!tpu.dma_semaphore, #tpu.memory_space<semaphore_mem>>)
        %dma_wait3A_804 = arith.constant 0 : i32
        %dma_wait3A_805 = arith.constant 0 : i32
        %dma_wait3A_806 = tpu.memref_slice %arg8[%dma_wait3A_804, %dma_wait3A_805] : memref<256x64xf32, #tpu.memory_space<vmem>> -> memref<128x64xf32, #tpu.memory_space<vmem>>
        %dma_wait3A_807 = tpu.memref_slice %arg2[%mul3A_762, %mul3A_0] : memref<320000x128xf32, #tpu.memory_space<hbm>> -> memref<128x64xf32, #tpu.memory_space<hbm>>
        %dma_wait3A_808 = arith.constant 0 : i32
        %dma_wait3A_809 = arith.constant 0 : i32
        %dma_wait3A_810 = tpu.memref_slice %arg8[%dma_wait3A_808, %dma_wait3A_809] : memref<256x64xf32, #tpu.memory_space<vmem>> -> memref<128x64xf32, #tpu.memory_space<vmem>>
        %dma_wait3A_811 = tpu.memref_slice %arg2[%mul3A_762, %mul3A_0] : memref<320000x128xf32, #tpu.memory_space<hbm>> -> memref<128x64xf32, #tpu.memory_space<hbm>>
        tpu.wait_dma2 semaphore(%run_scoped3A_795 : memref<!tpu.dma_semaphore, #tpu.memory_space<semaphore_mem>>) src(%dma_wait3A_811 : memref<128x64xf32, #tpu.memory_space<hbm>>) dst(%dma_wait3A_810 : memref<128x64xf32, #tpu.memory_space<vmem>>)
        tpu.yield
      }) : () -> ()
      %run_scoped3A = arith.constant 0 : i32
      "tpu.region"() ({
        %run_scoped3A_795 = tpu.sem_alloc : memref<!tpu.dma_semaphore, #tpu.memory_space<semaphore_mem>>
        %dma_start3A_796 = arith.constant 0 : i32
        %dma_start3A_797 = arith.constant 0 : i32
        %dma_start3A_798 = tpu.memref_slice %arg8[%dma_start3A_796, %dma_start3A_797] : memref<256x64xf32, #tpu.memory_space<vmem>> -> memref<128x64xf32, #tpu.memory_space<vmem>>
        %dma_start3A_799 = arith.constant 0 : i32
        %dma_start3A_800 = tpu.memref_slice %arg11[%run_scoped3A, %dma_start3A_799] : memref<2x128xi32, #tpu.memory_space<vmem>> -> memref<1x128xi32, #tpu.memory_space<vmem>>
        %dma_start3A_801 = tpu.memref_squeeze %dma_start3A_800 : memref<1x128xi32, #tpu.memory_space<vmem>> -> memref<128xi32, #tpu.memory_space<vmem>>
        %dma_start3A_802 = arith.constant 0 : i32
        %dma_start3A_803 = arith.constant 0 : i32
        %dma_start3A_804 = tpu.memref_slice %arg6[%dma_start3A_802, %dma_start3A_803] : memref<10240x64xf32, #tpu.memory_space<vmem_shared>> -> memref<10240x64xf32, #tpu.memory_space<vmem_shared>>
        tpu.enqueue_indirect_dma source(%dma_start3A_798 : memref<128x64xf32, #tpu.memory_space<vmem>>) target(%dma_start3A_804 : memref<10240x64xf32, #tpu.memory_space<vmem_shared>>) offsets(%dma_start3A_801 : memref<128xi32, #tpu.memory_space<vmem>>) semaphore(%run_scoped3A_795 : memref<!tpu.dma_semaphore, #tpu.memory_space<semaphore_mem>>) {add = true}
        %dma_wait3A_805 = arith.constant 0 : i32
        %dma_wait3A_806 = arith.constant 0 : i32
        %dma_wait3A_807 = tpu.memref_slice %arg8[%dma_wait3A_805, %dma_wait3A_806] : memref<256x64xf32, #tpu.memory_space<vmem>> -> memref<128x64xf32, #tpu.memory_space<vmem>>
        %dma_wait3A_808 = arith.constant 0 : i32
        %dma_wait3A_809 = tpu.memref_slice %arg11[%run_scoped3A, %dma_wait3A_808] : memref<2x128xi32, #tpu.memory_space<vmem>> -> memref<1x128xi32, #tpu.memory_space<vmem>>
        %dma_wait3A_810 = tpu.memref_squeeze %dma_wait3A_809 : memref<1x128xi32, #tpu.memory_space<vmem>> -> memref<128xi32, #tpu.memory_space<vmem>>
        %dma_wait3A_811 = arith.constant 0 : i32
        %dma_wait3A_812 = arith.constant 0 : i32
        %dma_wait3A_813 = tpu.memref_slice %arg6[%dma_wait3A_811, %dma_wait3A_812] : memref<10240x64xf32, #tpu.memory_space<vmem_shared>> -> memref<10240x64xf32, #tpu.memory_space<vmem_shared>>
        tpu.wait_indirect_dma semaphore(%run_scoped3A_795 : memref<!tpu.dma_semaphore, #tpu.memory_space<semaphore_mem>>) src(%dma_wait3A_807 : memref<128x64xf32, #tpu.memory_space<vmem>>) dst(%dma_wait3A_813 : memref<10240x64xf32, #tpu.memory_space<vmem_shared>>)
        tpu.yield
      }) : () -> ()
      %get3A_763 = arith.constant 0 : i32
      %get3A_764 = arith.index_cast %get3A_763 : i32 to index
      %get3A_765 = arith.constant 0 : index
      %get3A_766 = tpu.vector_load %arg11[%get3A_764, %get3A_765] {strides = array<i32>} : memref<2x128xi32, #tpu.memory_space<vmem>>, vector<16xi32>,
      tpu.vector_store_idx %arg14[%get3A_766], %broadcast_in_dim3A_7 {add = true} : memref<10240xf32, #tpu.memory_space<vmem>>[vector<16xi32>], vector<16xf32>,
      %get3A_767 = arith.constant 0 : i32
      %get3A_768 = arith.index_cast %get3A_767 : i32 to index
      %get3A_769 = arith.constant 16 : index
      %get3A_770 = tpu.vector_load %arg11[%get3A_768, %get3A_769] {strides = array<i32>} : memref<2x128xi32, #tpu.memory_space<vmem>>, vector<16xi32>,
      tpu.vector_store_idx %arg14[%get3A_770], %broadcast_in_dim3A_7 {add = true} : memref<10240xf32, #tpu.memory_space<vmem>>[vector<16xi32>], vector<16xf32>,
      %get3A_771 = arith.constant 0 : i32
      %get3A_772 = arith.index_cast %get3A_771 : i32 to index
      %get3A_773 = arith.constant 32 : index
      %get3A_774 = tpu.vector_load %arg11[%get3A_772, %get3A_773] {strides = array<i32>} : memref<2x128xi32, #tpu.memory_space<vmem>>, vector<16xi32>,
      tpu.vector_store_idx %arg14[%get3A_774], %broadcast_in_dim3A_7 {add = true} : memref<10240xf32, #tpu.memory_space<vmem>>[vector<16xi32>], vector<16xf32>,
      %get3A_775 = arith.constant 0 : i32
      %get3A_776 = arith.index_cast %get3A_775 : i32 to index
      %get3A_777 = arith.constant 48 : index
      %get3A_778 = tpu.vector_load %arg11[%get3A_776, %get3A_777] {strides = array<i32>} : memref<2x128xi32, #tpu.memory_space<vmem>>, vector<16xi32>,
      tpu.vector_store_idx %arg14[%get3A_778], %broadcast_in_dim3A_7 {add = true} : memref<10240xf32, #tpu.memory_space<vmem>>[vector<16xi32>], vector<16xf32>,
      %get3A_779 = arith.constant 0 : i32
      %get3A_780 = arith.index_cast %get3A_779 : i32 to index
      %get3A_781 = arith.constant 64 : index
      %get3A_782 = tpu.vector_load %arg11[%get3A_780, %get3A_781] {strides = array<i32>} : memref<2x128xi32, #tpu.memory_space<vmem>>, vector<16xi32>,
      tpu.vector_store_idx %arg14[%get3A_782], %broadcast_in_dim3A_7 {add = true} : memref<10240xf32, #tpu.memory_space<vmem>>[vector<16xi32>], vector<16xf32>,
      %get3A_783 = arith.constant 0 : i32
      %get3A_784 = arith.index_cast %get3A_783 : i32 to index
      %get3A_785 = arith.constant 80 : index
      %get3A_786 = tpu.vector_load %arg11[%get3A_784, %get3A_785] {strides = array<i32>} : memref<2x128xi32, #tpu.memory_space<vmem>>, vector<16xi32>,
      tpu.vector_store_idx %arg14[%get3A_786], %broadcast_in_dim3A_7 {add = true} : memref<10240xf32, #tpu.memory_space<vmem>>[vector<16xi32>], vector<16xf32>,
      %get3A_787 = arith.constant 0 : i32
      %get3A_788 = arith.index_cast %get3A_787 : i32 to index
      %get3A_789 = arith.constant 96 : index
      %get3A_790 = tpu.vector_load %arg11[%get3A_788, %get3A_789] {strides = array<i32>} : memref<2x128xi32, #tpu.memory_space<vmem>>, vector<16xi32>,
      tpu.vector_store_idx %arg14[%get3A_790], %broadcast_in_dim3A_7 {add = true} : memref<10240xf32, #tpu.memory_space<vmem>>[vector<16xi32>], vector<16xf32>,
      %get3A_791 = arith.constant 0 : i32
      %get3A_792 = arith.index_cast %get3A_791 : i32 to index
      %get3A_793 = arith.constant 112 : index
      %get3A_794 = tpu.vector_load %arg11[%get3A_792, %get3A_793] {strides = array<i32>} : memref<2x128xi32, #tpu.memory_space<vmem>>, vector<16xi32>,
      tpu.vector_store_idx %arg14[%get3A_794], %broadcast_in_dim3A_7 {add = true} : memref<10240xf32, #tpu.memory_space<vmem>>[vector<16xi32>], vector<16xf32>,
    } else {
    }
    "tpu.region"() ({
      %run_scoped3A = tpu.sem_alloc : memref<!tpu.dma_semaphore, #tpu.memory_space<semaphore_mem>>
      %dma_start3A_759 = arith.constant 0 : i32
      %dma_start3A_760 = tpu.memref_slice %arg7[%arg1, %dma_start3A_759] : memref<16x10240xf32, #tpu.memory_space<vmem_shared>> -> memref<1x10240xf32, #tpu.memory_space<vmem_shared>>
      %dma_start3A_761 = tpu.memref_squeeze %dma_start3A_760 : memref<1x10240xf32, #tpu.memory_space<vmem_shared>> -> memref<10240xf32, #tpu.memory_space<vmem_shared>>
      %dma_start3A_762 = arith.constant 0 : i32
      %dma_start3A_763 = tpu.memref_slice %arg7[%arg1, %dma_start3A_762] : memref<16x10240xf32, #tpu.memory_space<vmem_shared>> -> memref<1x10240xf32, #tpu.memory_space<vmem_shared>>
      %dma_start3A_764 = tpu.memref_squeeze %dma_start3A_763 : memref<1x10240xf32, #tpu.memory_space<vmem_shared>> -> memref<10240xf32, #tpu.memory_space<vmem_shared>>
      tpu.enqueue_dma source(%arg14 : memref<10240xf32, #tpu.memory_space<vmem>>) target(%dma_start3A_764 : memref<10240xf32, #tpu.memory_space<vmem_shared>>) target_semaphore(%run_scoped3A : memref<!tpu.dma_semaphore, #tpu.memory_space<semaphore_mem>>)
      %dma_wait3A_765 = arith.constant 0 : i32
      %dma_wait3A_766 = tpu.memref_slice %arg7[%arg1, %dma_wait3A_765] : memref<16x10240xf32, #tpu.memory_space<vmem_shared>> -> memref<1x10240xf32, #tpu.memory_space<vmem_shared>>
      %dma_wait3A_767 = tpu.memref_squeeze %dma_wait3A_766 : memref<1x10240xf32, #tpu.memory_space<vmem_shared>> -> memref<10240xf32, #tpu.memory_space<vmem_shared>>
      %dma_wait3A_768 = arith.constant 0 : i32
      %dma_wait3A_769 = tpu.memref_slice %arg7[%arg1, %dma_wait3A_768] : memref<16x10240xf32, #tpu.memory_space<vmem_shared>> -> memref<1x10240xf32, #tpu.memory_space<vmem_shared>>
      %dma_wait3A_770 = tpu.memref_squeeze %dma_wait3A_769 : memref<1x10240xf32, #tpu.memory_space<vmem_shared>> -> memref<10240xf32, #tpu.memory_space<vmem_shared>>
      tpu.wait_dma2 semaphore(%run_scoped3A : memref<!tpu.dma_semaphore, #tpu.memory_space<semaphore_mem>>) src(%arg14 : memref<10240xf32, #tpu.memory_space<vmem>>) dst(%dma_wait3A_770 : memref<10240xf32, #tpu.memory_space<vmem_shared>>)
      tpu.yield
    }) : () -> ()
    %barrier3A_703 = arith.constant 0 : index
    tpu.barrier barrier_id(%barrier3A_703)
    "tpu.region"() ({
      %run_scoped3A = tpu.sem_alloc : memref<!tpu.dma_semaphore, #tpu.memory_space<semaphore_mem>>
      %dma_start3A_759 = arith.constant 0 : i32
      %dma_start3A_760 = tpu.memref_slice %arg7[%dma_start3A_759, %mul3A_2] : memref<16x10240xf32, #tpu.memory_space<vmem_shared>> -> memref<16x640xf32, #tpu.memory_space<vmem_shared>>
      %dma_start3A_761 = arith.constant 0 : i32
      %dma_start3A_762 = tpu.memref_slice %arg7[%dma_start3A_761, %mul3A_2] : memref<16x10240xf32, #tpu.memory_space<vmem_shared>> -> memref<16x640xf32, #tpu.memory_space<vmem_shared>>
      tpu.enqueue_dma source(%dma_start3A_762 : memref<16x640xf32, #tpu.memory_space<vmem_shared>>) target(%arg15 : memref<16x640xf32, #tpu.memory_space<vmem>>) target_semaphore(%run_scoped3A : memref<!tpu.dma_semaphore, #tpu.memory_space<semaphore_mem>>)
      %dma_wait3A_763 = arith.constant 0 : i32
      %dma_wait3A_764 = tpu.memref_slice %arg7[%dma_wait3A_763, %mul3A_2] : memref<16x10240xf32, #tpu.memory_space<vmem_shared>> -> memref<16x640xf32, #tpu.memory_space<vmem_shared>>
      %dma_wait3A_765 = arith.constant 0 : i32
      %dma_wait3A_766 = tpu.memref_slice %arg7[%dma_wait3A_765, %mul3A_2] : memref<16x10240xf32, #tpu.memory_space<vmem_shared>> -> memref<16x640xf32, #tpu.memory_space<vmem_shared>>
      tpu.wait_dma2 semaphore(%run_scoped3A : memref<!tpu.dma_semaphore, #tpu.memory_space<semaphore_mem>>) src(%dma_wait3A_766 : memref<16x640xf32, #tpu.memory_space<vmem_shared>>) dst(%arg15 : memref<16x640xf32, #tpu.memory_space<vmem>>)
      tpu.yield
    }) : () -> ()
    %scan3A_704 = arith.constant 0 : i32
    %scan3A_705 = arith.constant 40 : i32
    %scan3A_706 = arith.addi %scan3A_704, %scan3A_705 : i32
    %scan3A_707 = arith.constant 1 : i32
    scf.for %scan3A_759 = %scan3A_704 to %scan3A_706 step %scan3A_707  : i32 {
      %mul3A_760 = arith.constant 16 : i32
      %mul3A_761 = arith.muli %scan3A_759, %mul3A_760 : i32
      %get3A_762 = arith.constant 0 : i32
      %get3A_763 = arith.index_cast %get3A_762 : i32 to index
      %get3A_764 = arith.index_cast %mul3A_761 : i32 to index
      %get3A_765 = tpu.vector_load %arg15[%get3A_763, %get3A_764] {strides = array<i32>} : memref<16x640xf32, #tpu.memory_space<vmem>>, vector<16xf32>,
      %add3A_766 = arith.addf %broadcast_in_dim3A_5, %get3A_765 : vector<16xf32>
      %mul3A_767 = arith.constant 16 : i32
      %mul3A_768 = arith.muli %scan3A_759, %mul3A_767 : i32
      %get3A_769 = arith.constant 1 : i32
      %get3A_770 = arith.index_cast %get3A_769 : i32 to index
      %get3A_771 = arith.index_cast %mul3A_768 : i32 to index
      %get3A_772 = tpu.vector_load %arg15[%get3A_770, %get3A_771] {strides = array<i32>} : memref<16x640xf32, #tpu.memory_space<vmem>>, vector<16xf32>,
      %add3A_773 = arith.addf %add3A_766, %get3A_772 : vector<16xf32>
      %mul3A_774 = arith.constant 16 : i32
      %mul3A_775 = arith.muli %scan3A_759, %mul3A_774 : i32
      %get3A_776 = arith.constant 2 : i32
      %get3A_777 = arith.index_cast %get3A_776 : i32 to index
      %get3A_778 = arith.index_cast %mul3A_775 : i32 to index
      %get3A_779 = tpu.vector_load %arg15[%get3A_777, %get3A_778] {strides = array<i32>} : memref<16x640xf32, #tpu.memory_space<vmem>>, vector<16xf32>,
      %add3A_780 = arith.addf %add3A_773, %get3A_779 : vector<16xf32>
      %mul3A_781 = arith.constant 16 : i32
      %mul3A_782 = arith.muli %scan3A_759, %mul3A_781 : i32
      %get3A_783 = arith.constant 3 : i32
      %get3A_784 = arith.index_cast %get3A_783 : i32 to index
      %get3A_785 = arith.index_cast %mul3A_782 : i32 to index
      %get3A_786 = tpu.vector_load %arg15[%get3A_784, %get3A_785] {strides = array<i32>} : memref<16x640xf32, #tpu.memory_space<vmem>>, vector<16xf32>,
      %add3A_787 = arith.addf %add3A_780, %get3A_786 : vector<16xf32>
      %mul3A_788 = arith.constant 16 : i32
      %mul3A_789 = arith.muli %scan3A_759, %mul3A_788 : i32
      %get3A_790 = arith.constant 4 : i32
      %get3A_791 = arith.index_cast %get3A_790 : i32 to index
      %get3A_792 = arith.index_cast %mul3A_789 : i32 to index
      %get3A_793 = tpu.vector_load %arg15[%get3A_791, %get3A_792] {strides = array<i32>} : memref<16x640xf32, #tpu.memory_space<vmem>>, vector<16xf32>,
      %add3A_794 = arith.addf %add3A_787, %get3A_793 : vector<16xf32>
      %mul3A_795 = arith.constant 16 : i32
      %mul3A_796 = arith.muli %scan3A_759, %mul3A_795 : i32
      %get3A_797 = arith.constant 5 : i32
      %get3A_798 = arith.index_cast %get3A_797 : i32 to index
      %get3A_799 = arith.index_cast %mul3A_796 : i32 to index
      %get3A_800 = tpu.vector_load %arg15[%get3A_798, %get3A_799] {strides = array<i32>} : memref<16x640xf32, #tpu.memory_space<vmem>>, vector<16xf32>,
      %add3A_801 = arith.addf %add3A_794, %get3A_800 : vector<16xf32>
      %mul3A_802 = arith.constant 16 : i32
      %mul3A_803 = arith.muli %scan3A_759, %mul3A_802 : i32
      %get3A_804 = arith.constant 6 : i32
      %get3A_805 = arith.index_cast %get3A_804 : i32 to index
      %get3A_806 = arith.index_cast %mul3A_803 : i32 to index
      %get3A_807 = tpu.vector_load %arg15[%get3A_805, %get3A_806] {strides = array<i32>} : memref<16x640xf32, #tpu.memory_space<vmem>>, vector<16xf32>,
      %add3A_808 = arith.addf %add3A_801, %get3A_807 : vector<16xf32>
      %mul3A_809 = arith.constant 16 : i32
      %mul3A_810 = arith.muli %scan3A_759, %mul3A_809 : i32
      %get3A_811 = arith.constant 7 : i32
      %get3A_812 = arith.index_cast %get3A_811 : i32 to index
      %get3A_813 = arith.index_cast %mul3A_810 : i32 to index
      %get3A_814 = tpu.vector_load %arg15[%get3A_812, %get3A_813] {strides = array<i32>} : memref<16x640xf32, #tpu.memory_space<vmem>>, vector<16xf32>,
      %add3A_815 = arith.addf %add3A_808, %get3A_814 : vector<16xf32>
      %mul3A_816 = arith.constant 16 : i32
      %mul3A_817 = arith.muli %scan3A_759, %mul3A_816 : i32
      %get3A_818 = arith.constant 8 : i32
      %get3A_819 = arith.index_cast %get3A_818 : i32 to index
      %get3A_820 = arith.index_cast %mul3A_817 : i32 to index
      %get3A_821 = tpu.vector_load %arg15[%get3A_819, %get3A_820] {strides = array<i32>} : memref<16x640xf32, #tpu.memory_space<vmem>>, vector<16xf32>,
      %add3A_822 = arith.addf %add3A_815, %get3A_821 : vector<16xf32>
      %mul3A_823 = arith.constant 16 : i32
      %mul3A_824 = arith.muli %scan3A_759, %mul3A_823 : i32
      %get3A_825 = arith.constant 9 : i32
      %get3A_826 = arith.index_cast %get3A_825 : i32 to index
      %get3A_827 = arith.index_cast %mul3A_824 : i32 to index
      %get3A_828 = tpu.vector_load %arg15[%get3A_826, %get3A_827] {strides = array<i32>} : memref<16x640xf32, #tpu.memory_space<vmem>>, vector<16xf32>,
      %add3A_829 = arith.addf %add3A_822, %get3A_828 : vector<16xf32>
      %mul3A_830 = arith.constant 16 : i32
      %mul3A_831 = arith.muli %scan3A_759, %mul3A_830 : i32
      %get3A_832 = arith.constant 10 : i32
      %get3A_833 = arith.index_cast %get3A_832 : i32 to index
      %get3A_834 = arith.index_cast %mul3A_831 : i32 to index
      %get3A_835 = tpu.vector_load %arg15[%get3A_833, %get3A_834] {strides = array<i32>} : memref<16x640xf32, #tpu.memory_space<vmem>>, vector<16xf32>,
      %add3A_836 = arith.addf %add3A_829, %get3A_835 : vector<16xf32>
      %mul3A_837 = arith.constant 16 : i32
      %mul3A_838 = arith.muli %scan3A_759, %mul3A_837 : i32
      %get3A_839 = arith.constant 11 : i32
      %get3A_840 = arith.index_cast %get3A_839 : i32 to index
      %get3A_841 = arith.index_cast %mul3A_838 : i32 to index
      %get3A_842 = tpu.vector_load %arg15[%get3A_840, %get3A_841] {strides = array<i32>} : memref<16x640xf32, #tpu.memory_space<vmem>>, vector<16xf32>,
      %add3A_843 = arith.addf %add3A_836, %get3A_842 : vector<16xf32>
      %mul3A_844 = arith.constant 16 : i32
      %mul3A_845 = arith.muli %scan3A_759, %mul3A_844 : i32
      %get3A_846 = arith.constant 12 : i32
      %get3A_847 = arith.index_cast %get3A_846 : i32 to index
      %get3A_848 = arith.index_cast %mul3A_845 : i32 to index
      %get3A_849 = tpu.vector_load %arg15[%get3A_847, %get3A_848] {strides = array<i32>} : memref<16x640xf32, #tpu.memory_space<vmem>>, vector<16xf32>,
      %add3A_850 = arith.addf %add3A_843, %get3A_849 : vector<16xf32>
      %mul3A_851 = arith.constant 16 : i32
      %mul3A_852 = arith.muli %scan3A_759, %mul3A_851 : i32
      %get3A_853 = arith.constant 13 : i32
      %get3A_854 = arith.index_cast %get3A_853 : i32 to index
      %get3A_855 = arith.index_cast %mul3A_852 : i32 to index
      %get3A_856 = tpu.vector_load %arg15[%get3A_854, %get3A_855] {strides = array<i32>} : memref<16x640xf32, #tpu.memory_space<vmem>>, vector<16xf32>,
      %add3A_857 = arith.addf %add3A_850, %get3A_856 : vector<16xf32>
      %mul3A_858 = arith.constant 16 : i32
      %mul3A_859 = arith.muli %scan3A_759, %mul3A_858 : i32
      %get3A_860 = arith.constant 14 : i32
      %get3A_861 = arith.index_cast %get3A_860 : i32 to index
      %get3A_862 = arith.index_cast %mul3A_859 : i32 to index
      %get3A_863 = tpu.vector_load %arg15[%get3A_861, %get3A_862] {strides = array<i32>} : memref<16x640xf32, #tpu.memory_space<vmem>>, vector<16xf32>,
      %add3A_864 = arith.addf %add3A_857, %get3A_863 : vector<16xf32>
      %mul3A_865 = arith.constant 16 : i32
      %mul3A_866 = arith.muli %scan3A_759, %mul3A_865 : i32
      %get3A_867 = arith.constant 15 : i32
      %get3A_868 = arith.index_cast %get3A_867 : i32 to index
      %get3A_869 = arith.index_cast %mul3A_866 : i32 to index
      %get3A_870 = tpu.vector_load %arg15[%get3A_868, %get3A_869] {strides = array<i32>} : memref<16x640xf32, #tpu.memory_space<vmem>>, vector<16xf32>,
      %add3A_871 = arith.addf %add3A_864, %get3A_870 : vector<16xf32>
      %max3A = arith.maximumf %add3A_871, %broadcast_in_dim3A_7 : vector<16xf32>
      %div3A = arith.divf %broadcast_in_dim3A_7, %max3A : vector<16xf32>
      %mul3A_872 = arith.constant 16 : i32
      %mul3A_873 = arith.muli %scan3A_759, %mul3A_872 : i32
      %swap3A_874 = arith.index_cast %mul3A_873 : i32 to index
      %swap3A_875 = tpu.vector_load %arg16[%swap3A_874] {strides = array<i32>} : memref<640xf32, #tpu.memory_space<vmem>>, vector<16xf32>,
      tpu.vector_store %arg16[%swap3A_874], %div3A {strides = array<i32>} : memref<640xf32, #tpu.memory_space<vmem>>, vector<16xf32>,
    }
    %scan3A_708 = arith.constant 40 : i32
    %add3A_709 = arith.constant 0 : i32
    %add3A_710 = arith.addi %mul3A_2, %add3A_709 : i32
    "tpu.region"() ({
      %run_scoped3A = tpu.sem_alloc : memref<!tpu.dma_semaphore, #tpu.memory_space<semaphore_mem>>
      %dma_start3A_759 = arith.constant 0 : i32
      %dma_start3A_760 = arith.constant 0 : i32
      %dma_start3A_761 = tpu.memref_slice %arg8[%dma_start3A_759, %dma_start3A_760] : memref<256x64xf32, #tpu.memory_space<vmem>> -> memref<256x64xf32, #tpu.memory_space<vmem>>
      %dma_start3A_762 = arith.constant 0 : i32
      %dma_start3A_763 = tpu.memref_slice %arg6[%add3A_710, %dma_start3A_762] : memref<10240x64xf32, #tpu.memory_space<vmem_shared>> -> memref<256x64xf32, #tpu.memory_space<vmem_shared>>
      %dma_start3A_764 = arith.constant 0 : i32
      %dma_start3A_765 = arith.constant 0 : i32
      %dma_start3A_766 = tpu.memref_slice %arg8[%dma_start3A_764, %dma_start3A_765] : memref<256x64xf32, #tpu.memory_space<vmem>> -> memref<256x64xf32, #tpu.memory_space<vmem>>
      %dma_start3A_767 = arith.constant 0 : i32
      %dma_start3A_768 = tpu.memref_slice %arg6[%add3A_710, %dma_start3A_767] : memref<10240x64xf32, #tpu.memory_space<vmem_shared>> -> memref<256x64xf32, #tpu.memory_space<vmem_shared>>
      tpu.enqueue_dma source(%dma_start3A_768 : memref<256x64xf32, #tpu.memory_space<vmem_shared>>) target(%dma_start3A_766 : memref<256x64xf32, #tpu.memory_space<vmem>>) target_semaphore(%run_scoped3A : memref<!tpu.dma_semaphore, #tpu.memory_space<semaphore_mem>>)
      %dma_wait3A_769 = arith.constant 0 : i32
      %dma_wait3A_770 = arith.constant 0 : i32
      %dma_wait3A_771 = tpu.memref_slice %arg8[%dma_wait3A_769, %dma_wait3A_770] : memref<256x64xf32, #tpu.memory_space<vmem>> -> memref<256x64xf32, #tpu.memory_space<vmem>>
      %dma_wait3A_772 = arith.constant 0 : i32
      %dma_wait3A_773 = tpu.memref_slice %arg6[%add3A_710, %dma_wait3A_772] : memref<10240x64xf32, #tpu.memory_space<vmem_shared>> -> memref<256x64xf32, #tpu.memory_space<vmem_shared>>
      %dma_wait3A_774 = arith.constant 0 : i32
      %dma_wait3A_775 = arith.constant 0 : i32
      %dma_wait3A_776 = tpu.memref_slice %arg8[%dma_wait3A_774, %dma_wait3A_775] : memref<256x64xf32, #tpu.memory_space<vmem>> -> memref<256x64xf32, #tpu.memory_space<vmem>>
      %dma_wait3A_777 = arith.constant 0 : i32
      %dma_wait3A_778 = tpu.memref_slice %arg6[%add3A_710, %dma_wait3A_777] : memref<10240x64xf32, #tpu.memory_space<vmem_shared>> -> memref<256x64xf32, #tpu.memory_space<vmem_shared>>
      tpu.wait_dma2 semaphore(%run_scoped3A : memref<!tpu.dma_semaphore, #tpu.memory_space<semaphore_mem>>) src(%dma_wait3A_778 : memref<256x64xf32, #tpu.memory_space<vmem_shared>>) dst(%dma_wait3A_776 : memref<256x64xf32, #tpu.memory_space<vmem>>)
      tpu.yield
    }) : () -> ()
    %scan3A_711 = arith.constant 0 : i32
    %scan3A_712 = arith.constant 256 : i32
    %scan3A_713 = arith.addi %scan3A_711, %scan3A_712 : i32
    %scan3A_714 = arith.constant 1 : i32
    scf.for %scan3A_759 = %scan3A_711 to %scan3A_713 step %scan3A_714  : i32 {
      %add3A_760 = arith.constant 0 : i32
      %add3A_761 = arith.addi %add3A_760, %scan3A_759 : i32
      %broadcast_in_dim3A_762 = vector.broadcast %add3A_761 : i32 to vector<16xi32>
      %gather3A = tpu.vector_load_idx %arg16[%broadcast_in_dim3A_762] : memref<640xf32, #tpu.memory_space<vmem>>[vector<16xi32>], vector<16xf32>,
      %get3A_763 = arith.index_cast %scan3A_759 : i32 to index
      %get3A_764 = arith.constant 0 : index
      %get3A_765 = tpu.vector_load %arg8[%get3A_763, %get3A_764] {strides = array<i32>} : memref<256x64xf32, #tpu.memory_space<vmem>>, vector<16xf32>,
      %mul3A_766 = arith.mulf %get3A_765, %gather3A : vector<16xf32>
      %swap3A_767 = arith.index_cast %scan3A_759 : i32 to index
      %swap3A_768 = arith.constant 0 : index
      %swap3A_769 = tpu.vector_load %arg8[%swap3A_767, %swap3A_768] {strides = array<i32>} : memref<256x64xf32, #tpu.memory_space<vmem>>, vector<16xf32>,
      tpu.vector_store %arg8[%swap3A_767, %swap3A_768], %mul3A_766 {strides = array<i32>} : memref<256x64xf32, #tpu.memory_space<vmem>>, vector<16xf32>,
      %get3A_770 = arith.index_cast %scan3A_759 : i32 to index
      %get3A_771 = arith.constant 16 : index
      %get3A_772 = tpu.vector_load %arg8[%get3A_770, %get3A_771] {strides = array<i32>} : memref<256x64xf32, #tpu.memory_space<vmem>>, vector<16xf32>,
      %mul3A_773 = arith.mulf %get3A_772, %gather3A : vector<16xf32>
      %swap3A_774 = arith.index_cast %scan3A_759 : i32 to index
      %swap3A_775 = arith.constant 16 : index
      %swap3A_776 = tpu.vector_load %arg8[%swap3A_774, %swap3A_775] {strides = array<i32>} : memref<256x64xf32, #tpu.memory_space<vmem>>, vector<16xf32>,
      tpu.vector_store %arg8[%swap3A_774, %swap3A_775], %mul3A_773 {strides = array<i32>} : memref<256x64xf32, #tpu.memory_space<vmem>>, vector<16xf32>,
      %get3A_777 = arith.index_cast %scan3A_759 : i32 to index
      %get3A_778 = arith.constant 32 : index
      %get3A_779 = tpu.vector_load %arg8[%get3A_777, %get3A_778] {strides = array<i32>} : memref<256x64xf32, #tpu.memory_space<vmem>>, vector<16xf32>,
      %mul3A_780 = arith.mulf %get3A_779, %gather3A : vector<16xf32>
      %swap3A_781 = arith.index_cast %scan3A_759 : i32 to index
      %swap3A_782 = arith.constant 32 : index
      %swap3A_783 = tpu.vector_load %arg8[%swap3A_781, %swap3A_782] {strides = array<i32>} : memref<256x64xf32, #tpu.memory_space<vmem>>, vector<16xf32>,
      tpu.vector_store %arg8[%swap3A_781, %swap3A_782], %mul3A_780 {strides = array<i32>} : memref<256x64xf32, #tpu.memory_space<vmem>>, vector<16xf32>,
      %get3A_784 = arith.index_cast %scan3A_759 : i32 to index
      %get3A_785 = arith.constant 48 : index
      %get3A_786 = tpu.vector_load %arg8[%get3A_784, %get3A_785] {strides = array<i32>} : memref<256x64xf32, #tpu.memory_space<vmem>>, vector<16xf32>,
      %mul3A_787 = arith.mulf %get3A_786, %gather3A : vector<16xf32>
      %swap3A_788 = arith.index_cast %scan3A_759 : i32 to index
      %swap3A_789 = arith.constant 48 : index
      %swap3A_790 = tpu.vector_load %arg8[%swap3A_788, %swap3A_789] {strides = array<i32>} : memref<256x64xf32, #tpu.memory_space<vmem>>, vector<16xf32>,
      tpu.vector_store %arg8[%swap3A_788, %swap3A_789], %mul3A_787 {strides = array<i32>} : memref<256x64xf32, #tpu.memory_space<vmem>>, vector<16xf32>,
    }
    %scan3A_715 = arith.constant 256 : i32
    %eq3A = arith.constant 0 : i32
    %eq3A_716 = arith.cmpi eq, %arg0, %eq3A : i32
    %convert_element_type3A_717 = arith.extui %eq3A_716 : i1 to i32
    %cond3A_718 = arith.constant 0 : i32
    %cond3A_719 = arith.cmpi ne, %convert_element_type3A_717, %cond3A_718 : i32
    scf.if %cond3A_719 {
      %add3A_759 = arith.constant 0 : i32
      %add3A_760 = arith.addi %mul3A_2, %add3A_759 : i32
      "tpu.region"() ({
        %run_scoped3A = tpu.sem_alloc : memref<!tpu.dma_semaphore, #tpu.memory_space<semaphore_mem>>
        %dma_start3A_761 = arith.constant 0 : i32
        %dma_start3A_762 = arith.constant 0 : i32
        %dma_start3A_763 = tpu.memref_slice %arg8[%dma_start3A_761, %dma_start3A_762] : memref<256x64xf32, #tpu.memory_space<vmem>> -> memref<256x64xf32, #tpu.memory_space<vmem>>
        %dma_start3A_764 = arith.constant 0 : i32
        %dma_start3A_765 = tpu.memref_slice %arg4[%add3A_760, %dma_start3A_764] : memref<10240x64xf32, #tpu.memory_space<hbm>> -> memref<256x64xf32, #tpu.memory_space<hbm>>
        %dma_start3A_766 = arith.constant 0 : i32
        %dma_start3A_767 = tpu.memref_slice %arg4[%add3A_760, %dma_start3A_766] : memref<10240x64xf32, #tpu.memory_space<hbm>> -> memref<256x64xf32, #tpu.memory_space<hbm>>
        %dma_start3A_768 = arith.constant 0 : i32
        %dma_start3A_769 = arith.constant 0 : i32
        %dma_start3A_770 = tpu.memref_slice %arg8[%dma_start3A_768, %dma_start3A_769] : memref<256x64xf32, #tpu.memory_space<vmem>> -> memref<256x64xf32, #tpu.memory_space<vmem>>
        tpu.enqueue_dma source(%dma_start3A_770 : memref<256x64xf32, #tpu.memory_space<vmem>>) target(%dma_start3A_767 : memref<256x64xf32, #tpu.memory_space<hbm>>) target_semaphore(%run_scoped3A : memref<!tpu.dma_semaphore, #tpu.memory_space<semaphore_mem>>)
        %dma_wait3A_771 = arith.constant 0 : i32
        %dma_wait3A_772 = arith.constant 0 : i32
        %dma_wait3A_773 = tpu.memref_slice %arg8[%dma_wait3A_771, %dma_wait3A_772] : memref<256x64xf32, #tpu.memory_space<vmem>> -> memref<256x64xf32, #tpu.memory_space<vmem>>
        %dma_wait3A_774 = arith.constant 0 : i32
        %dma_wait3A_775 = tpu.memref_slice %arg4[%add3A_760, %dma_wait3A_774] : memref<10240x64xf32, #tpu.memory_space<hbm>> -> memref<256x64xf32, #tpu.memory_space<hbm>>
        %dma_wait3A_776 = arith.constant 0 : i32
        %dma_wait3A_777 = tpu.memref_slice %arg4[%add3A_760, %dma_wait3A_776] : memref<10240x64xf32, #tpu.memory_space<hbm>> -> memref<256x64xf32, #tpu.memory_space<hbm>>
        %dma_wait3A_778 = arith.constant 0 : i32
        %dma_wait3A_779 = arith.constant 0 : i32
        %dma_wait3A_780 = tpu.memref_slice %arg8[%dma_wait3A_778, %dma_wait3A_779] : memref<256x64xf32, #tpu.memory_space<vmem>> -> memref<256x64xf32, #tpu.memory_space<vmem>>
        tpu.wait_dma2 semaphore(%run_scoped3A : memref<!tpu.dma_semaphore, #tpu.memory_space<semaphore_mem>>) src(%dma_wait3A_780 : memref<256x64xf32, #tpu.memory_space<vmem>>) dst(%dma_wait3A_777 : memref<256x64xf32, #tpu.memory_space<hbm>>)
        tpu.yield
      }) : () -> ()
    } else {
    }
    %eq3A_720 = arith.constant 1 : i32
    %eq3A_721 = arith.cmpi eq, %arg0, %eq3A_720 : i32
    %convert_element_type3A_722 = arith.extui %eq3A_721 : i1 to i32
    %cond3A_723 = arith.constant 0 : i32
    %cond3A_724 = arith.cmpi ne, %convert_element_type3A_722, %cond3A_723 : i32
    scf.if %cond3A_724 {
      %add3A_759 = arith.constant 0 : i32
      %add3A_760 = arith.addi %mul3A_2, %add3A_759 : i32
      "tpu.region"() ({
        %run_scoped3A = tpu.sem_alloc : memref<!tpu.dma_semaphore, #tpu.memory_space<semaphore_mem>>
        %dma_start3A_761 = arith.constant 0 : i32
        %dma_start3A_762 = arith.constant 0 : i32
        %dma_start3A_763 = tpu.memref_slice %arg8[%dma_start3A_761, %dma_start3A_762] : memref<256x64xf32, #tpu.memory_space<vmem>> -> memref<256x64xf32, #tpu.memory_space<vmem>>
        %dma_start3A_764 = arith.constant 0 : i32
        %dma_start3A_765 = tpu.memref_slice %arg5[%add3A_760, %dma_start3A_764] : memref<10240x64xf32, #tpu.memory_space<hbm>> -> memref<256x64xf32, #tpu.memory_space<hbm>>
        %dma_start3A_766 = arith.constant 0 : i32
        %dma_start3A_767 = tpu.memref_slice %arg5[%add3A_760, %dma_start3A_766] : memref<10240x64xf32, #tpu.memory_space<hbm>> -> memref<256x64xf32, #tpu.memory_space<hbm>>
        %dma_start3A_768 = arith.constant 0 : i32
        %dma_start3A_769 = arith.constant 0 : i32
        %dma_start3A_770 = tpu.memref_slice %arg8[%dma_start3A_768, %dma_start3A_769] : memref<256x64xf32, #tpu.memory_space<vmem>> -> memref<256x64xf32, #tpu.memory_space<vmem>>
        tpu.enqueue_dma source(%dma_start3A_770 : memref<256x64xf32, #tpu.memory_space<vmem>>) target(%dma_start3A_767 : memref<256x64xf32, #tpu.memory_space<hbm>>) target_semaphore(%run_scoped3A : memref<!tpu.dma_semaphore, #tpu.memory_space<semaphore_mem>>)
        %dma_wait3A_771 = arith.constant 0 : i32
        %dma_wait3A_772 = arith.constant 0 : i32
        %dma_wait3A_773 = tpu.memref_slice %arg8[%dma_wait3A_771, %dma_wait3A_772] : memref<256x64xf32, #tpu.memory_space<vmem>> -> memref<256x64xf32, #tpu.memory_space<vmem>>
        %dma_wait3A_774 = arith.constant 0 : i32
        %dma_wait3A_775 = tpu.memref_slice %arg5[%add3A_760, %dma_wait3A_774] : memref<10240x64xf32, #tpu.memory_space<hbm>> -> memref<256x64xf32, #tpu.memory_space<hbm>>
        %dma_wait3A_776 = arith.constant 0 : i32
        %dma_wait3A_777 = tpu.memref_slice %arg5[%add3A_760, %dma_wait3A_776] : memref<10240x64xf32, #tpu.memory_space<hbm>> -> memref<256x64xf32, #tpu.memory_space<hbm>>
        %dma_wait3A_778 = arith.constant 0 : i32
        %dma_wait3A_779 = arith.constant 0 : i32
        %dma_wait3A_780 = tpu.memref_slice %arg8[%dma_wait3A_778, %dma_wait3A_779] : memref<256x64xf32, #tpu.memory_space<vmem>> -> memref<256x64xf32, #tpu.memory_space<vmem>>
        tpu.wait_dma2 semaphore(%run_scoped3A : memref<!tpu.dma_semaphore, #tpu.memory_space<semaphore_mem>>) src(%dma_wait3A_780 : memref<256x64xf32, #tpu.memory_space<vmem>>) dst(%dma_wait3A_777 : memref<256x64xf32, #tpu.memory_space<hbm>>)
        tpu.yield
      }) : () -> ()
    } else {
    }
    %add3A_725 = arith.constant 256 : i32
    %add3A_726 = arith.addi %mul3A_2, %add3A_725 : i32
    "tpu.region"() ({
      %run_scoped3A = tpu.sem_alloc : memref<!tpu.dma_semaphore, #tpu.memory_space<semaphore_mem>>
      %dma_start3A_759 = arith.constant 0 : i32
      %dma_start3A_760 = arith.constant 0 : i32
      %dma_start3A_761 = tpu.memref_slice %arg8[%dma_start3A_759, %dma_start3A_760] : memref<256x64xf32, #tpu.memory_space<vmem>> -> memref<256x64xf32, #tpu.memory_space<vmem>>
      %dma_start3A_762 = arith.constant 0 : i32
      %dma_start3A_763 = tpu.memref_slice %arg6[%add3A_726, %dma_start3A_762] : memref<10240x64xf32, #tpu.memory_space<vmem_shared>> -> memref<256x64xf32, #tpu.memory_space<vmem_shared>>
      %dma_start3A_764 = arith.constant 0 : i32
      %dma_start3A_765 = arith.constant 0 : i32
      %dma_start3A_766 = tpu.memref_slice %arg8[%dma_start3A_764, %dma_start3A_765] : memref<256x64xf32, #tpu.memory_space<vmem>> -> memref<256x64xf32, #tpu.memory_space<vmem>>
      %dma_start3A_767 = arith.constant 0 : i32
      %dma_start3A_768 = tpu.memref_slice %arg6[%add3A_726, %dma_start3A_767] : memref<10240x64xf32, #tpu.memory_space<vmem_shared>> -> memref<256x64xf32, #tpu.memory_space<vmem_shared>>
      tpu.enqueue_dma source(%dma_start3A_768 : memref<256x64xf32, #tpu.memory_space<vmem_shared>>) target(%dma_start3A_766 : memref<256x64xf32, #tpu.memory_space<vmem>>) target_semaphore(%run_scoped3A : memref<!tpu.dma_semaphore, #tpu.memory_space<semaphore_mem>>)
      %dma_wait3A_769 = arith.constant 0 : i32
      %dma_wait3A_770 = arith.constant 0 : i32
      %dma_wait3A_771 = tpu.memref_slice %arg8[%dma_wait3A_769, %dma_wait3A_770] : memref<256x64xf32, #tpu.memory_space<vmem>> -> memref<256x64xf32, #tpu.memory_space<vmem>>
      %dma_wait3A_772 = arith.constant 0 : i32
      %dma_wait3A_773 = tpu.memref_slice %arg6[%add3A_726, %dma_wait3A_772] : memref<10240x64xf32, #tpu.memory_space<vmem_shared>> -> memref<256x64xf32, #tpu.memory_space<vmem_shared>>
      %dma_wait3A_774 = arith.constant 0 : i32
      %dma_wait3A_775 = arith.constant 0 : i32
      %dma_wait3A_776 = tpu.memref_slice %arg8[%dma_wait3A_774, %dma_wait3A_775] : memref<256x64xf32, #tpu.memory_space<vmem>> -> memref<256x64xf32, #tpu.memory_space<vmem>>
      %dma_wait3A_777 = arith.constant 0 : i32
      %dma_wait3A_778 = tpu.memref_slice %arg6[%add3A_726, %dma_wait3A_777] : memref<10240x64xf32, #tpu.memory_space<vmem_shared>> -> memref<256x64xf32, #tpu.memory_space<vmem_shared>>
      tpu.wait_dma2 semaphore(%run_scoped3A : memref<!tpu.dma_semaphore, #tpu.memory_space<semaphore_mem>>) src(%dma_wait3A_778 : memref<256x64xf32, #tpu.memory_space<vmem_shared>>) dst(%dma_wait3A_776 : memref<256x64xf32, #tpu.memory_space<vmem>>)
      tpu.yield
    }) : () -> ()
    %scan3A_727 = arith.constant 0 : i32
    %scan3A_728 = arith.constant 256 : i32
    %scan3A_729 = arith.addi %scan3A_727, %scan3A_728 : i32
    %scan3A_730 = arith.constant 1 : i32
    scf.for %scan3A_759 = %scan3A_727 to %scan3A_729 step %scan3A_730  : i32 {
      %add3A_760 = arith.constant 256 : i32
      %add3A_761 = arith.addi %add3A_760, %scan3A_759 : i32
      %broadcast_in_dim3A_762 = vector.broadcast %add3A_761 : i32 to vector<16xi32>
      %gather3A = tpu.vector_load_idx %arg16[%broadcast_in_dim3A_762] : memref<640xf32, #tpu.memory_space<vmem>>[vector<16xi32>], vector<16xf32>,
      %get3A_763 = arith.index_cast %scan3A_759 : i32 to index
      %get3A_764 = arith.constant 0 : index
      %get3A_765 = tpu.vector_load %arg8[%get3A_763, %get3A_764] {strides = array<i32>} : memref<256x64xf32, #tpu.memory_space<vmem>>, vector<16xf32>,
      %mul3A_766 = arith.mulf %get3A_765, %gather3A : vector<16xf32>
      %swap3A_767 = arith.index_cast %scan3A_759 : i32 to index
      %swap3A_768 = arith.constant 0 : index
      %swap3A_769 = tpu.vector_load %arg8[%swap3A_767, %swap3A_768] {strides = array<i32>} : memref<256x64xf32, #tpu.memory_space<vmem>>, vector<16xf32>,
      tpu.vector_store %arg8[%swap3A_767, %swap3A_768], %mul3A_766 {strides = array<i32>} : memref<256x64xf32, #tpu.memory_space<vmem>>, vector<16xf32>,
      %get3A_770 = arith.index_cast %scan3A_759 : i32 to index
      %get3A_771 = arith.constant 16 : index
      %get3A_772 = tpu.vector_load %arg8[%get3A_770, %get3A_771] {strides = array<i32>} : memref<256x64xf32, #tpu.memory_space<vmem>>, vector<16xf32>,
      %mul3A_773 = arith.mulf %get3A_772, %gather3A : vector<16xf32>
      %swap3A_774 = arith.index_cast %scan3A_759 : i32 to index
      %swap3A_775 = arith.constant 16 : index
      %swap3A_776 = tpu.vector_load %arg8[%swap3A_774, %swap3A_775] {strides = array<i32>} : memref<256x64xf32, #tpu.memory_space<vmem>>, vector<16xf32>,
      tpu.vector_store %arg8[%swap3A_774, %swap3A_775], %mul3A_773 {strides = array<i32>} : memref<256x64xf32, #tpu.memory_space<vmem>>, vector<16xf32>,
      %get3A_777 = arith.index_cast %scan3A_759 : i32 to index
      %get3A_778 = arith.constant 32 : index
      %get3A_779 = tpu.vector_load %arg8[%get3A_777, %get3A_778] {strides = array<i32>} : memref<256x64xf32, #tpu.memory_space<vmem>>, vector<16xf32>,
      %mul3A_780 = arith.mulf %get3A_779, %gather3A : vector<16xf32>
      %swap3A_781 = arith.index_cast %scan3A_759 : i32 to index
      %swap3A_782 = arith.constant 32 : index
      %swap3A_783 = tpu.vector_load %arg8[%swap3A_781, %swap3A_782] {strides = array<i32>} : memref<256x64xf32, #tpu.memory_space<vmem>>, vector<16xf32>,
      tpu.vector_store %arg8[%swap3A_781, %swap3A_782], %mul3A_780 {strides = array<i32>} : memref<256x64xf32, #tpu.memory_space<vmem>>, vector<16xf32>,
      %get3A_784 = arith.index_cast %scan3A_759 : i32 to index
      %get3A_785 = arith.constant 48 : index
      %get3A_786 = tpu.vector_load %arg8[%get3A_784, %get3A_785] {strides = array<i32>} : memref<256x64xf32, #tpu.memory_space<vmem>>, vector<16xf32>,
      %mul3A_787 = arith.mulf %get3A_786, %gather3A : vector<16xf32>
      %swap3A_788 = arith.index_cast %scan3A_759 : i32 to index
      %swap3A_789 = arith.constant 48 : index
      %swap3A_790 = tpu.vector_load %arg8[%swap3A_788, %swap3A_789] {strides = array<i32>} : memref<256x64xf32, #tpu.memory_space<vmem>>, vector<16xf32>,
      tpu.vector_store %arg8[%swap3A_788, %swap3A_789], %mul3A_787 {strides = array<i32>} : memref<256x64xf32, #tpu.memory_space<vmem>>, vector<16xf32>,
    }
    %scan3A_731 = arith.constant 256 : i32
    %eq3A_732 = arith.constant 0 : i32
    %eq3A_733 = arith.cmpi eq, %arg0, %eq3A_732 : i32
    %convert_element_type3A_734 = arith.extui %eq3A_733 : i1 to i32
    %cond3A_735 = arith.constant 0 : i32
    %cond3A_736 = arith.cmpi ne, %convert_element_type3A_734, %cond3A_735 : i32
    scf.if %cond3A_736 {
      %add3A_759 = arith.constant 256 : i32
      %add3A_760 = arith.addi %mul3A_2, %add3A_759 : i32
      "tpu.region"() ({
        %run_scoped3A = tpu.sem_alloc : memref<!tpu.dma_semaphore, #tpu.memory_space<semaphore_mem>>
        %dma_start3A_761 = arith.constant 0 : i32
        %dma_start3A_762 = arith.constant 0 : i32
        %dma_start3A_763 = tpu.memref_slice %arg8[%dma_start3A_761, %dma_start3A_762] : memref<256x64xf32, #tpu.memory_space<vmem>> -> memref<256x64xf32, #tpu.memory_space<vmem>>
        %dma_start3A_764 = arith.constant 0 : i32
        %dma_start3A_765 = tpu.memref_slice %arg4[%add3A_760, %dma_start3A_764] : memref<10240x64xf32, #tpu.memory_space<hbm>> -> memref<256x64xf32, #tpu.memory_space<hbm>>
        %dma_start3A_766 = arith.constant 0 : i32
        %dma_start3A_767 = tpu.memref_slice %arg4[%add3A_760, %dma_start3A_766] : memref<10240x64xf32, #tpu.memory_space<hbm>> -> memref<256x64xf32, #tpu.memory_space<hbm>>
        %dma_start3A_768 = arith.constant 0 : i32
        %dma_start3A_769 = arith.constant 0 : i32
        %dma_start3A_770 = tpu.memref_slice %arg8[%dma_start3A_768, %dma_start3A_769] : memref<256x64xf32, #tpu.memory_space<vmem>> -> memref<256x64xf32, #tpu.memory_space<vmem>>
        tpu.enqueue_dma source(%dma_start3A_770 : memref<256x64xf32, #tpu.memory_space<vmem>>) target(%dma_start3A_767 : memref<256x64xf32, #tpu.memory_space<hbm>>) target_semaphore(%run_scoped3A : memref<!tpu.dma_semaphore, #tpu.memory_space<semaphore_mem>>)
        %dma_wait3A_771 = arith.constant 0 : i32
        %dma_wait3A_772 = arith.constant 0 : i32
        %dma_wait3A_773 = tpu.memref_slice %arg8[%dma_wait3A_771, %dma_wait3A_772] : memref<256x64xf32, #tpu.memory_space<vmem>> -> memref<256x64xf32, #tpu.memory_space<vmem>>
        %dma_wait3A_774 = arith.constant 0 : i32
        %dma_wait3A_775 = tpu.memref_slice %arg4[%add3A_760, %dma_wait3A_774] : memref<10240x64xf32, #tpu.memory_space<hbm>> -> memref<256x64xf32, #tpu.memory_space<hbm>>
        %dma_wait3A_776 = arith.constant 0 : i32
        %dma_wait3A_777 = tpu.memref_slice %arg4[%add3A_760, %dma_wait3A_776] : memref<10240x64xf32, #tpu.memory_space<hbm>> -> memref<256x64xf32, #tpu.memory_space<hbm>>
        %dma_wait3A_778 = arith.constant 0 : i32
        %dma_wait3A_779 = arith.constant 0 : i32
        %dma_wait3A_780 = tpu.memref_slice %arg8[%dma_wait3A_778, %dma_wait3A_779] : memref<256x64xf32, #tpu.memory_space<vmem>> -> memref<256x64xf32, #tpu.memory_space<vmem>>
        tpu.wait_dma2 semaphore(%run_scoped3A : memref<!tpu.dma_semaphore, #tpu.memory_space<semaphore_mem>>) src(%dma_wait3A_780 : memref<256x64xf32, #tpu.memory_space<vmem>>) dst(%dma_wait3A_777 : memref<256x64xf32, #tpu.memory_space<hbm>>)
        tpu.yield
      }) : () -> ()
    } else {
    }
    %eq3A_737 = arith.constant 1 : i32
    %eq3A_738 = arith.cmpi eq, %arg0, %eq3A_737 : i32
    %convert_element_type3A_739 = arith.extui %eq3A_738 : i1 to i32
    %cond3A_740 = arith.constant 0 : i32
    %cond3A_741 = arith.cmpi ne, %convert_element_type3A_739, %cond3A_740 : i32
    scf.if %cond3A_741 {
      %add3A_759 = arith.constant 256 : i32
      %add3A_760 = arith.addi %mul3A_2, %add3A_759 : i32
      "tpu.region"() ({
        %run_scoped3A = tpu.sem_alloc : memref<!tpu.dma_semaphore, #tpu.memory_space<semaphore_mem>>
        %dma_start3A_761 = arith.constant 0 : i32
        %dma_start3A_762 = arith.constant 0 : i32
        %dma_start3A_763 = tpu.memref_slice %arg8[%dma_start3A_761, %dma_start3A_762] : memref<256x64xf32, #tpu.memory_space<vmem>> -> memref<256x64xf32, #tpu.memory_space<vmem>>
        %dma_start3A_764 = arith.constant 0 : i32
        %dma_start3A_765 = tpu.memref_slice %arg5[%add3A_760, %dma_start3A_764] : memref<10240x64xf32, #tpu.memory_space<hbm>> -> memref<256x64xf32, #tpu.memory_space<hbm>>
        %dma_start3A_766 = arith.constant 0 : i32
        %dma_start3A_767 = tpu.memref_slice %arg5[%add3A_760, %dma_start3A_766] : memref<10240x64xf32, #tpu.memory_space<hbm>> -> memref<256x64xf32, #tpu.memory_space<hbm>>
        %dma_start3A_768 = arith.constant 0 : i32
        %dma_start3A_769 = arith.constant 0 : i32
        %dma_start3A_770 = tpu.memref_slice %arg8[%dma_start3A_768, %dma_start3A_769] : memref<256x64xf32, #tpu.memory_space<vmem>> -> memref<256x64xf32, #tpu.memory_space<vmem>>
        tpu.enqueue_dma source(%dma_start3A_770 : memref<256x64xf32, #tpu.memory_space<vmem>>) target(%dma_start3A_767 : memref<256x64xf32, #tpu.memory_space<hbm>>) target_semaphore(%run_scoped3A : memref<!tpu.dma_semaphore, #tpu.memory_space<semaphore_mem>>)
        %dma_wait3A_771 = arith.constant 0 : i32
        %dma_wait3A_772 = arith.constant 0 : i32
        %dma_wait3A_773 = tpu.memref_slice %arg8[%dma_wait3A_771, %dma_wait3A_772] : memref<256x64xf32, #tpu.memory_space<vmem>> -> memref<256x64xf32, #tpu.memory_space<vmem>>
        %dma_wait3A_774 = arith.constant 0 : i32
        %dma_wait3A_775 = tpu.memref_slice %arg5[%add3A_760, %dma_wait3A_774] : memref<10240x64xf32, #tpu.memory_space<hbm>> -> memref<256x64xf32, #tpu.memory_space<hbm>>
        %dma_wait3A_776 = arith.constant 0 : i32
        %dma_wait3A_777 = tpu.memref_slice %arg5[%add3A_760, %dma_wait3A_776] : memref<10240x64xf32, #tpu.memory_space<hbm>> -> memref<256x64xf32, #tpu.memory_space<hbm>>
        %dma_wait3A_778 = arith.constant 0 : i32
        %dma_wait3A_779 = arith.constant 0 : i32
        %dma_wait3A_780 = tpu.memref_slice %arg8[%dma_wait3A_778, %dma_wait3A_779] : memref<256x64xf32, #tpu.memory_space<vmem>> -> memref<256x64xf32, #tpu.memory_space<vmem>>
        tpu.wait_dma2 semaphore(%run_scoped3A : memref<!tpu.dma_semaphore, #tpu.memory_space<semaphore_mem>>) src(%dma_wait3A_780 : memref<256x64xf32, #tpu.memory_space<vmem>>) dst(%dma_wait3A_777 : memref<256x64xf32, #tpu.memory_space<hbm>>)
        tpu.yield
      }) : () -> ()
    } else {
    }
    %add3A_742 = arith.constant 512 : i32
    %add3A_743 = arith.addi %mul3A_2, %add3A_742 : i32
    "tpu.region"() ({
      %run_scoped3A = tpu.sem_alloc : memref<!tpu.dma_semaphore, #tpu.memory_space<semaphore_mem>>
      %dma_start3A_759 = arith.constant 0 : i32
      %dma_start3A_760 = arith.constant 0 : i32
      %dma_start3A_761 = tpu.memref_slice %arg8[%dma_start3A_759, %dma_start3A_760] : memref<256x64xf32, #tpu.memory_space<vmem>> -> memref<128x64xf32, #tpu.memory_space<vmem>>
      %dma_start3A_762 = arith.constant 0 : i32
      %dma_start3A_763 = tpu.memref_slice %arg6[%add3A_743, %dma_start3A_762] : memref<10240x64xf32, #tpu.memory_space<vmem_shared>> -> memref<128x64xf32, #tpu.memory_space<vmem_shared>>
      %dma_start3A_764 = arith.constant 0 : i32
      %dma_start3A_765 = arith.constant 0 : i32
      %dma_start3A_766 = tpu.memref_slice %arg8[%dma_start3A_764, %dma_start3A_765] : memref<256x64xf32, #tpu.memory_space<vmem>> -> memref<128x64xf32, #tpu.memory_space<vmem>>
      %dma_start3A_767 = arith.constant 0 : i32
      %dma_start3A_768 = tpu.memref_slice %arg6[%add3A_743, %dma_start3A_767] : memref<10240x64xf32, #tpu.memory_space<vmem_shared>> -> memref<128x64xf32, #tpu.memory_space<vmem_shared>>
      tpu.enqueue_dma source(%dma_start3A_768 : memref<128x64xf32, #tpu.memory_space<vmem_shared>>) target(%dma_start3A_766 : memref<128x64xf32, #tpu.memory_space<vmem>>) target_semaphore(%run_scoped3A : memref<!tpu.dma_semaphore, #tpu.memory_space<semaphore_mem>>)
      %dma_wait3A_769 = arith.constant 0 : i32
      %dma_wait3A_770 = arith.constant 0 : i32
      %dma_wait3A_771 = tpu.memref_slice %arg8[%dma_wait3A_769, %dma_wait3A_770] : memref<256x64xf32, #tpu.memory_space<vmem>> -> memref<128x64xf32, #tpu.memory_space<vmem>>
      %dma_wait3A_772 = arith.constant 0 : i32
      %dma_wait3A_773 = tpu.memref_slice %arg6[%add3A_743, %dma_wait3A_772] : memref<10240x64xf32, #tpu.memory_space<vmem_shared>> -> memref<128x64xf32, #tpu.memory_space<vmem_shared>>
      %dma_wait3A_774 = arith.constant 0 : i32
      %dma_wait3A_775 = arith.constant 0 : i32
      %dma_wait3A_776 = tpu.memref_slice %arg8[%dma_wait3A_774, %dma_wait3A_775] : memref<256x64xf32, #tpu.memory_space<vmem>> -> memref<128x64xf32, #tpu.memory_space<vmem>>
      %dma_wait3A_777 = arith.constant 0 : i32
      %dma_wait3A_778 = tpu.memref_slice %arg6[%add3A_743, %dma_wait3A_777] : memref<10240x64xf32, #tpu.memory_space<vmem_shared>> -> memref<128x64xf32, #tpu.memory_space<vmem_shared>>
      tpu.wait_dma2 semaphore(%run_scoped3A : memref<!tpu.dma_semaphore, #tpu.memory_space<semaphore_mem>>) src(%dma_wait3A_778 : memref<128x64xf32, #tpu.memory_space<vmem_shared>>) dst(%dma_wait3A_776 : memref<128x64xf32, #tpu.memory_space<vmem>>)
      tpu.yield
    }) : () -> ()
    %scan3A_744 = arith.constant 0 : i32
    %scan3A_745 = arith.constant 128 : i32
    %scan3A_746 = arith.addi %scan3A_744, %scan3A_745 : i32
    %scan3A_747 = arith.constant 1 : i32
    scf.for %scan3A_759 = %scan3A_744 to %scan3A_746 step %scan3A_747  : i32 {
      %add3A_760 = arith.constant 512 : i32
      %add3A_761 = arith.addi %add3A_760, %scan3A_759 : i32
      %broadcast_in_dim3A_762 = vector.broadcast %add3A_761 : i32 to vector<16xi32>
      %gather3A = tpu.vector_load_idx %arg16[%broadcast_in_dim3A_762] : memref<640xf32, #tpu.memory_space<vmem>>[vector<16xi32>], vector<16xf32>,
      %get3A_763 = arith.index_cast %scan3A_759 : i32 to index
      %get3A_764 = arith.constant 0 : index
      %get3A_765 = tpu.vector_load %arg8[%get3A_763, %get3A_764] {strides = array<i32>} : memref<256x64xf32, #tpu.memory_space<vmem>>, vector<16xf32>,
      %mul3A_766 = arith.mulf %get3A_765, %gather3A : vector<16xf32>
      %swap3A_767 = arith.index_cast %scan3A_759 : i32 to index
      %swap3A_768 = arith.constant 0 : index
      %swap3A_769 = tpu.vector_load %arg8[%swap3A_767, %swap3A_768] {strides = array<i32>} : memref<256x64xf32, #tpu.memory_space<vmem>>, vector<16xf32>,
      tpu.vector_store %arg8[%swap3A_767, %swap3A_768], %mul3A_766 {strides = array<i32>} : memref<256x64xf32, #tpu.memory_space<vmem>>, vector<16xf32>,
      %get3A_770 = arith.index_cast %scan3A_759 : i32 to index
      %get3A_771 = arith.constant 16 : index
      %get3A_772 = tpu.vector_load %arg8[%get3A_770, %get3A_771] {strides = array<i32>} : memref<256x64xf32, #tpu.memory_space<vmem>>, vector<16xf32>,
      %mul3A_773 = arith.mulf %get3A_772, %gather3A : vector<16xf32>
      %swap3A_774 = arith.index_cast %scan3A_759 : i32 to index
      %swap3A_775 = arith.constant 16 : index
      %swap3A_776 = tpu.vector_load %arg8[%swap3A_774, %swap3A_775] {strides = array<i32>} : memref<256x64xf32, #tpu.memory_space<vmem>>, vector<16xf32>,
      tpu.vector_store %arg8[%swap3A_774, %swap3A_775], %mul3A_773 {strides = array<i32>} : memref<256x64xf32, #tpu.memory_space<vmem>>, vector<16xf32>,
      %get3A_777 = arith.index_cast %scan3A_759 : i32 to index
      %get3A_778 = arith.constant 32 : index
      %get3A_779 = tpu.vector_load %arg8[%get3A_777, %get3A_778] {strides = array<i32>} : memref<256x64xf32, #tpu.memory_space<vmem>>, vector<16xf32>,
      %mul3A_780 = arith.mulf %get3A_779, %gather3A : vector<16xf32>
      %swap3A_781 = arith.index_cast %scan3A_759 : i32 to index
      %swap3A_782 = arith.constant 32 : index
      %swap3A_783 = tpu.vector_load %arg8[%swap3A_781, %swap3A_782] {strides = array<i32>} : memref<256x64xf32, #tpu.memory_space<vmem>>, vector<16xf32>,
      tpu.vector_store %arg8[%swap3A_781, %swap3A_782], %mul3A_780 {strides = array<i32>} : memref<256x64xf32, #tpu.memory_space<vmem>>, vector<16xf32>,
      %get3A_784 = arith.index_cast %scan3A_759 : i32 to index
      %get3A_785 = arith.constant 48 : index
      %get3A_786 = tpu.vector_load %arg8[%get3A_784, %get3A_785] {strides = array<i32>} : memref<256x64xf32, #tpu.memory_space<vmem>>, vector<16xf32>,
      %mul3A_787 = arith.mulf %get3A_786, %gather3A : vector<16xf32>
      %swap3A_788 = arith.index_cast %scan3A_759 : i32 to index
      %swap3A_789 = arith.constant 48 : index
      %swap3A_790 = tpu.vector_load %arg8[%swap3A_788, %swap3A_789] {strides = array<i32>} : memref<256x64xf32, #tpu.memory_space<vmem>>, vector<16xf32>,
      tpu.vector_store %arg8[%swap3A_788, %swap3A_789], %mul3A_787 {strides = array<i32>} : memref<256x64xf32, #tpu.memory_space<vmem>>, vector<16xf32>,
    }
    %scan3A_748 = arith.constant 128 : i32
    %eq3A_749 = arith.constant 0 : i32
    %eq3A_750 = arith.cmpi eq, %arg0, %eq3A_749 : i32
    %convert_element_type3A_751 = arith.extui %eq3A_750 : i1 to i32
    %cond3A_752 = arith.constant 0 : i32
    %cond3A_753 = arith.cmpi ne, %convert_element_type3A_751, %cond3A_752 : i32
    scf.if %cond3A_753 {
      %add3A_759 = arith.constant 512 : i32
      %add3A_760 = arith.addi %mul3A_2, %add3A_759 : i32
      "tpu.region"() ({
        %run_scoped3A = tpu.sem_alloc : memref<!tpu.dma_semaphore, #tpu.memory_space<semaphore_mem>>
        %dma_start3A_761 = arith.constant 0 : i32
        %dma_start3A_762 = arith.constant 0 : i32
        %dma_start3A_763 = tpu.memref_slice %arg8[%dma_start3A_761, %dma_start3A_762] : memref<256x64xf32, #tpu.memory_space<vmem>> -> memref<128x64xf32, #tpu.memory_space<vmem>>
        %dma_start3A_764 = arith.constant 0 : i32
        %dma_start3A_765 = tpu.memref_slice %arg4[%add3A_760, %dma_start3A_764] : memref<10240x64xf32, #tpu.memory_space<hbm>> -> memref<128x64xf32, #tpu.memory_space<hbm>>
        %dma_start3A_766 = arith.constant 0 : i32
        %dma_start3A_767 = tpu.memref_slice %arg4[%add3A_760, %dma_start3A_766] : memref<10240x64xf32, #tpu.memory_space<hbm>> -> memref<128x64xf32, #tpu.memory_space<hbm>>
        %dma_start3A_768 = arith.constant 0 : i32
        %dma_start3A_769 = arith.constant 0 : i32
        %dma_start3A_770 = tpu.memref_slice %arg8[%dma_start3A_768, %dma_start3A_769] : memref<256x64xf32, #tpu.memory_space<vmem>> -> memref<128x64xf32, #tpu.memory_space<vmem>>
        tpu.enqueue_dma source(%dma_start3A_770 : memref<128x64xf32, #tpu.memory_space<vmem>>) target(%dma_start3A_767 : memref<128x64xf32, #tpu.memory_space<hbm>>) target_semaphore(%run_scoped3A : memref<!tpu.dma_semaphore, #tpu.memory_space<semaphore_mem>>)
        %dma_wait3A_771 = arith.constant 0 : i32
        %dma_wait3A_772 = arith.constant 0 : i32
        %dma_wait3A_773 = tpu.memref_slice %arg8[%dma_wait3A_771, %dma_wait3A_772] : memref<256x64xf32, #tpu.memory_space<vmem>> -> memref<128x64xf32, #tpu.memory_space<vmem>>
        %dma_wait3A_774 = arith.constant 0 : i32
        %dma_wait3A_775 = tpu.memref_slice %arg4[%add3A_760, %dma_wait3A_774] : memref<10240x64xf32, #tpu.memory_space<hbm>> -> memref<128x64xf32, #tpu.memory_space<hbm>>
        %dma_wait3A_776 = arith.constant 0 : i32
        %dma_wait3A_777 = tpu.memref_slice %arg4[%add3A_760, %dma_wait3A_776] : memref<10240x64xf32, #tpu.memory_space<hbm>> -> memref<128x64xf32, #tpu.memory_space<hbm>>
        %dma_wait3A_778 = arith.constant 0 : i32
        %dma_wait3A_779 = arith.constant 0 : i32
        %dma_wait3A_780 = tpu.memref_slice %arg8[%dma_wait3A_778, %dma_wait3A_779] : memref<256x64xf32, #tpu.memory_space<vmem>> -> memref<128x64xf32, #tpu.memory_space<vmem>>
        tpu.wait_dma2 semaphore(%run_scoped3A : memref<!tpu.dma_semaphore, #tpu.memory_space<semaphore_mem>>) src(%dma_wait3A_780 : memref<128x64xf32, #tpu.memory_space<vmem>>) dst(%dma_wait3A_777 : memref<128x64xf32, #tpu.memory_space<hbm>>)
        tpu.yield
      }) : () -> ()
    } else {
    }
    %eq3A_754 = arith.constant 1 : i32
    %eq3A_755 = arith.cmpi eq, %arg0, %eq3A_754 : i32
    %convert_element_type3A_756 = arith.extui %eq3A_755 : i1 to i32
    %cond3A_757 = arith.constant 0 : i32
    %cond3A_758 = arith.cmpi ne, %convert_element_type3A_756, %cond3A_757 : i32
    scf.if %cond3A_758 {
      %add3A_759 = arith.constant 512 : i32
      %add3A_760 = arith.addi %mul3A_2, %add3A_759 : i32
      "tpu.region"() ({
        %run_scoped3A = tpu.sem_alloc : memref<!tpu.dma_semaphore, #tpu.memory_space<semaphore_mem>>
        %dma_start3A_761 = arith.constant 0 : i32
        %dma_start3A_762 = arith.constant 0 : i32
        %dma_start3A_763 = tpu.memref_slice %arg8[%dma_start3A_761, %dma_start3A_762] : memref<256x64xf32, #tpu.memory_space<vmem>> -> memref<128x64xf32, #tpu.memory_space<vmem>>
        %dma_start3A_764 = arith.constant 0 : i32
        %dma_start3A_765 = tpu.memref_slice %arg5[%add3A_760, %dma_start3A_764] : memref<10240x64xf32, #tpu.memory_space<hbm>> -> memref<128x64xf32, #tpu.memory_space<hbm>>
        %dma_start3A_766 = arith.constant 0 : i32
        %dma_start3A_767 = tpu.memref_slice %arg5[%add3A_760, %dma_start3A_766] : memref<10240x64xf32, #tpu.memory_space<hbm>> -> memref<128x64xf32, #tpu.memory_space<hbm>>
        %dma_start3A_768 = arith.constant 0 : i32
        %dma_start3A_769 = arith.constant 0 : i32
        %dma_start3A_770 = tpu.memref_slice %arg8[%dma_start3A_768, %dma_start3A_769] : memref<256x64xf32, #tpu.memory_space<vmem>> -> memref<128x64xf32, #tpu.memory_space<vmem>>
        tpu.enqueue_dma source(%dma_start3A_770 : memref<128x64xf32, #tpu.memory_space<vmem>>) target(%dma_start3A_767 : memref<128x64xf32, #tpu.memory_space<hbm>>) target_semaphore(%run_scoped3A : memref<!tpu.dma_semaphore, #tpu.memory_space<semaphore_mem>>)
        %dma_wait3A_771 = arith.constant 0 : i32
        %dma_wait3A_772 = arith.constant 0 : i32
        %dma_wait3A_773 = tpu.memref_slice %arg8[%dma_wait3A_771, %dma_wait3A_772] : memref<256x64xf32, #tpu.memory_space<vmem>> -> memref<128x64xf32, #tpu.memory_space<vmem>>
        %dma_wait3A_774 = arith.constant 0 : i32
        %dma_wait3A_775 = tpu.memref_slice %arg5[%add3A_760, %dma_wait3A_774] : memref<10240x64xf32, #tpu.memory_space<hbm>> -> memref<128x64xf32, #tpu.memory_space<hbm>>
        %dma_wait3A_776 = arith.constant 0 : i32
        %dma_wait3A_777 = tpu.memref_slice %arg5[%add3A_760, %dma_wait3A_776] : memref<10240x64xf32, #tpu.memory_space<hbm>> -> memref<128x64xf32, #tpu.memory_space<hbm>>
        %dma_wait3A_778 = arith.constant 0 : i32
        %dma_wait3A_779 = arith.constant 0 : i32
        %dma_wait3A_780 = tpu.memref_slice %arg8[%dma_wait3A_778, %dma_wait3A_779] : memref<256x64xf32, #tpu.memory_space<vmem>> -> memref<128x64xf32, #tpu.memory_space<vmem>>
        tpu.wait_dma2 semaphore(%run_scoped3A : memref<!tpu.dma_semaphore, #tpu.memory_space<semaphore_mem>>) src(%dma_wait3A_780 : memref<128x64xf32, #tpu.memory_space<vmem>>) dst(%dma_wait3A_777 : memref<128x64xf32, #tpu.memory_space<hbm>>)
        tpu.yield
      }) : () -> ()
    } else {
    }
    return
  }
}

</mosaic_0001>

<sc_bundles>
// kernel: kernel.3.cloned.1.call-start
scs
__scs_entry_jumppad:
0x0: {  	(pc) =	sbr.rel $0x88, $3  }
0x1: {  	(tag) =	ssettag $0x0;
	lr =	simm.s32 $0x1  }
0x2: {  	[smem:$0x3F9F] =	sst lr;
	_ =	strace $0xD0000000  }
0x3: {  	_ = 	snop  }
0x4: {  	_ = 	snop  }
0x5: {  	_ = 	snop  }
0x6: {  	_ = 	snop  }
0x7: {  	_ = 	snop  }
__scs_overlays_trampoline_lowered:
0x8: {  	[smem:$0x3FAE] =	sst s0  }
0x9: {  	[smem:$0x3FAF] =	sst s1  }
0xa: {  	[smem:$0x3FB0] =	sst s2  }
0xb: {  	[smem:$0x3FB1] =	sst s3  }
0xc: {  	[smem:$0x3FB2] =	sst s4  }
0xd: {  	[smem:$0x3FB3] =	sst s5  }
0xe: {  	[smem:$0x3FB4] =	sst s6  }
0xf: {  	[smem:$0x3FB5] =	sst s7  }
0x10: {  	[smem:$0x3FB6] =	sst s8  }
0x11: {  	[smem:$0x3FB7] =	sst s9;
	s0 =	simm.s32 @!p0 $0x0  }
0x12: {  	s1 =	sld [smem:$0x3F9D];
	s0 =	simm.s32 @p0 $0x1  }
0x13: {  	[smem:$0x3FB8] =	sst s0;
	s0 =	simm.s32 @!p1 $0x0  }
0x14: {  	s2 =	sld [smem:$0x3F9C];
	s0 =	simm.s32 @p1 $0x1  }
0x15: {  	[smem:$0x3FB9] =	sst s0;
	s0 =	simm.s32 @!p2 $0x0  }
0x16: {  	s3 =	sld [smem:$0x3FDB];
	s0 =	simm.s32 @p2 $0x1  }
0x17: {  	s4 =	simm.s32 $0x1BF5;
	[smem:$0x3FBB] =	sst s0  }
0x18: {  	s0 =	sld [smem:$0x3F9E];
	_ =	swait.ge [sflag:s4], $0x0  }
0x19: {  	s7 =	sld [smem:$0x3F9F]  }
0x1a: {  	s8 =	sadd.s32 $0xFFFFE003, lr  }
0x1b: {  	s9 =	sadd.s32 $0xFFFFFEF7, lr;
	s5 =	simm.s32 $0xFFFFFFFF;
	p2 =	slt.u32 s8, $0xFFFFF086  }
0x1c: {  	p1 =	slt.u32 s9, $0xF7A;
	s5 =	simm.s32 @!p2 $0x0  }
0x1d: {  	s5 =	simm.s32 @p1 $0x1;
	p0 =	seq.s32 s7, s2  }
0x1e: {  	s7 =	smul.u32 @!p0 $0xF7A, s2;
	p2 =	seq.s32 @!p0 s5, $0x0  }
0x1f: {  	s9 =	smul.u32 $0xF7A, s1;
	s8 =	simm.s32 @!p0 $0x1BF5;
	p2 =	por !p2, p0  }
0x20: {  	[sflag:s8] =	ssyncset.s32 @!p0 $0xFFFFF086;
	s6 =	sadd.s32 @!p0 s3, s7;
	s7 =	simm.s32 @!p0 $0x108  }
0x21: {  	s3 =	sadd.s32 s3, s9;
	s6 =	sadd.s32 @!p0 $0x88, s6;
	s7 =	simm.s32 @p2 $0x1082  }
0x22: {  	[simem:s7], [sflag:s8] =	dma.local @!p0 [hbm:s6], $0xF7A  }
0x23: {  	s9 =	sor.u32 $0xD0000000, s2;
	s6 =	simm.s32 $0x108;
	_ =	swait.ge @!p0 [sflag:s8], $0x0  }
0x24: {  	s3 =	sadd.s32 $0x88, s3;
	s6 =	simm.s32 @!p1 $0x1082;
	[sflag:s4] =	ssyncset.s32 $0xFFFFF086  }
0x25: {  	[simem:s6], [sflag:s4] =	dma.local [hbm:s3], $0xF7A  }
0x26: {  	[smem:$0x3F9F] =	sst s1;
	(tag) =	ssettag s2;
	_ =	strace s9  }
0x27: {  	s1 =	sld [smem:$0x3FAF]  }
0x28: {  	s2 =	sld [smem:$0x3FB0]  }
0x29: {  	s4 =	sld [smem:$0x3FB2]  }
0x2a: {  	p0 =	seq.s32 s5, $0x0;
	s5 =	sld [smem:$0x3FB3]  }
0x2b: {  	s6 =	sld [smem:$0x3FB4]  }
0x2c: {  	s7 =	sld [smem:$0x3FB5]  }
0x2d: {  	s3 =	simm.s32 $0x108;
	s8 =	sld [smem:$0x3FB6]  }
0x2e: {  	s3 =	simm.s32 @!p0 $0x1082;
	s9 =	sld [smem:$0x3FB7]  }
0x2f: {  	lr =	sadd.s32 s0, s3;
	s0 =	sld [smem:$0x3FAE]  }
0x30: {  	s3 =	sld [smem:$0x3FB1]  }
0x31: {  	[smem:$0x3FBA] =	sst s10  }
0x32: {  	s10 =	sld [smem:$0x3FB8];
	_ =	sdelay $0x3  }
0x33: {  	p0 =	seq.s32 s10, $0x1;
	s10 =	sld [smem:$0x3FBA];
	_ =	sdelay $0x3  }
0x34: {  	[smem:$0x3FBA] =	sst s10  }
0x35: {  	s10 =	sld [smem:$0x3FB9];
	_ =	sdelay $0x3  }
0x36: {  	p1 =	seq.s32 s10, $0x1;
	s10 =	sld [smem:$0x3FBA];
	_ =	sdelay $0x3  }
0x37: {  	[smem:$0x3FBA] =	sst s10  }
0x38: {  	s10 =	sld [smem:$0x3FBB]  }
0x39: {  	_ = 	snop;
	(pc) =	sbr.ind lr, $3  }
0x3a: {  	_ = 	snop  }
0x3b: {  	_ = 	snop  }
0x3c: {  	p2 =	seq.s32 s10, $0x1;
	s10 =	sld [smem:$0x3FBA]  }
0x3d: {  	_ =	shalt  }
0x3e: {  	_ =	shalt  }
0x3f: {  	_ =	shalt  }
0x40: {  	_ =	shalt  }
0x41: {  	_ =	shalt  }
0x42: {  	_ =	shalt  }
0x43: {  	_ =	shalt  }
0x44: {  	_ =	shalt  }
0x45: {  	_ =	shalt  }
0x46: {  	_ =	shalt  }
0x47: {  	_ =	shalt  }
0x48: {  	_ =	shalt  }
0x49: {  	_ =	shalt  }
0x4a: {  	_ =	shalt  }
0x4b: {  	_ =	shalt  }
0x4c: {  	_ =	shalt  }
0x4d: {  	_ =	shalt  }
0x4e: {  	_ =	shalt  }
0x4f: {  	_ =	shalt  }
0x50: {  	_ =	shalt  }
0x51: {  	_ =	shalt  }
0x52: {  	_ =	shalt  }
0x53: {  	_ =	shalt  }
0x54: {  	_ =	shalt  }
0x55: {  	_ =	shalt  }
0x56: {  	_ =	shalt  }
0x57: {  	_ =	shalt  }
0x58: {  	_ =	shalt  }
0x59: {  	_ =	shalt  }
0x5a: {  	_ =	shalt  }
0x5b: {  	_ =	shalt  }
0x5c: {  	_ =	shalt  }
0x5d: {  	_ =	shalt  }
0x5e: {  	_ =	shalt  }
0x5f: {  	_ =	shalt  }
0x60: {  	_ =	shalt  }
0x61: {  	_ =	shalt  }
0x62: {  	_ =	shalt  }
0x63: {  	_ =	shalt  }
0x64: {  	_ =	shalt  }
0x65: {  	_ =	shalt  }
0x66: {  	_ =	shalt  }
0x67: {  	_ =	shalt  }
0x68: {  	_ =	shalt  }
0x69: {  	_ =	shalt  }
0x6a: {  	_ =	shalt  }
0x6b: {  	_ =	shalt  }
0x6c: {  	_ =	shalt  }
0x6d: {  	_ =	shalt  }
0x6e: {  	_ =	shalt  }
0x6f: {  	_ =	shalt  }
0x70: {  	_ =	shalt  }
0x71: {  	_ =	shalt  }
0x72: {  	_ =	shalt  }
0x73: {  	_ =	shalt  }
0x74: {  	_ =	shalt  }
0x75: {  	_ =	shalt  }
0x76: {  	_ =	shalt  }
0x77: {  	_ =	shalt  }
0x78: {  	_ =	shalt  }
0x79: {  	_ =	shalt  }
0x7a: {  	_ =	shalt  }
0x7b: {  	_ =	shalt  }
0x7c: {  	_ =	shalt  }
0x7d: {  	_ =	shalt  }
0x7e: {  	_ =	shalt  }
0x7f: {  	_ =	shalt  }
0x80: {  	_ =	shalt  }
0x81: {  	_ =	shalt  }
0x82: {  	_ =	shalt  }
0x83: {  	_ =	shalt  }
0x84: {  	_ =	shalt  }
0x85: {  	_ =	shalt  }
0x86: {  	_ =	shalt  }
0x87: {  	_ =	shalt  }
.Lfunc_end0:
.L_simem_size_0:
called_computation_lowered:
.L_overlay_start_0:
0x88: {  	s2 =	sld [smem:$0x3FD9]  }
0x89: {  	s3 =	sld [smem:$0x3FFE];
	_ =	sdelay $0x1  }
0x8a: {  	s1 =	srdreg.scid  }
0x8b: {  	s0 =	sand.u32 $0x1, s1  }
0x8c: {  	s17 =	sshll.u32 s0, $0xA;
	s2 =	sadd.s32 s3, s2  }
0x8d: {  	s2 =	sadd.s32 s2, s17  }
0x8e: {  	[smem:$0x3FC6] =	sst s2  }
0x8f: {  	_ = 	snop  }
0x90: {  	s2 =	sld [smem:$0x3FC9]  }
0x91: {  	s18 =	sld [smem:$0x3FC8]  }
0x92: {  	s4 =	sld [smem:$0x3FD0];
	(tm) =	ssettm $0x1  }
0x93: {  	s5 =	sld [smem:$0x3FFB];
	_ =	sdelay $0x3  }
0x94: {  	_ =	strace s5  }
0x95: {  	s5 =	sld [smem:$0x3FFC];
	_ =	sdelay $0x3  }
0x96: {  	_ =	strace s5  }
0x97: {  	s5 =	sld [smem:$0x3FFD];
	_ =	sdelay $0x3  }
0x98: {  	_ =	strace s5  }
0x99: {  	_ =	strace $0x8FFFFFFF  }
0x9a: {  	s19 =	sld [smem:$0x3FDB];
	_ =	sdelay $0x1  }
0x9b: {  	s6 =	simm.s32 $_scs_section_size  }
0x9c: {  	s7 =	simm.s32 $_size__tile_overlayer_lowered;
	s8 =	simm.s32 $_tile_overlayer_lowered  }
0x9d: {  	s22 =	simm.s32 $0x1BFF;
	s21 =	sshll.u32 s8, $0x1;
	s5 =	sadd.s32 s6, s19  }
0x9e: {  	s9 =	simm.s32 $0x0;
	s20 =	sshll.u32 s7, $0x1;
	s7 =	sadd.s32 s21, s5  }
0x9f: {  	[timem:s9], [sflag:s22] =	dma.local [hbm:s7], s20  }
0xa0: {  	_ =	swait.ge [sflag:s22], s20  }
0xa1: {  	s6 =	ssub.s32 $0x0, s20;
	[sflag:s22] =	ssyncset.done $0x0  }
0xa2: {  	[sflag:s22] =	ssyncadd.s32 s6;
	_ =	sdelay $0x1  }
0xa3: {  	s23 =	simm.s32 $0x1B8B  }
0xa4: {  	_ =	swait.ge [sflag:s23], $0x1  }
0xa5: {  	[sflag:s23] =	ssyncset.done $0x0  }
0xa6: {  	s25 =	simm.s32 $0x1B8E;
	s24 =	sld [smem:$0x3FFE];
	[sflag:s23] =	ssyncadd.s32 $0xFFFFFFFF  }
0xa7: {  	s26 =	simm.s32 $execute0_lowered;
	[smem:$0x3FD2] =	sst s25  }
0xa8: {  	s7 =	sshll.u32 s26, $0x1;
	_ =	strace $0x80000046;
	[dreg:$0x1] =	wrdreg $0xFFFFFFFF  }
0xa9: {  	s28 =	simm.s32 $_size_execute0_lowered;
	s5 =	sadd.s32 s5, s7;
	[dreg:$0x0] =	wrdreg $0x0  }
0xaa: {  	s7 =	sshll.u32 s28, $0x1;
	[dreg:$0x2] =	wrdreg s5  }
0xab: {  	[dreg:$0x3] =	wrdreg s7  }
0xac: {  	[dreg:$0x4] =	wrdreg $0xC0  }
0xad: {  	_ =	task [dreg:s9], $0x5FFFF  }
0xae: {  	[dreg:$0x1] =	wrdreg $0xFFFFFFFF  }
0xaf: {  	[dreg:$0x0] =	wrdreg $0x60  }
0xb0: {  	[dreg:$0x2] =	wrdreg s2  }
0xb1: {  	[dreg:$0x3] =	wrdreg s18  }
0xb2: {  	[dreg:$0x4] =	wrdreg s4  }
0xb3: {  	[dreg:$0x5] =	wrdreg s24  }
0xb4: {  	[dreg:$0x6] =	wrdreg $0x0  }
0xb5: {  	[dreg:$0x7] =	wrdreg $0xA0000  }
0xb6: {  	[dreg:$0x8] =	wrdreg $0x9  }
0xb7: {  	_ =	task.clear_ibuf [dreg:s9], $0x9FFFF;
	_ =	strace $0x90000046  }
0xb8: {  	s29 =	simm.s32 $0x9;
	_ =	strace $0x80000048  }
0xb9: {  	_ =	swait.ge [sflag:s29], $0x1  }
0xba: {  	[sflag:s29] =	ssyncadd.s32 $0xFFFFFFFF  }
0xbb: {  	_ =	strace $0x90000048  }
0xbc: {  	_ =	sfence  }
0xbd: {  	s30 =	sld [smem:$0x0];
	_ =	sdelay $0x2  }
0xbe: {  	s31 =	sshll.u32 s1, $0xD;
	s1 =	sshrl.u32 s1, $0x2  }
0xbf: {  	s3 =	sand.u32 $0x4000, s31;
	s1 =	sadd.s32 s1, s30  }
0xc0: {  	s0 =	sor.u32 s3, s0;
	s1 =	sshll.u32 s1, $0x11  }
0xc1: {  	s0 =	sor.u32 s1, s0  }
0xc2: {  	s0 =	sadd.s32 $0x8F2B, s0  }
0xc3: {  	[sflag:s0] =	ssyncadd.remote.s32 $0x1  }
0xc4: {  	_ =	sfence.sel $0xFFFF  }
0xc5: {  	[dreg:$0x0] =	wrdreg $0xFFFFFFFF;
	(pc) =	sbr.abs _section_cstart, $3  }
0xc6: {  	[dreg:$0x1] =	wrdreg $0xFFFFFFFF  }
0xc7: {  	_ =	task.clear_ibuf [dreg:s9], $0x2FFFF;
	_ =	strace $0x9FFFFFFF  }
0xc8: {  	(tm) =	ssettm $0x7FFFFFFF  }
0xc9: {  	_ =	shalt  }
tec
execute0_lowered:
.L_overlay_start_1:
0x0: {  	(tag) =	ssettag $0x1  }
0x1: {  	s0 =	rddreg [dreg:$0x0]  }
0x2: {  	s4 =	rddreg [dreg:$0x1]  }
0x3: {  	s3 =	rddreg [dreg:$0x2]  }
0x4: {  	s2 =	rddreg [dreg:$0x3]  }
0x5: {  	s5 =	rddreg [dreg:$0x5];
	s15 =	stileid.u32  }
0x6: {  	s28 =	simm.s32 $0x0;
	s6 =	srdreg.scid;
	s21 =	smul.u32 $0x270000, s15  }
0x7: {  	s31 =	simm.s32 $0x1DD80;
	s30 =	simm.s32 $0x8;
	s10 =	smul.u32 $0x4E00, s15  }
0x8: {  	[smem:$0x7FF] =	sst s28;
	s7 =	sadd.s32 $0x1000, s2;
	s12 =	smul.u32 $0x9C0, s15  }
0x9: {  	s6 =	sand.u32 $0x1, s6;
	s18 =	sshll.u32 s15, $0x7;
	s20 =	smul.u32 $0xA00, s15  }
0xa: {  	s8 =	ssub.s32 $0x2, s6;
	s9 =	sshll.u32 s6, $0x6;
	p0 =	seq.s32 s6, $0x0  }
0xb: {  	s6 =	simm.s32 $0x18900;
	s11 =	sshrl.u32 s8, $0x1;
	s13 =	sor.u32 s9, s21  }
0xc: {  	s23 =	sor.u32 $0x100, s10;
	s16 =	sadd.s32 s4, s12;
	s25 =	sadd.s32 $0x200, s10  }
0xd: {  	s1 =	sadd.s32 $0x300, s10;
	s10 =	sadd.s32 $0x400, s10;
	s7 =	smov.u32 @p0 s3  }
0xe: {  	p0 =	sgt.u32 s15, $0x3;
	s2 =	ssub.s32 s8, s11;
	s22 =	sshrl.u32 s13, $0x3  }
0xf: {  	s24 =	sshll.u32 s23, $0x7;
	s11 =	sshrl.u32 s23, $0x3;
	s26 =	sshll.u32 s25, $0x7  }
0x10: {  	s12 =	sshrl.u32 s25, $0x3;
	s14 =	sshll.u32 s1, $0x7;
	s8 =	sadd.s32 s0, s22  }
0x11: {  	s17 =	sshll.u32 s10, $0x7;
	s11 =	sadd.s32 s4, s11;
	[dreg:$0x8] =	wrdreg s8  }
0x12: {  	s29 =	sor.u32 s9, s26;
	s12 =	sadd.s32 s4, s12;
	[dreg:$0x9] =	wrdreg s11  }
0x13: {  	s8 =	sor.u32 s9, s24;
	[dreg:$0xb] =	wrdreg s12;
	s12 =	sor.u32 s9, s14  }
0x14: {  	s11 =	sshrl.u32 s1, $0x3;
	s14 =	sshrl.u32 s10, $0x3;
	s10 =	sor.u32 $0x4E000, s18  }
0x15: {  	s24 =	sshrl.u32 s20, $0x2;
	s8 =	sshrl.u32 s8, $0x3;
	s11 =	sadd.s32 s4, s11  }
0x16: {  	s8 =	sadd.s32 s0, s8;
	[dreg:$0xd] =	wrdreg s11;
	s11 =	smul.u32 $0xA000, s15  }
0x17: {  	s19 =	sshrl.u32 s10, $0x3;
	[dreg:$0xa] =	wrdreg s8;
	s8 =	sshrl.u32 s29, $0x3  }
0x18: {  	s21 =	sshll.u32 s10, $0x7;
	s8 =	sadd.s32 s0, s8;
	s22 =	sshrl.u32 s11, $0x2  }
0x19: {  	s25 =	sadd.s32 $0x4000, s11;
	s29 =	sshrl.u32 s11, $0x3;
	[dreg:$0xc] =	wrdreg s8  }
0x1a: {  	s8 =	sshrl.u32 s12, $0x3;
	s23 =	sadd.s32 s22, s5;
	s22 =	rddreg [dreg:$0x4]  }
0x1b: {  	s5 =	sadd.s32 s24, s5;
	s1 =	sshrl.u32 s25, $0x3;
	[dreg:$0x11] =	wrdreg s23  }
0x1c: {  	s3 =	sadd.s32 s7, s29;
	s12 =	sadd.s32 $0x30000, s13;
	[dreg:$0x12] =	wrdreg s5  }
0x1d: {  	s29 =	sadd.s32 $0xE0, s16;
	s8 =	sadd.s32 s0, s8;
	[dreg:$0x14] =	wrdreg s3  }
0x1e: {  	s5 =	sadd.s32 $0x8000, s11;
	s20 =	sadd.s32 s25, s22;
	[dreg:$0xe] =	wrdreg s8  }
0x1f: {  	s8 =	sadd.s32 s4, s14;
	s4 =	sadd.s32 s4, s19;
	s26 =	sshrl.u32 s5, $0x3  }
0x20: {  	s14 =	smul.u32 $0x28000, s15;
	s19 =	sadd.s32 s11, s22;
	s25 =	sadd.s32 s5, s22  }
0x21: {  	s11 =	simm.s32 $0x18B00;
	s15 =	simm.s32 $0x4;
	[dreg:$0xf] =	wrdreg s8  }
0x22: {  	s5 =	simm.s32 $0x7;
	s8 =	sor.u32 s9, s17;
	[dreg:$0x10] =	wrdreg s4  }
0x23: {  	s4 =	sor.u32 s9, s21;
	s9 =	sadd.s32 s7, s26;
	s7 =	sadd.s32 s7, s1  }
0x24: {  	s26 =	smax.u32 s2, $0x1;
	s8 =	sshrl.u32 s8, $0x3;
	[dreg:$0x13] =	wrdreg s9  }
0x25: {  	[dreg:$0x15] =	wrdreg s7;
	s9 =	sadd.s32 $0x38000, s13;
	s4 =	sshrl.u32 s4, $0x3  }
0x26: {  	s13 =	sadd.s32 $0x28000, s13;
	s18 =	sshrl.u32 s14, $0x2;
	s7 =	simm.s32 $0x10800  }
0x27: {  	s14 =	simm.s32 $0x3;
	s10 =	sadd.s32 s0, s8;
	s3 =	sshrl.u32 s9, $0x3  }
0x28: {  	s4 =	sadd.s32 s0, s4;
	s17 =	sshrl.u32 s13, $0x3;
	[dreg:$0x16] =	wrdreg s10  }
0x29: {  	s24 =	sadd.s32 s18, s22;
	[dreg:$0x17] =	wrdreg s4;
	s1 =	sadd.s32 s3, s0  }
0x2a: {  	s8 =	simm.s32 $0x1;
	s9 =	simm.s32 $0x2;
	[dreg:$0x1d] =	wrdreg s1  }
0x2b: {  	s13 =	simm.s32 $0x14800;
	_ =	strace $0x80000047;
	[dreg:$0x18] =	wrdreg s19  }
0x2c: {  	s18 =	simm.s32 $0x9;
	s3 =	sshrl.u32 s12, $0x3;
	[dreg:$0x19] =	wrdreg s20  }
0x2d: {  	s23 =	sadd.s32 s17, s0;
	s4 =	simm.s32 $0x80;
	[dreg:$0x1a] =	wrdreg s25  }
0x2e: {  	s12 =	simm.s32 $0x18A00;
	s10 =	simm.s32 $0x1DB00;
	[dreg:$0x1b] =	wrdreg s26  }
0x2f: {  	s21 =	sadd.s32 s3, s0;
	s3 =	simm.s32 $0x40;
	[dreg:$0x7] =	wrdreg s16  }
0x30: {  	s1 =	simm.s32 $0x0;
	[dreg:$0x1c] =	wrdreg s29;
	s20 =	simm.s32 $0xA  }
0x31: {  	v0 =	vimm.f32 $0.0e+00;
	v1 =	vimm.f32 $1.000000000e+00;
	s25 =	simm.s32 $0x5;
	s26 =	simm.s32 $0x6;
	s19 =	simm.s32 $0x0  }
.LBB2_1:
0x32: {  	[tilespmem:$0x1DD80] =	vst v0  }
0x33: {  	[tilespmem:$0x1DD90] =	vst v0  }
0x34: {  	[tilespmem:$0x1DDA0] =	vst v0  }
0x35: {  	[tilespmem:$0x1DDB0] =	vst v0  }
0x36: {  	[tilespmem:$0x1DDC0] =	vst v0  }
0x37: {  	[tilespmem:$0x1DDD0] =	vst v0  }
0x38: {  	[tilespmem:$0x1DDE0] =	vst v0  }
0x39: {  	[tilespmem:$0x1DDF0] =	vst v0  }
0x3a: {  	[tilespmem:$0x1DE00] =	vst v0  }
0x3b: {  	[tilespmem:$0x1DE10] =	vst v0  }
0x3c: {  	[tilespmem:$0x1DE20] =	vst v0  }
0x3d: {  	[tilespmem:$0x1DE30] =	vst v0  }
0x3e: {  	[tilespmem:$0x1DE40] =	vst v0  }
0x3f: {  	[tilespmem:$0x1DE50] =	vst v0  }
0x40: {  	[tilespmem:$0x1DE60] =	vst v0  }
0x41: {  	[tilespmem:$0x1DE70] =	vst v0  }
0x42: {  	[tilespmem:$0x1DE80] =	vst v0  }
0x43: {  	[tilespmem:$0x1DE90] =	vst v0  }
0x44: {  	[tilespmem:$0x1DEA0] =	vst v0  }
0x45: {  	[tilespmem:$0x1DEB0] =	vst v0  }
0x46: {  	[tilespmem:$0x1DEC0] =	vst v0  }
0x47: {  	[tilespmem:$0x1DED0] =	vst v0  }
0x48: {  	[tilespmem:$0x1DEE0] =	vst v0  }
0x49: {  	[tilespmem:$0x1DEF0] =	vst v0  }
0x4a: {  	[tilespmem:$0x1DF00] =	vst v0  }
0x4b: {  	[tilespmem:$0x1DF10] =	vst v0  }
0x4c: {  	[tilespmem:$0x1DF20] =	vst v0  }
0x4d: {  	[tilespmem:$0x1DF30] =	vst v0  }
0x4e: {  	[tilespmem:$0x1DF40] =	vst v0  }
0x4f: {  	[tilespmem:$0x1DF50] =	vst v0  }
0x50: {  	[tilespmem:$0x1DF60] =	vst v0  }
0x51: {  	[tilespmem:$0x1DF70] =	vst v0  }
0x52: {  	[tilespmem:$0x1DF80] =	vst v0  }
0x53: {  	[tilespmem:$0x1DF90] =	vst v0  }
0x54: {  	[tilespmem:$0x1DFA0] =	vst v0  }
0x55: {  	[tilespmem:$0x1DFB0] =	vst v0  }
0x56: {  	[tilespmem:$0x1DFC0] =	vst v0  }
0x57: {  	[tilespmem:$0x1DFD0] =	vst v0  }
0x58: {  	[tilespmem:$0x1DFE0] =	vst v0  }
0x59: {  	[tilespmem:$0x1DFF0] =	vst v0  }
0x5a: {  	[tilespmem:$0x1E000] =	vst v0  }
0x5b: {  	[tilespmem:$0x1E010] =	vst v0  }
0x5c: {  	[tilespmem:$0x1E020] =	vst v0  }
0x5d: {  	[tilespmem:$0x1E030] =	vst v0  }
0x5e: {  	[tilespmem:$0x1E040] =	vst v0  }
0x5f: {  	[tilespmem:$0x1E050] =	vst v0  }
0x60: {  	[tilespmem:$0x1E060] =	vst v0  }
0x61: {  	[tilespmem:$0x1E070] =	vst v0  }
0x62: {  	[tilespmem:$0x1E080] =	vst v0  }
0x63: {  	[tilespmem:$0x1E090] =	vst v0  }
0x64: {  	[tilespmem:$0x1E0A0] =	vst v0  }
0x65: {  	[tilespmem:$0x1E0B0] =	vst v0  }
0x66: {  	[tilespmem:$0x1E0C0] =	vst v0  }
0x67: {  	[tilespmem:$0x1E0D0] =	vst v0  }
0x68: {  	[tilespmem:$0x1E0E0] =	vst v0  }
0x69: {  	[tilespmem:$0x1E0F0] =	vst v0  }
0x6a: {  	[tilespmem:$0x1E100] =	vst v0  }
0x6b: {  	[tilespmem:$0x1E110] =	vst v0  }
0x6c: {  	[tilespmem:$0x1E120] =	vst v0  }
0x6d: {  	[tilespmem:$0x1E130] =	vst v0  }
0x6e: {  	[tilespmem:$0x1E140] =	vst v0  }
0x6f: {  	[tilespmem:$0x1E150] =	vst v0  }
0x70: {  	[tilespmem:$0x1E160] =	vst v0  }
0x71: {  	[tilespmem:$0x1E170] =	vst v0;
	s2 =	simm.s32 $0x0  }
.LBB2_2:
0x72: {  	p1 =	sne.s32 s2, $0x9FC0  }
.Ltmp0:
0x73: {  	_ = 	snop;
	(pc) =	sbr.rel @p1 .LBB2_2-.Ltmp0, $3  }
0x74: {  	_ =	sdelay $0x1  }
0x75: {  	s16 =	sshra.s32 s2, $0x2  }
0x76: {  	s2 =	sadd.s32 $0x40, s2;
	[tilespmem:s16+$0x18B00] =	vst v0  }
0x77: {  	[dreg:$0x1e] =	wrdreg s1;
	s2 =	sadd.s32 $0x0, s24  }
0x78: {  	[spmem:s2] =	stream.linear.scatter [tilespmem:s31], [sflag:$0xA], $0x400, $0x38;
	[tilespmem:$0x1E180] =	vst v63  }
0x79: {  	s2 =	simm.s32 $0x1000;
	_ =	swait.ge [sflag:s20], $0x400  }
.LBB2_4:
0x7a: {  	s16 =	sshra.s32 s2, $0x2;
	[sflag:s20] =	ssyncset.done $0x0;
	p1 =	sne.s32 s2, $0x27000  }
.Ltmp1:
0x7b: {  	s16 =	sadd.s32 s16, s24;
	[sflag:s20] =	ssyncadd.s32 $0xFFFFFC00;
	(pc) =	sbr.rel @p1 .LBB2_4-.Ltmp1, $3  }
0x7c: {  	[spmem:s16] =	stream.linear.scatter [tilespmem:s31], [sflag:$0xA], $0x400, $0x38;
	[tilespmem:$0x1E180] =	vst v63  }
0x7d: {  	s2 =	sadd.s32 $0x1000, s2;
	_ =	sdelay $0x1  }
0x7e: {  	_ =	swait.ge [sflag:s20], $0x400  }
0x7f: {  	[sflag:s20] =	ssyncset.done $0x0  }
0x80: {  	[sflag:s20] =	ssyncadd.s32 $0xFFFFFC00  }
0x81: {  	[bflag:$0x0] =	sbarrier.arrive $0xFFFF  }
0x82: {  	s2 =	simm.s32 $0x0;
	s16 =	simm.s32 $0x18800;
	s0 =	rddreg [dreg:$0x7]  }
0x83: {  	[tilespmem:s16], [sflag:$0x1] =	stream.linear.gather [hbm4b:s0+s2], $0x100, $0x38;
	[tilespmem:$0x1E180] =	vst v63  }
0x84: {  	s17 =	simm.s32 $0xC800;
	s1 =	rddreg [dreg:$0x8]  }
0x85: {  	[tilespmem:s17], [sflag:$0x2] =	stream.strided.gather [hbm4b:s1+s3], $0x4000, s4, s3, $0x38;
	[tilespmem:$0x1E180] =	vst v63  }
0x86: {  	s29 =	rddreg [dreg:$0x9]  }
0x87: {  	[tilespmem:s6], [sflag:$0x3] =	stream.linear.gather [hbm4b:s29+s2], $0x100, $0x38;
	[tilespmem:$0x1E180] =	vst v63  }
0x88: {  	s1 =	rddreg [dreg:$0xa]  }
0x89: {  	[tilespmem:s7], [sflag:$0x4] =	stream.strided.gather [hbm4b:s1+s3], $0x4000, s4, s3, $0x38;
	[tilespmem:$0x1E180] =	vst v63  }
0x8a: {  	_ =	swait.ge [sflag:s8], $0x100  }
0x8b: {  	[sflag:s8] =	ssyncset.done $0x0  }
0x8c: {  	[sflag:s8] =	ssyncadd.s32 $0xFFFFFF00  }
0x8d: {  	_ =	swait.ge [sflag:s9], $0x4000  }
0x8e: {  	[sflag:s9] =	ssyncset.done $0x0  }
0x8f: {  	[sflag:s9] =	ssyncadd.s32 $0xFFFFC000  }
0x90: {  	[spmem:s22] =	stream.indirect.scatter.add.f32 [tilespmem:s17], [sflag:$0x7], $0x40, s16, s4, $0xb8;
	[tilespmem:$0x1E180] =	vst v63  }
0x91: {  	s29 =	simm.s32 $0x18880;
	s1 =	simm.s32 $0xE800  }
0x92: {  	[spmem:s22] =	stream.indirect.scatter.add.f32 [tilespmem:s1], [sflag:$0x7], $0x40, s29, s4, $0xb8;
	[tilespmem:$0x1E180] =	vst v63  }
0x93: {  	v2 =	vld [tilespmem:$0x18800];
	_ =	sdelay $0x7  }
0x94: {  	[tilespmem:v2+s11+$0x0] =	vst.idx.add.f32.msk $0xffff, v1  }
0x95: {  	v2 =	vld [tilespmem:$0x18810];
	_ =	sdelay $0x7  }
0x96: {  	[tilespmem:v2+s11+$0x0] =	vst.idx.add.f32.msk $0xffff, v1  }
0x97: {  	v2 =	vld [tilespmem:$0x18820];
	_ =	sdelay $0x7  }
0x98: {  	[tilespmem:v2+s11+$0x0] =	vst.idx.add.f32.msk $0xffff, v1  }
0x99: {  	v2 =	vld [tilespmem:$0x18830];
	_ =	sdelay $0x7  }
0x9a: {  	[tilespmem:v2+s11+$0x0] =	vst.idx.add.f32.msk $0xffff, v1  }
0x9b: {  	v2 =	vld [tilespmem:$0x18840];
	_ =	sdelay $0x7  }
0x9c: {  	[tilespmem:v2+s11+$0x0] =	vst.idx.add.f32.msk $0xffff, v1  }
0x9d: {  	v2 =	vld [tilespmem:$0x18850];
	_ =	sdelay $0x7  }
0x9e: {  	[tilespmem:v2+s11+$0x0] =	vst.idx.add.f32.msk $0xffff, v1  }
0x9f: {  	v2 =	vld [tilespmem:$0x18860];
	_ =	sdelay $0x7  }
0xa0: {  	[tilespmem:v2+s11+$0x0] =	vst.idx.add.f32.msk $0xffff, v1  }
0xa1: {  	v2 =	vld [tilespmem:$0x18870];
	_ =	sdelay $0x7  }
0xa2: {  	[tilespmem:v2+s11+$0x0] =	vst.idx.add.f32.msk $0xffff, v1  }
0xa3: {  	v2 =	vld [tilespmem:$0x18880];
	_ =	sdelay $0x7  }
0xa4: {  	[tilespmem:v2+s11+$0x0] =	vst.idx.add.f32.msk $0xffff, v1  }
0xa5: {  	v2 =	vld [tilespmem:$0x18890];
	_ =	sdelay $0x7  }
0xa6: {  	[tilespmem:v2+s11+$0x0] =	vst.idx.add.f32.msk $0xffff, v1  }
0xa7: {  	v2 =	vld [tilespmem:$0x188A0];
	_ =	sdelay $0x7  }
0xa8: {  	[tilespmem:v2+s11+$0x0] =	vst.idx.add.f32.msk $0xffff, v1  }
0xa9: {  	v2 =	vld [tilespmem:$0x188B0];
	_ =	sdelay $0x7  }
0xaa: {  	[tilespmem:v2+s11+$0x0] =	vst.idx.add.f32.msk $0xffff, v1  }
0xab: {  	v2 =	vld [tilespmem:$0x188C0];
	_ =	sdelay $0x7  }
0xac: {  	[tilespmem:v2+s11+$0x0] =	vst.idx.add.f32.msk $0xffff, v1  }
0xad: {  	v2 =	vld [tilespmem:$0x188D0];
	_ =	sdelay $0x7  }
0xae: {  	[tilespmem:v2+s11+$0x0] =	vst.idx.add.f32.msk $0xffff, v1  }
0xaf: {  	v2 =	vld [tilespmem:$0x188E0];
	_ =	sdelay $0x7  }
0xb0: {  	[tilespmem:v2+s11+$0x0] =	vst.idx.add.f32.msk $0xffff, v1  }
0xb1: {  	v2 =	vld [tilespmem:$0x188F0];
	_ =	sdelay $0x7  }
0xb2: {  	s1 =	rddreg [dreg:$0xb];
	[tilespmem:v2+s11+$0x0] =	vst.idx.add.f32.msk $0xffff, v1  }
0xb3: {  	[tilespmem:s12], [sflag:$0x5] =	stream.linear.gather [hbm4b:s1+s2], $0x100, $0x38;
	[tilespmem:$0x1E180] =	vst v63  }
0xb4: {  	s29 =	rddreg [dreg:$0xc]  }
0xb5: {  	[tilespmem:s13], [sflag:$0x6] =	stream.strided.gather [hbm4b:s29+s3], $0x4000, s4, s3, $0x38;
	[tilespmem:$0x1E180] =	vst v63  }
0xb6: {  	_ =	swait.ge [sflag:s14], $0x100  }
0xb7: {  	[sflag:s14] =	ssyncset.done $0x0  }
0xb8: {  	[sflag:s14] =	ssyncadd.s32 $0xFFFFFF00  }
0xb9: {  	_ =	swait.ge [sflag:s15], $0x4000  }
0xba: {  	[sflag:s15] =	ssyncset.done $0x0  }
0xbb: {  	[sflag:s15] =	ssyncadd.s32 $0xFFFFC000  }
0xbc: {  	[spmem:s22] =	stream.indirect.scatter.add.f32 [tilespmem:s7], [sflag:$0x8], $0x40, s6, s4, $0xb8;
	[tilespmem:$0x1E180] =	vst v63  }
0xbd: {  	s1 =	simm.s32 $0x18980;
	s29 =	simm.s32 $0x12800  }
0xbe: {  	[spmem:s22] =	stream.indirect.scatter.add.f32 [tilespmem:s29], [sflag:$0x8], $0x40, s1, s4, $0xb8;
	[tilespmem:$0x1E180] =	vst v63  }
0xbf: {  	v2 =	vld [tilespmem:$0x18900];
	_ =	sdelay $0x7  }
0xc0: {  	[tilespmem:v2+s11+$0x0] =	vst.idx.add.f32.msk $0xffff, v1  }
0xc1: {  	v2 =	vld [tilespmem:$0x18910];
	_ =	sdelay $0x7  }
0xc2: {  	[tilespmem:v2+s11+$0x0] =	vst.idx.add.f32.msk $0xffff, v1  }
0xc3: {  	v2 =	vld [tilespmem:$0x18920];
	_ =	sdelay $0x7  }
0xc4: {  	[tilespmem:v2+s11+$0x0] =	vst.idx.add.f32.msk $0xffff, v1  }
0xc5: {  	v2 =	vld [tilespmem:$0x18930];
	_ =	sdelay $0x7  }
0xc6: {  	[tilespmem:v2+s11+$0x0] =	vst.idx.add.f32.msk $0xffff, v1  }
0xc7: {  	v2 =	vld [tilespmem:$0x18940];
	_ =	sdelay $0x7  }
0xc8: {  	[tilespmem:v2+s11+$0x0] =	vst.idx.add.f32.msk $0xffff, v1  }
0xc9: {  	v2 =	vld [tilespmem:$0x18950];
	_ =	sdelay $0x7  }
0xca: {  	[tilespmem:v2+s11+$0x0] =	vst.idx.add.f32.msk $0xffff, v1  }
0xcb: {  	v2 =	vld [tilespmem:$0x18960];
	_ =	sdelay $0x7  }
0xcc: {  	[tilespmem:v2+s11+$0x0] =	vst.idx.add.f32.msk $0xffff, v1  }
0xcd: {  	v2 =	vld [tilespmem:$0x18970];
	_ =	sdelay $0x7  }
0xce: {  	[tilespmem:v2+s11+$0x0] =	vst.idx.add.f32.msk $0xffff, v1  }
0xcf: {  	v2 =	vld [tilespmem:$0x18980];
	_ =	sdelay $0x7  }
0xd0: {  	[tilespmem:v2+s11+$0x0] =	vst.idx.add.f32.msk $0xffff, v1  }
0xd1: {  	v2 =	vld [tilespmem:$0x18990];
	_ =	sdelay $0x7  }
0xd2: {  	[tilespmem:v2+s11+$0x0] =	vst.idx.add.f32.msk $0xffff, v1  }
0xd3: {  	v2 =	vld [tilespmem:$0x189A0];
	_ =	sdelay $0x7  }
0xd4: {  	[tilespmem:v2+s11+$0x0] =	vst.idx.add.f32.msk $0xffff, v1  }
0xd5: {  	v2 =	vld [tilespmem:$0x189B0];
	_ =	sdelay $0x7  }
0xd6: {  	[tilespmem:v2+s11+$0x0] =	vst.idx.add.f32.msk $0xffff, v1  }
0xd7: {  	v2 =	vld [tilespmem:$0x189C0];
	_ =	sdelay $0x7  }
0xd8: {  	[tilespmem:v2+s11+$0x0] =	vst.idx.add.f32.msk $0xffff, v1  }
0xd9: {  	v2 =	vld [tilespmem:$0x189D0];
	_ =	sdelay $0x7  }
0xda: {  	[tilespmem:v2+s11+$0x0] =	vst.idx.add.f32.msk $0xffff, v1  }
0xdb: {  	v2 =	vld [tilespmem:$0x189E0];
	_ =	sdelay $0x7  }
0xdc: {  	[tilespmem:v2+s11+$0x0] =	vst.idx.add.f32.msk $0xffff, v1  }
0xdd: {  	v2 =	vld [tilespmem:$0x189F0];
	_ =	sdelay $0x7  }
0xde: {  	[tilespmem:v2+s11+$0x0] =	vst.idx.add.f32.msk $0xffff, v1  }
0xdf: {  	_ =	swait.ge [sflag:s5], $0x2000  }
0xe0: {  	[sflag:s5] =	ssyncset.done $0x0  }
0xe1: {  	[sflag:s5] =	ssyncadd.s32 $0xFFFFE000  }
0xe2: {  	_ =	swait.ge [sflag:s5], $0x2000  }
0xe3: {  	[sflag:s5] =	ssyncset.done $0x0  }
0xe4: {  	s1 =	rddreg [dreg:$0xd];
	[sflag:s5] =	ssyncadd.s32 $0xFFFFE000  }
0xe5: {  	[tilespmem:s16], [sflag:$0x1] =	stream.linear.gather [hbm4b:s1+s2], $0x100, $0x38;
	[tilespmem:$0x1E180] =	vst v63  }
0xe6: {  	s16 =	rddreg [dreg:$0xe]  }
0xe7: {  	[tilespmem:s17], [sflag:$0x2] =	stream.strided.gather [hbm4b:s16+s3], $0x4000, s4, s3, $0x38;
	[tilespmem:$0x1E180] =	vst v63  }
0xe8: {  	_ =	swait.ge [sflag:s25], $0x100  }
0xe9: {  	[sflag:s25] =	ssyncset.done $0x0  }
0xea: {  	[sflag:s25] =	ssyncadd.s32 $0xFFFFFF00  }
0xeb: {  	_ =	swait.ge [sflag:s26], $0x4000  }
0xec: {  	[sflag:s26] =	ssyncset.done $0x0  }
0xed: {  	[sflag:s26] =	ssyncadd.s32 $0xFFFFC000  }
0xee: {  	[spmem:s22] =	stream.indirect.scatter.add.f32 [tilespmem:s13], [sflag:$0x9], $0x40, s12, s4, $0xb8;
	[tilespmem:$0x1E180] =	vst v63  }
0xef: {  	s29 =	simm.s32 $0x16800;
	s17 =	simm.s32 $0x18A80  }
0xf0: {  	[spmem:s22] =	stream.indirect.scatter.add.f32 [tilespmem:s29], [sflag:$0x9], $0x40, s17, s4, $0xb8;
	[tilespmem:$0x1E180] =	vst v63  }
0xf1: {  	v2 =	vld [tilespmem:$0x18A00];
	_ =	sdelay $0x7  }
0xf2: {  	[tilespmem:v2+s11+$0x0] =	vst.idx.add.f32.msk $0xffff, v1  }
0xf3: {  	v2 =	vld [tilespmem:$0x18A10];
	_ =	sdelay $0x7  }
0xf4: {  	[tilespmem:v2+s11+$0x0] =	vst.idx.add.f32.msk $0xffff, v1  }
0xf5: {  	v2 =	vld [tilespmem:$0x18A20];
	_ =	sdelay $0x7  }
0xf6: {  	[tilespmem:v2+s11+$0x0] =	vst.idx.add.f32.msk $0xffff, v1  }
0xf7: {  	v2 =	vld [tilespmem:$0x18A30];
	_ =	sdelay $0x7  }
0xf8: {  	[tilespmem:v2+s11+$0x0] =	vst.idx.add.f32.msk $0xffff, v1  }
0xf9: {  	v2 =	vld [tilespmem:$0x18A40];
	_ =	sdelay $0x7  }
0xfa: {  	[tilespmem:v2+s11+$0x0] =	vst.idx.add.f32.msk $0xffff, v1  }
0xfb: {  	v2 =	vld [tilespmem:$0x18A50];
	_ =	sdelay $0x7  }
0xfc: {  	[tilespmem:v2+s11+$0x0] =	vst.idx.add.f32.msk $0xffff, v1  }
0xfd: {  	v2 =	vld [tilespmem:$0x18A60];
	_ =	sdelay $0x7  }
0xfe: {  	[tilespmem:v2+s11+$0x0] =	vst.idx.add.f32.msk $0xffff, v1  }
0xff: {  	v2 =	vld [tilespmem:$0x18A70];
	_ =	sdelay $0x7  }
0x100: {  	[tilespmem:v2+s11+$0x0] =	vst.idx.add.f32.msk $0xffff, v1  }
0x101: {  	v2 =	vld [tilespmem:$0x18A80];
	_ =	sdelay $0x7  }
0x102: {  	[tilespmem:v2+s11+$0x0] =	vst.idx.add.f32.msk $0xffff, v1  }
0x103: {  	v2 =	vld [tilespmem:$0x18A90];
	_ =	sdelay $0x7  }
0x104: {  	[tilespmem:v2+s11+$0x0] =	vst.idx.add.f32.msk $0xffff, v1  }
0x105: {  	v2 =	vld [tilespmem:$0x18AA0];
	_ =	sdelay $0x7  }
0x106: {  	[tilespmem:v2+s11+$0x0] =	vst.idx.add.f32.msk $0xffff, v1  }
0x107: {  	v2 =	vld [tilespmem:$0x18AB0];
	_ =	sdelay $0x7  }
0x108: {  	[tilespmem:v2+s11+$0x0] =	vst.idx.add.f32.msk $0xffff, v1  }
0x109: {  	v2 =	vld [tilespmem:$0x18AC0];
	_ =	sdelay $0x7  }
0x10a: {  	[tilespmem:v2+s11+$0x0] =	vst.idx.add.f32.msk $0xffff, v1  }
0x10b: {  	v2 =	vld [tilespmem:$0x18AD0];
	_ =	sdelay $0x7  }
0x10c: {  	[tilespmem:v2+s11+$0x0] =	vst.idx.add.f32.msk $0xffff, v1  }
0x10d: {  	v2 =	vld [tilespmem:$0x18AE0];
	_ =	sdelay $0x7  }
0x10e: {  	[tilespmem:v2+s11+$0x0] =	vst.idx.add.f32.msk $0xffff, v1  }
0x10f: {  	v2 =	vld [tilespmem:$0x18AF0];
	_ =	sdelay $0x7  }
0x110: {  	[tilespmem:v2+s11+$0x0] =	vst.idx.add.f32.msk $0xffff, v1  }
0x111: {  	_ =	swait.ge [sflag:s30], $0x2000  }
0x112: {  	[sflag:s30] =	ssyncset.done $0x0  }
0x113: {  	[sflag:s30] =	ssyncadd.s32 $0xFFFFE000  }
0x114: {  	_ =	swait.ge [sflag:s30], $0x2000  }
0x115: {  	[sflag:s30] =	ssyncset.done $0x0;
	s17 =	rddreg [dreg:$0xf]  }
0x116: {  	s29 =	rddreg [dreg:$0x16];
	[sflag:s30] =	ssyncadd.s32 $0xFFFFE000  }
0x117: {  	[tilespmem:s6], [sflag:$0x3] =	stream.linear.gather [hbm4b:s17+s2], $0x100, $0x38;
	[tilespmem:$0x1E180] =	vst v63  }
0x118: {  	s5 =	simm.s32 $0x18800;
	s1 =	simm.s32 $0xC800;
	s16 =	rddreg [dreg:$0x1c]  }
0x119: {  	[tilespmem:s7], [sflag:$0x4] =	stream.strided.gather [hbm4b:s29+s3], $0x4000, s4, s3, $0x38;
	[tilespmem:$0x1E180] =	vst v63  }
.LBB2_6:
0x11a: {  	_ =	swait.ge [sflag:s8], $0x100  }
0x11b: {  	[sflag:s8] =	ssyncset.done $0x0  }
0x11c: {  	[sflag:s8] =	ssyncadd.s32 $0xFFFFFF00  }
0x11d: {  	_ =	swait.ge [sflag:s9], $0x4000  }
0x11e: {  	[sflag:s9] =	ssyncset.done $0x0  }
0x11f: {  	[sflag:s9] =	ssyncadd.s32 $0xFFFFC000  }
0x120: {  	[spmem:s22] =	stream.indirect.scatter.add.f32 [tilespmem:s1], [sflag:$0x7], $0x40, s5, s4, $0xb8;
	[tilespmem:$0x1E180] =	vst v63  }
0x121: {  	s0 =	simm.s32 $0x18880;
	s17 =	simm.s32 $0xE800  }
0x122: {  	[spmem:s22] =	stream.indirect.scatter.add.f32 [tilespmem:s17], [sflag:$0x7], $0x40, s0, s4, $0xb8;
	[tilespmem:$0x1E180] =	vst v63  }
0x123: {  	v2 =	vld [tilespmem:$0x18800];
	_ =	sdelay $0x7  }
0x124: {  	[tilespmem:v2+s11+$0x0] =	vst.idx.add.f32.msk $0xffff, v1  }
0x125: {  	v2 =	vld [tilespmem:$0x18810];
	_ =	sdelay $0x7  }
0x126: {  	[tilespmem:v2+s11+$0x0] =	vst.idx.add.f32.msk $0xffff, v1  }
0x127: {  	v2 =	vld [tilespmem:$0x18820];
	_ =	sdelay $0x7  }
0x128: {  	[tilespmem:v2+s11+$0x0] =	vst.idx.add.f32.msk $0xffff, v1  }
0x129: {  	v2 =	vld [tilespmem:$0x18830];
	_ =	sdelay $0x7  }
0x12a: {  	[tilespmem:v2+s11+$0x0] =	vst.idx.add.f32.msk $0xffff, v1  }
0x12b: {  	v2 =	vld [tilespmem:$0x18840];
	_ =	sdelay $0x7  }
0x12c: {  	[tilespmem:v2+s11+$0x0] =	vst.idx.add.f32.msk $0xffff, v1  }
0x12d: {  	v2 =	vld [tilespmem:$0x18850];
	_ =	sdelay $0x7  }
0x12e: {  	[tilespmem:v2+s11+$0x0] =	vst.idx.add.f32.msk $0xffff, v1  }
0x12f: {  	v2 =	vld [tilespmem:$0x18860];
	_ =	sdelay $0x7  }
0x130: {  	[tilespmem:v2+s11+$0x0] =	vst.idx.add.f32.msk $0xffff, v1  }
0x131: {  	v2 =	vld [tilespmem:$0x18870];
	_ =	sdelay $0x7  }
0x132: {  	[tilespmem:v2+s11+$0x0] =	vst.idx.add.f32.msk $0xffff, v1  }
0x133: {  	v2 =	vld [tilespmem:$0x18880];
	_ =	sdelay $0x7  }
0x134: {  	[tilespmem:v2+s11+$0x0] =	vst.idx.add.f32.msk $0xffff, v1  }
0x135: {  	v2 =	vld [tilespmem:$0x18890];
	_ =	sdelay $0x7  }
0x136: {  	[tilespmem:v2+s11+$0x0] =	vst.idx.add.f32.msk $0xffff, v1  }
0x137: {  	v2 =	vld [tilespmem:$0x188A0];
	_ =	sdelay $0x7  }
0x138: {  	[tilespmem:v2+s11+$0x0] =	vst.idx.add.f32.msk $0xffff, v1  }
0x139: {  	v2 =	vld [tilespmem:$0x188B0];
	_ =	sdelay $0x7  }
0x13a: {  	[tilespmem:v2+s11+$0x0] =	vst.idx.add.f32.msk $0xffff, v1  }
0x13b: {  	v2 =	vld [tilespmem:$0x188C0];
	_ =	sdelay $0x7  }
0x13c: {  	[tilespmem:v2+s11+$0x0] =	vst.idx.add.f32.msk $0xffff, v1  }
0x13d: {  	v2 =	vld [tilespmem:$0x188D0];
	_ =	sdelay $0x7  }
0x13e: {  	[tilespmem:v2+s11+$0x0] =	vst.idx.add.f32.msk $0xffff, v1  }
0x13f: {  	v2 =	vld [tilespmem:$0x188E0];
	_ =	sdelay $0x7  }
0x140: {  	[tilespmem:v2+s11+$0x0] =	vst.idx.add.f32.msk $0xffff, v1  }
0x141: {  	v2 =	vld [tilespmem:$0x188F0];
	_ =	sdelay $0x7  }
0x142: {  	[tilespmem:v2+s11+$0x0] =	vst.idx.add.f32.msk $0xffff, v1  }
0x143: {  	_ =	swait.ge [sflag:s18], $0x2000  }
0x144: {  	[sflag:s18] =	ssyncset.done $0x0  }
0x145: {  	[sflag:s18] =	ssyncadd.s32 $0xFFFFE000  }
0x146: {  	_ =	swait.ge [sflag:s18], $0x2000  }
0x147: {  	[sflag:s18] =	ssyncset.done $0x0  }
0x148: {  	s29 =	sadd.s32 $0xFFFFFFC0, s16;
	[sflag:s18] =	ssyncadd.s32 $0xFFFFE000  }
0x149: {  	[tilespmem:s12], [sflag:$0x5] =	stream.linear.gather [hbm4b:s29+s28], $0x100, $0x38;
	[tilespmem:$0x1E180] =	vst v63  }
0x14a: {  	s0 =	sadd.s32 s2, s23  }
0x14b: {  	[tilespmem:s13], [sflag:$0x6] =	stream.strided.gather [hbm4b:s0+s3], $0x4000, s4, s3, $0x38;
	[tilespmem:$0x1E180] =	vst v63  }
0x14c: {  	_ =	swait.ge [sflag:s14], $0x100  }
0x14d: {  	[sflag:s14] =	ssyncset.done $0x0  }
0x14e: {  	[sflag:s14] =	ssyncadd.s32 $0xFFFFFF00  }
0x14f: {  	_ =	swait.ge [sflag:s15], $0x4000  }
0x150: {  	[sflag:s15] =	ssyncset.done $0x0  }
0x151: {  	[sflag:s15] =	ssyncadd.s32 $0xFFFFC000  }
0x152: {  	[spmem:s22] =	stream.indirect.scatter.add.f32 [tilespmem:s7], [sflag:$0x8], $0x40, s6, s4, $0xb8;
	[tilespmem:$0x1E180] =	vst v63  }
0x153: {  	s28 =	simm.s32 $0x18980;
	s29 =	simm.s32 $0x12800  }
0x154: {  	[spmem:s22] =	stream.indirect.scatter.add.f32 [tilespmem:s29], [sflag:$0x8], $0x40, s28, s4, $0xb8;
	[tilespmem:$0x1E180] =	vst v63  }
0x155: {  	v2 =	vld [tilespmem:$0x18900];
	_ =	sdelay $0x7  }
0x156: {  	[tilespmem:v2+s11+$0x0] =	vst.idx.add.f32.msk $0xffff, v1  }
0x157: {  	v2 =	vld [tilespmem:$0x18910];
	_ =	sdelay $0x7  }
0x158: {  	[tilespmem:v2+s11+$0x0] =	vst.idx.add.f32.msk $0xffff, v1  }
0x159: {  	v2 =	vld [tilespmem:$0x18920];
	_ =	sdelay $0x7  }
0x15a: {  	[tilespmem:v2+s11+$0x0] =	vst.idx.add.f32.msk $0xffff, v1  }
0x15b: {  	v2 =	vld [tilespmem:$0x18930];
	_ =	sdelay $0x7  }
0x15c: {  	[tilespmem:v2+s11+$0x0] =	vst.idx.add.f32.msk $0xffff, v1  }
0x15d: {  	v2 =	vld [tilespmem:$0x18940];
	_ =	sdelay $0x7  }
0x15e: {  	[tilespmem:v2+s11+$0x0] =	vst.idx.add.f32.msk $0xffff, v1  }
0x15f: {  	v2 =	vld [tilespmem:$0x18950];
	_ =	sdelay $0x7  }
0x160: {  	[tilespmem:v2+s11+$0x0] =	vst.idx.add.f32.msk $0xffff, v1  }
0x161: {  	v2 =	vld [tilespmem:$0x18960];
	_ =	sdelay $0x7  }
0x162: {  	[tilespmem:v2+s11+$0x0] =	vst.idx.add.f32.msk $0xffff, v1  }
0x163: {  	v2 =	vld [tilespmem:$0x18970];
	_ =	sdelay $0x7  }
0x164: {  	[tilespmem:v2+s11+$0x0] =	vst.idx.add.f32.msk $0xffff, v1  }
0x165: {  	v2 =	vld [tilespmem:$0x18980];
	_ =	sdelay $0x7  }
0x166: {  	[tilespmem:v2+s11+$0x0] =	vst.idx.add.f32.msk $0xffff, v1  }
0x167: {  	v2 =	vld [tilespmem:$0x18990];
	_ =	sdelay $0x7  }
0x168: {  	[tilespmem:v2+s11+$0x0] =	vst.idx.add.f32.msk $0xffff, v1  }
0x169: {  	v2 =	vld [tilespmem:$0x189A0];
	_ =	sdelay $0x7  }
0x16a: {  	[tilespmem:v2+s11+$0x0] =	vst.idx.add.f32.msk $0xffff, v1  }
0x16b: {  	v2 =	vld [tilespmem:$0x189B0];
	_ =	sdelay $0x7  }
0x16c: {  	[tilespmem:v2+s11+$0x0] =	vst.idx.add.f32.msk $0xffff, v1  }
0x16d: {  	v2 =	vld [tilespmem:$0x189C0];
	_ =	sdelay $0x7  }
0x16e: {  	[tilespmem:v2+s11+$0x0] =	vst.idx.add.f32.msk $0xffff, v1  }
0x16f: {  	v2 =	vld [tilespmem:$0x189D0];
	_ =	sdelay $0x7  }
0x170: {  	[tilespmem:v2+s11+$0x0] =	vst.idx.add.f32.msk $0xffff, v1  }
0x171: {  	v2 =	vld [tilespmem:$0x189E0];
	_ =	sdelay $0x7  }
0x172: {  	[tilespmem:v2+s11+$0x0] =	vst.idx.add.f32.msk $0xffff, v1  }
0x173: {  	v2 =	vld [tilespmem:$0x189F0];
	_ =	sdelay $0x6  }
0x174: {  	p1 =	seq.s32 s2, $0x48000  }
0x175: {  	s17 =	simm.s32 @!p1 $0x7;
	[tilespmem:v2+s11+$0x0] =	vst.idx.add.f32.msk $0xffff, v1  }
0x176: {  	_ =	swait.ge @!p1 [sflag:s17], $0x2000  }
0x177: {  	[sflag:s17] =	ssyncset.done @!p1 $0x0  }
0x178: {  	[sflag:s17] =	ssyncadd.s32 @!p1 $0xFFFFE000  }
0x179: {  	_ =	swait.ge @!p1 [sflag:s17], $0x2000  }
0x17a: {  	s0 =	simm.s32 @!p1 $0xC800;
	s28 =	simm.s32 @!p1 $0x0;
	[sflag:s17] =	ssyncset.done @!p1 $0x0  }
0x17b: {  	s29 =	simm.s32 @!p1 $0x18800;
	[sflag:s17] =	ssyncadd.s32 @!p1 $0xFFFFE000;
	s17 =	sadd.s32 @!p1 $0xFFFFFFE0, s16  }
0x17c: {  	[tilespmem:s29], [sflag:$0x1] =	stream.linear.gather @!p1 [hbm4b:s17+s28], $0x100, $0x38;
	[tilespmem:$0x1E180] =	vst v63  }
0x17d: {  	s17 =	sadd.s32 @!p1 s2, s21;
	s28 =	simm.s32 @!p1 $0x40;
	s29 =	simm.s32 @!p1 $0x80  }
0x17e: {  	[tilespmem:s0], [sflag:$0x2] =	stream.strided.gather @!p1 [hbm4b:s17+s28], $0x4000, s29, s28, $0x38;
	[tilespmem:$0x1E180] =	vst v63  }
0x17f: {  	_ =	swait.ge [sflag:s25], $0x100  }
0x180: {  	[sflag:s25] =	ssyncset.done $0x0  }
0x181: {  	[sflag:s25] =	ssyncadd.s32 $0xFFFFFF00  }
0x182: {  	_ =	swait.ge [sflag:s26], $0x4000  }
0x183: {  	[sflag:s26] =	ssyncset.done $0x0  }
0x184: {  	[sflag:s26] =	ssyncadd.s32 $0xFFFFC000  }
0x185: {  	[spmem:s22] =	stream.indirect.scatter.add.f32 [tilespmem:s13], [sflag:$0x9], $0x40, s12, s4, $0xb8;
	[tilespmem:$0x1E180] =	vst v63  }
0x186: {  	s28 =	simm.s32 $0x18A80;
	s29 =	simm.s32 $0x16800  }
0x187: {  	[spmem:s22] =	stream.indirect.scatter.add.f32 [tilespmem:s29], [sflag:$0x9], $0x40, s28, s4, $0xb8;
	[tilespmem:$0x1E180] =	vst v63  }
0x188: {  	v2 =	vld [tilespmem:$0x18A00];
	_ =	sdelay $0x7  }
0x189: {  	[tilespmem:v2+s11+$0x0] =	vst.idx.add.f32.msk $0xffff, v1  }
0x18a: {  	v2 =	vld [tilespmem:$0x18A10];
	_ =	sdelay $0x7  }
0x18b: {  	[tilespmem:v2+s11+$0x0] =	vst.idx.add.f32.msk $0xffff, v1  }
0x18c: {  	v2 =	vld [tilespmem:$0x18A20];
	_ =	sdelay $0x7  }
0x18d: {  	[tilespmem:v2+s11+$0x0] =	vst.idx.add.f32.msk $0xffff, v1  }
0x18e: {  	v2 =	vld [tilespmem:$0x18A30];
	_ =	sdelay $0x7  }
0x18f: {  	[tilespmem:v2+s11+$0x0] =	vst.idx.add.f32.msk $0xffff, v1  }
0x190: {  	v2 =	vld [tilespmem:$0x18A40];
	_ =	sdelay $0x7  }
0x191: {  	[tilespmem:v2+s11+$0x0] =	vst.idx.add.f32.msk $0xffff, v1  }
0x192: {  	v2 =	vld [tilespmem:$0x18A50];
	_ =	sdelay $0x7  }
0x193: {  	[tilespmem:v2+s11+$0x0] =	vst.idx.add.f32.msk $0xffff, v1  }
0x194: {  	v2 =	vld [tilespmem:$0x18A60];
	_ =	sdelay $0x7  }
0x195: {  	[tilespmem:v2+s11+$0x0] =	vst.idx.add.f32.msk $0xffff, v1  }
0x196: {  	v2 =	vld [tilespmem:$0x18A70];
	_ =	sdelay $0x7  }
0x197: {  	[tilespmem:v2+s11+$0x0] =	vst.idx.add.f32.msk $0xffff, v1  }
0x198: {  	v2 =	vld [tilespmem:$0x18A80];
	_ =	sdelay $0x7  }
0x199: {  	[tilespmem:v2+s11+$0x0] =	vst.idx.add.f32.msk $0xffff, v1  }
0x19a: {  	v2 =	vld [tilespmem:$0x18A90];
	_ =	sdelay $0x7  }
0x19b: {  	[tilespmem:v2+s11+$0x0] =	vst.idx.add.f32.msk $0xffff, v1  }
0x19c: {  	v2 =	vld [tilespmem:$0x18AA0];
	_ =	sdelay $0x7  }
0x19d: {  	[tilespmem:v2+s11+$0x0] =	vst.idx.add.f32.msk $0xffff, v1  }
0x19e: {  	v2 =	vld [tilespmem:$0x18AB0];
	_ =	sdelay $0x7  }
0x19f: {  	[tilespmem:v2+s11+$0x0] =	vst.idx.add.f32.msk $0xffff, v1  }
0x1a0: {  	v2 =	vld [tilespmem:$0x18AC0];
	_ =	sdelay $0x7  }
0x1a1: {  	[tilespmem:v2+s11+$0x0] =	vst.idx.add.f32.msk $0xffff, v1  }
0x1a2: {  	v2 =	vld [tilespmem:$0x18AD0];
	_ =	sdelay $0x7  }
0x1a3: {  	[tilespmem:v2+s11+$0x0] =	vst.idx.add.f32.msk $0xffff, v1  }
0x1a4: {  	v2 =	vld [tilespmem:$0x18AE0];
	_ =	sdelay $0x7  }
0x1a5: {  	[tilespmem:v2+s11+$0x0] =	vst.idx.add.f32.msk $0xffff, v1  }
0x1a6: {  	v2 =	vld [tilespmem:$0x18AF0];
	_ =	sdelay $0x3  }
.Ltmp2:
0x1a7: {  	_ = 	snop;
	(pc) =	sbr.rel @p1 .LBB2_8-.Ltmp2, $2  }
0x1a8: {  	_ =	sdelay $0x2  }
0x1a9: {  	[tilespmem:v2+s11+$0x0] =	vst.idx.add.f32.msk $0xffff, v1  }
0x1aa: {  	_ =	swait.ge [sflag:s30], $0x2000  }
0x1ab: {  	[sflag:s30] =	ssyncset.done $0x0  }
0x1ac: {  	[sflag:s30] =	ssyncadd.s32 $0xFFFFE000  }
0x1ad: {  	_ =	swait.ge [sflag:s30], $0x2000  }
.Ltmp3:
0x1ae: {  	[sflag:s30] =	ssyncset.done $0x0;
	(pc) =	sbr.rel .LBB2_6-.Ltmp3, $4  }
0x1af: {  	s28 =	simm.s32 $0x0;
	s0 =	rddreg [dreg:$0x1d];
	[sflag:s30] =	ssyncadd.s32 $0xFFFFE000  }
0x1b0: {  	[tilespmem:s6], [sflag:$0x3] =	stream.linear.gather [hbm4b:s16+s19], $0x100, $0x38;
	[tilespmem:$0x1E180] =	vst v63  }
0x1b1: {  	s0 =	sadd.s32 s2, s0;
	s2 =	sadd.s32 $0x3000, s2;
	s16 =	sadd.s32 $0x60, s16  }
0x1b2: {  	[tilespmem:s7], [sflag:$0x4] =	stream.strided.gather [hbm4b:s0+s3], $0x4000, s4, s3, $0x38;
	[tilespmem:$0x1E180] =	vst v63  }
.LBB2_8:
0x1b3: {  	s5 =	simm.s32 $0x7  }
0x1b4: {  	_ =	swait.ge [sflag:s5], $0x2000  }
0x1b5: {  	[sflag:s5] =	ssyncset.done $0x0  }
0x1b6: {  	[sflag:s5] =	ssyncadd.s32 $0xFFFFE000  }
0x1b7: {  	_ =	swait.ge [sflag:s5], $0x2000  }
0x1b8: {  	[sflag:s5] =	ssyncset.done $0x0  }
0x1b9: {  	[sflag:s5] =	ssyncadd.s32 $0xFFFFE000  }
0x1ba: {  	_ =	swait.ge [sflag:s30], $0x2000  }
0x1bb: {  	[sflag:s30] =	ssyncset.done $0x0  }
0x1bc: {  	[sflag:s30] =	ssyncadd.s32 $0xFFFFE000  }
0x1bd: {  	_ =	swait.ge [sflag:s30], $0x2000  }
0x1be: {  	[sflag:s30] =	ssyncset.done $0x0  }
0x1bf: {  	[sflag:s30] =	ssyncadd.s32 $0xFFFFE000  }
0x1c0: {  	_ =	swait.ge [sflag:s18], $0x2000  }
0x1c1: {  	[sflag:s18] =	ssyncset.done $0x0  }
0x1c2: {  	[sflag:s18] =	ssyncadd.s32 $0xFFFFE000  }
0x1c3: {  	_ =	swait.ge [sflag:s18], $0x2000  }
0x1c4: {  	s0 =	simm.s32 @!p0 $0x0;
	[sflag:s18] =	ssyncset.done $0x0  }
0x1c5: {  	s2 =	simm.s32 @!p0 $0x18800;
	s16 =	rddreg [dreg:$0x10];
	[sflag:s18] =	ssyncadd.s32 $0xFFFFE000  }
0x1c6: {  	[tilespmem:s2], [sflag:$0xA] =	stream.linear.gather @!p0 [hbm4b:s16+s0], $0x80, $0x38;
	[tilespmem:$0x1E180] =	vst v63  }
0x1c7: {  	s0 =	simm.s32 @!p0 $0xA  }
0x1c8: {  	_ =	swait.ge @!p0 [sflag:s0], $0x80  }
0x1c9: {  	s17 =	simm.s32 @!p0 $0x80;
	s28 =	simm.s32 @!p0 $0xC800;
	[sflag:s0] =	ssyncset.done @!p0 $0x0  }
0x1ca: {  	s16 =	simm.s32 @!p0 $0x40;
	s29 =	rddreg [dreg:$0x17];
	[sflag:s0] =	ssyncadd.s32 @!p0 $0xFFFFFF80  }
0x1cb: {  	[tilespmem:s28], [sflag:$0xA] =	stream.strided.gather @!p0 [hbm4b:s29+s16], $0x2000, s17, s16, $0x38;
	[tilespmem:$0x1E180] =	vst v63  }
0x1cc: {  	_ =	swait.ge @!p0 [sflag:s0], $0x2000  }
0x1cd: {  	[sflag:s0] =	ssyncset.done @!p0 $0x0  }
0x1ce: {  	[sflag:s0] =	ssyncadd.s32 @!p0 $0xFFFFE000  }
0x1cf: {  	[spmem:s22] =	stream.indirect.scatter.add.f32 @!p0 [tilespmem:s28], [sflag:$0xA], $0x40, s2, s17, $0xb8;
	[tilespmem:$0x1E180] =	vst v63  }
0x1d0: {  	_ =	swait.ge @!p0 [sflag:s0], $0x2000  }
0x1d1: {  	[sflag:s0] =	ssyncset.done @!p0 $0x0  }
0x1d2: {  	[sflag:s0] =	ssyncadd.s32 @!p0 $0xFFFFE000  }
0x1d3: {  	v2 =	vld @!p0 [tilespmem:$0x18800];
	_ =	sdelay $0x6  }
0x1d4: {  	v3 =	vimm.f32 @!p0 $1.000000000e+00;
	s0 =	simm.s32 @!p0 $0x18B00  }
0x1d5: {  	[tilespmem:v2+s0+$0x0] =	vst.idx.add.f32.msk @!p0 $0xffff, v3  }
0x1d6: {  	v2 =	vld @!p0 [tilespmem:$0x18810];
	_ =	sdelay $0x7  }
0x1d7: {  	[tilespmem:v2+s0+$0x0] =	vst.idx.add.f32.msk @!p0 $0xffff, v3  }
0x1d8: {  	v2 =	vld @!p0 [tilespmem:$0x18820];
	_ =	sdelay $0x7  }
0x1d9: {  	[tilespmem:v2+s0+$0x0] =	vst.idx.add.f32.msk @!p0 $0xffff, v3  }
0x1da: {  	v2 =	vld @!p0 [tilespmem:$0x18830];
	_ =	sdelay $0x7  }
0x1db: {  	[tilespmem:v2+s0+$0x0] =	vst.idx.add.f32.msk @!p0 $0xffff, v3  }
0x1dc: {  	v2 =	vld @!p0 [tilespmem:$0x18840];
	_ =	sdelay $0x7  }
0x1dd: {  	[tilespmem:v2+s0+$0x0] =	vst.idx.add.f32.msk @!p0 $0xffff, v3  }
0x1de: {  	v2 =	vld @!p0 [tilespmem:$0x18850];
	_ =	sdelay $0x7  }
0x1df: {  	[tilespmem:v2+s0+$0x0] =	vst.idx.add.f32.msk @!p0 $0xffff, v3  }
0x1e0: {  	v2 =	vld @!p0 [tilespmem:$0x18860];
	_ =	sdelay $0x7  }
0x1e1: {  	[tilespmem:v2+s0+$0x0] =	vst.idx.add.f32.msk @!p0 $0xffff, v3  }
0x1e2: {  	v2 =	vld @!p0 [tilespmem:$0x18870];
	_ =	sdelay $0x7  }
0x1e3: {  	s17 =	rddreg [dreg:$0x11];
	[tilespmem:v2+s0+$0x0] =	vst.idx.add.f32.msk @!p0 $0xffff, v3  }
0x1e4: {  	[spmem:s17] =	stream.linear.scatter [tilespmem:s11], [sflag:$0xA], $0x2800, $0x38;
	[tilespmem:$0x1E180] =	vst v63  }
0x1e5: {  	_ =	swait.ge [sflag:s20], $0x2800  }
0x1e6: {  	[sflag:s20] =	ssyncset.done $0x0  }
0x1e7: {  	[sflag:s20] =	ssyncadd.s32 $0xFFFFD800  }
0x1e8: {  	s16 =	simm.s32 $0x2800;
	[bflag:$0x0] =	sbarrier.arrive $0xFFFF  }
0x1e9: {  	s2 =	simm.s32 $0x280;
	s17 =	simm.s32 $0x1B300;
	s0 =	rddreg [dreg:$0x12]  }
0x1ea: {  	[tilespmem:s17], [sflag:$0xA] =	stream.strided.gather [spmem:s0], $0x2800, s16, s2, $0x38;
	[tilespmem:$0x1E180] =	vst v63  }
0x1eb: {  	_ =	swait.ge [sflag:s20], $0x2800  }
0x1ec: {  	[sflag:s20] =	ssyncset.done $0x0  }
0x1ed: {  	s17 =	simm.s32 $0x0;
	[sflag:s20] =	ssyncadd.s32 $0xFFFFD800  }
0x1ee: {  	v2 =	vld [tilespmem:s17+$0x1B300];
	_ =	sdelay $0x1  }
0x1ef: {  	v3 =	vld [tilespmem:s17+$0x1B580];
	_ =	sdelay $0x1  }
0x1f0: {  	v4 =	vld [tilespmem:s17+$0x1B800]  }
0x1f1: {  	v2 =	vadd.f32 $0.0e+00, v2  }
0x1f2: {  	v5 =	vld [tilespmem:s17+$0x1BA80]  }
0x1f3: {  	v2 =	vadd.f32 v3, v2  }
0x1f4: {  	v3 =	vld [tilespmem:s17+$0x1BD00]  }
0x1f5: {  	v2 =	vadd.f32 v4, v2  }
0x1f6: {  	v4 =	vld [tilespmem:s17+$0x1BF80]  }
0x1f7: {  	v2 =	vadd.f32 v5, v2  }
0x1f8: {  	v5 =	vld [tilespmem:s17+$0x1C200]  }
0x1f9: {  	v2 =	vadd.f32 v3, v2  }
0x1fa: {  	s2 =	simm.s32 $0x10;
	v3 =	vld [tilespmem:s17+$0x1C480]  }
0x1fb: {  	v6 =	vld [tilespmem:s2+$0x1B300];
	v2 =	vadd.f32 v4, v2  }
0x1fc: {  	v4 =	vld [tilespmem:s17+$0x1C700]  }
0x1fd: {  	v7 =	vld [tilespmem:s2+$0x1B580];
	v2 =	vadd.f32 v5, v2  }
0x1fe: {  	v5 =	vld [tilespmem:s17+$0x1C980]  }
0x1ff: {  	v8 =	vld [tilespmem:s2+$0x1B800];
	v2 =	vadd.f32 v3, v2  }
0x200: {  	v3 =	vld [tilespmem:s17+$0x1CC00]  }
0x201: {  	v9 =	vld [tilespmem:s2+$0x1BA80];
	v6 =	vadd.f32 $0.0e+00, v6;
	v2 =	vadd.f32 v4, v2  }
0x202: {  	v4 =	vld [tilespmem:s17+$0x1CE80]  }
0x203: {  	v6 =	vadd.f32 v7, v6;
	v7 =	vld [tilespmem:s2+$0x1BD00];
	v2 =	vadd.f32 v5, v2  }
0x204: {  	v5 =	vld [tilespmem:s17+$0x1D100]  }
0x205: {  	v6 =	vadd.f32 v8, v6;
	v8 =	vld [tilespmem:s2+$0x1BF80];
	v2 =	vadd.f32 v3, v2  }
0x206: {  	v3 =	vld [tilespmem:s17+$0x1D380]  }
0x207: {  	v6 =	vadd.f32 v9, v6;
	v9 =	vld [tilespmem:s2+$0x1C200];
	v2 =	vadd.f32 v4, v2  }
0x208: {  	v4 =	vld [tilespmem:s17+$0x1D600]  }
0x209: {  	v6 =	vadd.f32 v7, v6;
	v7 =	vld [tilespmem:s2+$0x1C480];
	v2 =	vadd.f32 v5, v2  }
0x20a: {  	v5 =	vld [tilespmem:s17+$0x1D880]  }
0x20b: {  	s16 =	simm.s32 $0x20;
	v6 =	vadd.f32 v8, v6;
	v8 =	vld [tilespmem:s2+$0x1C700];
	v2 =	vadd.f32 v3, v2  }
0x20c: {  	v3 =	vld [tilespmem:s16+$0x1B300]  }
0x20d: {  	v6 =	vadd.f32 v9, v6;
	v9 =	vld [tilespmem:s2+$0x1C980];
	v2 =	vadd.f32 v4, v2  }
0x20e: {  	v4 =	vld [tilespmem:s16+$0x1B580]  }
0x20f: {  	v6 =	vadd.f32 v7, v6;
	v7 =	vld [tilespmem:s2+$0x1CC00];
	v2 =	vadd.f32 v5, v2  }
0x210: {  	v5 =	vld [tilespmem:s16+$0x1B800]  }
0x211: {  	v10 =	vld [tilespmem:s16+$0x1BA80];
	v6 =	vadd.f32 v8, v6;
	v3 =	vadd.f32 $0.0e+00, v3;
	v2 =	vmax.f32 v2, $1.000000000e+00  }
0x212: {  	v8 =	vld [tilespmem:s2+$0x1CE80];
	(erf) = vrcp.f32 v2  }
0x213: {  	v11 =	vld [tilespmem:s16+$0x1BD00];
	v2 =	vadd.f32 v4, v3;
	v3 =	vadd.f32 v9, v6  }
0x214: {  	v9 =	vld [tilespmem:s2+$0x1D100]  }
0x215: {  	v12 =	vld [tilespmem:s2+$0x1D380];
	v2 =	vadd.f32 v5, v2;
	v3 =	vadd.f32 v7, v3  }
0x216: {  	v5 =	vld [tilespmem:s16+$0x1BF80]  }
0x217: {  	v6 =	vld [tilespmem:s2+$0x1D600];
	v2 =	vadd.f32 v10, v2;
	v3 =	vadd.f32 v8, v3  }
0x218: {  	v4 =	vld [tilespmem:s16+$0x1C200]  }
0x219: {  	v7 =	vld [tilespmem:s2+$0x1D880];
	v2 =	vadd.f32 v11, v2;
	v8 =	vadd.f32 v9, v3  }
0x21a: {  	v3 =	vld [tilespmem:s16+$0x1C480]  }
0x21b: {  	s29 =	simm.s32 $0x100;
	s28 =	simm.s32 $0x30;
	v5 =	vadd.f32 v5, v2;
	v2 =	vld [tilespmem:s16+$0x1C700];
	v8 =	vadd.f32 v12, v8;
	v9 =	vpop (erf)  }
.LBB2_9:
0x21c: {  	p1 =	sne.s32 s29, $0x9C0;
	v10 =	vld [tilespmem:s28+$0x1B300];
	[tilespmem:s17+$0x1DB00] =	vst v9;
	s17 =	smov.u32 s2;
	s2 =	smov.u32 s16  }
0x21d: {  	s16 =	smov.u32 s28;
	v4 =	vadd.f32 v4, v5;
	v5 =	vld [tilespmem:s2+$0x1C980];
	v6 =	vadd.f32 v6, v8  }
0x21e: {  	v8 =	vld [tilespmem:s16+$0x1B580]  }
0x21f: {  	v3 =	vadd.f32 v3, v4;
	v4 =	vld [tilespmem:s2+$0x1CC00];
	v6 =	vadd.f32 v7, v6  }
0x220: {  	v7 =	vld [tilespmem:s16+$0x1B800]  }
0x221: {  	v9 =	vadd.f32 $0.0e+00, v10;
	v2 =	vadd.f32 v2, v3;
	v3 =	vld [tilespmem:s2+$0x1CE80];
	v6 =	vmax.f32 v6, $1.000000000e+00  }
0x222: {  	v10 =	vld [tilespmem:s16+$0x1BA80];
	(erf) = vrcp.f32 v6  }
0x223: {  	v6 =	vadd.f32 v8, v9;
	v2 =	vadd.f32 v5, v2;
	v5 =	vld [tilespmem:s2+$0x1D100]  }
0x224: {  	v8 =	vld [tilespmem:s16+$0x1BD00]  }
0x225: {  	v6 =	vadd.f32 v7, v6;
	v2 =	vadd.f32 v4, v2;
	v9 =	vld [tilespmem:s2+$0x1D380]  }
0x226: {  	v11 =	vld [tilespmem:s16+$0x1BF80]  }
.Ltmp4:
0x227: {  	v7 =	vadd.f32 v10, v6;
	v2 =	vadd.f32 v3, v2;
	v6 =	vld [tilespmem:s2+$0x1D600];
	(pc) =	sbr.rel @p1 .LBB2_9-.Ltmp4, $4  }
0x228: {  	v4 =	vld [tilespmem:s16+$0x1C200]  }
0x229: {  	v8 =	vadd.f32 v8, v7;
	v10 =	vadd.f32 v5, v2;
	v7 =	vld [tilespmem:s2+$0x1D880]  }
0x22a: {  	v3 =	vld [tilespmem:s16+$0x1C480]  }
0x22b: {  	s28 =	sshra.s32 s29, $0x2;
	s29 =	sadd.s32 $0x40, s29;
	v5 =	vadd.f32 v11, v8;
	v2 =	vld [tilespmem:s16+$0x1C700];
	v8 =	vadd.f32 v9, v10;
	v9 =	vpop (erf)  }
0x22c: {  	v10 =	vld [tilespmem:s28+$0x1B300]  }
0x22d: {  	[tilespmem:s17+$0x1DB00] =	vst v9  }
0x22e: {  	v6 =	vadd.f32 v6, v8;
	v8 =	vld [tilespmem:s28+$0x1B580];
	_ =	sdelay $0x1  }
0x22f: {  	v6 =	vadd.f32 v7, v6;
	v7 =	vld [tilespmem:s28+$0x1B800]  }
0x230: {  	v9 =	vld [tilespmem:s16+$0x1C980];
	v10 =	vadd.f32 $0.0e+00, v10  }
0x231: {  	v12 =	vld [tilespmem:s28+$0x1BA80];
	v6 =	vmax.f32 v6, $1.000000000e+00  }
0x232: {  	v11 =	vld [tilespmem:s16+$0x1CC00];
	(erf) = vrcp.f32 v6;
	v6 =	vadd.f32 v8, v10  }
0x233: {  	v8 =	vld [tilespmem:s28+$0x1BD00]  }
0x234: {  	v13 =	vld [tilespmem:s16+$0x1CE80];
	v6 =	vadd.f32 v7, v6  }
0x235: {  	v7 =	vld [tilespmem:s28+$0x1BF80]  }
0x236: {  	v62 =	vld [tilespmem:s16+$0x1D100];
	v6 =	vadd.f32 v12, v6  }
0x237: {  	v63 =	vld [tilespmem:s28+$0x1C200]  }
0x238: {  	v14 =	vld [tilespmem:s16+$0x1D380];
	v6 =	vadd.f32 v8, v6  }
0x239: {  	v8 =	vld [tilespmem:s28+$0x1C480]  }
0x23a: {  	v15 =	vld [tilespmem:s16+$0x1D600];
	v6 =	vadd.f32 v7, v6  }
0x23b: {  	v4 =	vadd.f32 v4, v5;
	v5 =	vld [tilespmem:s28+$0x1C700];
	v7 =	vpop (erf)  }
0x23c: {  	v16 =	vld [tilespmem:s16+$0x1D880];
	[tilespmem:s2+$0x1DB00] =	vst v7;
	v6 =	vadd.f32 v63, v6  }
0x23d: {  	v3 =	vadd.f32 v3, v4;
	v4 =	vld [tilespmem:s28+$0x1C980]  }
0x23e: {  	v6 =	vadd.f32 v8, v6  }
0x23f: {  	v2 =	vadd.f32 v2, v3;
	v3 =	vld [tilespmem:s28+$0x1CC00]  }
0x240: {  	v5 =	vadd.f32 v5, v6  }
0x241: {  	v2 =	vadd.f32 v9, v2;
	v6 =	vld [tilespmem:s28+$0x1CE80]  }
0x242: {  	v4 =	vadd.f32 v4, v5  }
0x243: {  	v2 =	vadd.f32 v11, v2;
	v5 =	vld [tilespmem:s28+$0x1D100]  }
0x244: {  	v3 =	vadd.f32 v3, v4  }
0x245: {  	v2 =	vadd.f32 v13, v2;
	v4 =	vld [tilespmem:s28+$0x1D380]  }
0x246: {  	v3 =	vadd.f32 v6, v3  }
0x247: {  	v2 =	vadd.f32 v62, v2;
	v6 =	vld [tilespmem:s28+$0x1D600]  }
0x248: {  	v3 =	vadd.f32 v5, v3  }
0x249: {  	v2 =	vadd.f32 v14, v2;
	v5 =	vld [tilespmem:s28+$0x1D880]  }
0x24a: {  	v3 =	vadd.f32 v4, v3  }
0x24b: {  	v2 =	vadd.f32 v15, v2  }
0x24c: {  	v3 =	vadd.f32 v6, v3  }
0x24d: {  	v2 =	vadd.f32 v16, v2  }
0x24e: {  	v3 =	vadd.f32 v5, v3  }
0x24f: {  	v2 =	vmax.f32 v2, $1.000000000e+00  }
0x250: {  	(erf) = vrcp.f32 v2;
	v2 =	vmax.f32 v3, $1.000000000e+00  }
0x251: {  	(erf) = vrcp.f32 v2;
	_ =	sdelay $0x7  }
0x252: {  	v2 =	vpop (erf)  }
0x253: {  	[tilespmem:s16+$0x1DB00] =	vst v2;
	v2 =	vpop (erf)  }
0x254: {  	s0 =	rddreg [dreg:$0x18];
	[tilespmem:s28+$0x1DB00] =	vst v2;
	s28 =	simm.s32 $0x0  }
0x255: {  	[tilespmem:s1], [sflag:$0xA] =	stream.linear.gather [spmem:s0], $0x4000, $0x38;
	[tilespmem:$0x1E180] =	vst v63  }
0x256: {  	v2 =	vmov s28;
	_ =	swait.ge [sflag:s20], $0x4000  }
0x257: {  	[sflag:s20] =	ssyncset.done $0x0  }
0x258: {  	s2 =	simm.s32 $0xC820;
	[sflag:s20] =	ssyncadd.s32 $0xFFFFC000  }
0x259: {  	v4 =	vld [tilespmem:s2+$0xFFFFFFF0]  }
0x25a: {  	v5 =	vld [tilespmem:s2+$0x10]  }
0x25b: {  	v7 =	vld.idx.msk [tilespmem:v2+s10+$0x0], $0xffff  }
0x25c: {  	v2 =	vld [tilespmem:s2+$0xFFFFFFE0]  }
0x25d: {  	v8 =	vld [tilespmem:s2+$0x0];
	_ =	sdelay $0x3  }
0x25e: {  	s29 =	simm.s32 $0x1;
	v3 =	vmul.f32 v2, v7;
	v6 =	vmul.f32 v5, v7  }
0x25f: {  	s17 =	simm.s32 $0xC820;
	s16 =	simm.s32 $0x2;
	v2 =	vmov s29;
	v5 =	vmul.f32 v4, v7;
	v4 =	vmul.f32 v8, v7  }
.LBB2_11:
0x260: {  	p1 =	sne.s32 s16, $0xFF  }
0x261: {  	[tilespmem:s2+$0x10] =	vst v6;
	s17 =	sadd.s32 $0x40, s17;
	s0 =	smov.u32 s16;
	s16 =	sadd.s32 $0x1, s16  }
0x262: {  	[tilespmem:s2+$0xFFFFFFE0] =	vst v3  }
0x263: {  	v7 =	vld [tilespmem:s17+$0xFFFFFFF0];
	[tilespmem:s2+$0xFFFFFFF0] =	vst v5  }
0x264: {  	v5 =	vld [tilespmem:s17+$0x10];
	[tilespmem:s2+$0x0] =	vst v4;
	s2 =	smov.u32 s17  }
0x265: {  	v4 =	vld.idx.msk [tilespmem:v2+s10+$0x0], $0xffff  }
0x266: {  	v2 =	vld [tilespmem:s17+$0xFFFFFFE0]  }
0x267: {  	v8 =	vld [tilespmem:s17+$0x0]  }
.Ltmp5:
0x268: {  	(pc) =	sbr.rel @p1 .LBB2_11-.Ltmp5, $3  }
0x269: {  	_ =	sdelay $0x1  }
0x26a: {  	v6 =	vmul.f32 v5, v4;
	v3 =	vmul.f32 v2, v4  }
0x26b: {  	v5 =	vmul.f32 v7, v4;
	v2 =	vmov s0;
	v4 =	vmul.f32 v8, v4  }
0x26c: {  	[tilespmem:s2+$0x10] =	vst v6  }
0x26d: {  	s0 =	sadd.s32 $0x40, s17;
	[tilespmem:s2+$0xFFFFFFE0] =	vst v3  }
0x26e: {  	v3 =	vld [tilespmem:s0+$0xFFFFFFF0];
	[tilespmem:s2+$0xFFFFFFF0] =	vst v5  }
0x26f: {  	v5 =	vld [tilespmem:s0+$0x10];
	[tilespmem:s2+$0x0] =	vst v4  }
0x270: {  	v2 =	vld.idx.msk [tilespmem:v2+s10+$0x0], $0xffff  }
0x271: {  	v4 =	vld [tilespmem:s0+$0xFFFFFFE0];
	_ =	sdelay $0x1  }
0x272: {  	v6 =	vld [tilespmem:s0+$0x0];
	_ =	sdelay $0x1  }
0x273: {  	v5 =	vmul.f32 v5, v2  }
0x274: {  	v4 =	vmul.f32 v4, v2  }
0x275: {  	v3 =	vmul.f32 v3, v2;
	[tilespmem:s0+$0x10] =	vst v5  }
0x276: {  	v2 =	vmul.f32 v6, v2;
	[tilespmem:s0+$0xFFFFFFE0] =	vst v4  }
0x277: {  	[tilespmem:s0+$0xFFFFFFF0] =	vst v3  }
0x278: {  	s1 =	simm.s32 $0xC800;
	s28 =	simm.s32 $0x0;
	s2 =	rddreg [dreg:$0x14];
	[tilespmem:s0+$0x0] =	vst v2  }
0x279: {  	[hbm4b:s2+s28] =	stream.linear.scatter [tilespmem:s1], [sflag:$0xA], $0x4000, $0x38;
	[tilespmem:$0x1E180] =	vst v63  }
0x27a: {  	_ =	swait.ge [sflag:s20], $0x4000  }
0x27b: {  	[sflag:s20] =	ssyncset.done $0x0  }
0x27c: {  	s17 =	simm.s32 $0x100;
	s16 =	rddreg [dreg:$0x19];
	[sflag:s20] =	ssyncadd.s32 $0xFFFFC000  }
0x27d: {  	[tilespmem:s1], [sflag:$0xA] =	stream.linear.gather [spmem:s16], $0x4000, $0x38;
	[tilespmem:$0x1E180] =	vst v63  }
0x27e: {  	v2 =	vmov s17;
	_ =	swait.ge [sflag:s20], $0x4000  }
0x27f: {  	[sflag:s20] =	ssyncset.done $0x0  }
0x280: {  	s2 =	simm.s32 $0xC820;
	[sflag:s20] =	ssyncadd.s32 $0xFFFFC000  }
0x281: {  	v4 =	vld [tilespmem:s2+$0xFFFFFFF0]  }
0x282: {  	v5 =	vld [tilespmem:s2+$0x10]  }
0x283: {  	v7 =	vld.idx.msk [tilespmem:v2+s10+$0x0], $0xffff  }
0x284: {  	v2 =	vld [tilespmem:s2+$0xFFFFFFE0]  }
0x285: {  	v8 =	vld [tilespmem:s2+$0x0];
	_ =	sdelay $0x3  }
0x286: {  	s29 =	simm.s32 $0x101;
	v3 =	vmul.f32 v2, v7;
	v6 =	vmul.f32 v5, v7  }
0x287: {  	s17 =	simm.s32 $0xC820;
	s16 =	simm.s32 $0x102;
	v2 =	vmov s29;
	v5 =	vmul.f32 v4, v7;
	v4 =	vmul.f32 v8, v7  }
.LBB2_13:
0x288: {  	p1 =	sne.s32 s16, $0x1FF  }
0x289: {  	[tilespmem:s2+$0x10] =	vst v6;
	s17 =	sadd.s32 $0x40, s17;
	s0 =	smov.u32 s16;
	s16 =	sadd.s32 $0x1, s16  }
0x28a: {  	[tilespmem:s2+$0xFFFFFFE0] =	vst v3  }
0x28b: {  	v7 =	vld [tilespmem:s17+$0xFFFFFFF0];
	[tilespmem:s2+$0xFFFFFFF0] =	vst v5  }
0x28c: {  	v5 =	vld [tilespmem:s17+$0x10];
	[tilespmem:s2+$0x0] =	vst v4;
	s2 =	smov.u32 s17  }
0x28d: {  	v4 =	vld.idx.msk [tilespmem:v2+s10+$0x0], $0xffff  }
0x28e: {  	v2 =	vld [tilespmem:s17+$0xFFFFFFE0]  }
0x28f: {  	v8 =	vld [tilespmem:s17+$0x0]  }
.Ltmp6:
0x290: {  	(pc) =	sbr.rel @p1 .LBB2_13-.Ltmp6, $3  }
0x291: {  	_ =	sdelay $0x1  }
0x292: {  	v6 =	vmul.f32 v5, v4;
	v3 =	vmul.f32 v2, v4  }
0x293: {  	v5 =	vmul.f32 v7, v4;
	v2 =	vmov s0;
	v4 =	vmul.f32 v8, v4  }
0x294: {  	[tilespmem:s2+$0x10] =	vst v6  }
0x295: {  	s0 =	sadd.s32 $0x40, s17;
	[tilespmem:s2+$0xFFFFFFE0] =	vst v3  }
0x296: {  	v3 =	vld [tilespmem:s0+$0xFFFFFFF0];
	[tilespmem:s2+$0xFFFFFFF0] =	vst v5  }
0x297: {  	v5 =	vld [tilespmem:s0+$0x10];
	[tilespmem:s2+$0x0] =	vst v4  }
0x298: {  	v2 =	vld.idx.msk [tilespmem:v2+s10+$0x0], $0xffff  }
0x299: {  	v4 =	vld [tilespmem:s0+$0xFFFFFFE0];
	_ =	sdelay $0x1  }
0x29a: {  	v6 =	vld [tilespmem:s0+$0x0];
	_ =	sdelay $0x1  }
0x29b: {  	v5 =	vmul.f32 v5, v2  }
0x29c: {  	v4 =	vmul.f32 v4, v2  }
0x29d: {  	v3 =	vmul.f32 v3, v2;
	[tilespmem:s0+$0x10] =	vst v5  }
0x29e: {  	v2 =	vmul.f32 v6, v2;
	[tilespmem:s0+$0xFFFFFFE0] =	vst v4  }
0x29f: {  	[tilespmem:s0+$0xFFFFFFF0] =	vst v3  }
0x2a0: {  	s17 =	rddreg [dreg:$0x15];
	s29 =	simm.s32 $0xC800;
	[tilespmem:s0+$0x0] =	vst v2  }
0x2a1: {  	[hbm4b:s17+s28] =	stream.linear.scatter [tilespmem:s29], [sflag:$0xA], $0x4000, $0x38;
	[tilespmem:$0x1E180] =	vst v63  }
0x2a2: {  	_ =	swait.ge [sflag:s20], $0x4000  }
0x2a3: {  	[sflag:s20] =	ssyncset.done $0x0  }
0x2a4: {  	s17 =	simm.s32 $0x200;
	s16 =	rddreg [dreg:$0x1a];
	[sflag:s20] =	ssyncadd.s32 $0xFFFFC000  }
0x2a5: {  	[tilespmem:s29], [sflag:$0xA] =	stream.linear.gather [spmem:s16], $0x2000, $0x38;
	[tilespmem:$0x1E180] =	vst v63  }
0x2a6: {  	v2 =	vmov s17;
	_ =	swait.ge [sflag:s20], $0x2000  }
0x2a7: {  	[sflag:s20] =	ssyncset.done $0x0  }
0x2a8: {  	s2 =	simm.s32 $0xC820;
	[sflag:s20] =	ssyncadd.s32 $0xFFFFE000  }
0x2a9: {  	v4 =	vld [tilespmem:s2+$0xFFFFFFF0]  }
0x2aa: {  	v5 =	vld [tilespmem:s2+$0x10]  }
0x2ab: {  	v7 =	vld.idx.msk [tilespmem:v2+s10+$0x0], $0xffff  }
0x2ac: {  	v2 =	vld [tilespmem:s2+$0xFFFFFFE0]  }
0x2ad: {  	v8 =	vld [tilespmem:s2+$0x0];
	_ =	sdelay $0x3  }
0x2ae: {  	s29 =	simm.s32 $0x201;
	v3 =	vmul.f32 v2, v7;
	v6 =	vmul.f32 v5, v7  }
0x2af: {  	s1 =	simm.s32 $0xC800;
	s17 =	simm.s32 $0xC820;
	s16 =	simm.s32 $0x202;
	v2 =	vmov s29;
	v5 =	vmul.f32 v4, v7;
	v4 =	vmul.f32 v8, v7  }
.LBB2_15:
0x2b0: {  	p1 =	sne.s32 s16, $0x27F  }
0x2b1: {  	[tilespmem:s2+$0x10] =	vst v6;
	s17 =	sadd.s32 $0x40, s17;
	s0 =	smov.u32 s16;
	s16 =	sadd.s32 $0x1, s16  }
0x2b2: {  	[tilespmem:s2+$0xFFFFFFE0] =	vst v3  }
0x2b3: {  	v7 =	vld [tilespmem:s17+$0xFFFFFFF0];
	[tilespmem:s2+$0xFFFFFFF0] =	vst v5  }
0x2b4: {  	v5 =	vld [tilespmem:s17+$0x10];
	[tilespmem:s2+$0x0] =	vst v4;
	s2 =	smov.u32 s17  }
0x2b5: {  	v4 =	vld.idx.msk [tilespmem:v2+s10+$0x0], $0xffff  }
0x2b6: {  	v2 =	vld [tilespmem:s17+$0xFFFFFFE0]  }
0x2b7: {  	v8 =	vld [tilespmem:s17+$0x0]  }
.Ltmp7:
0x2b8: {  	(pc) =	sbr.rel @p1 .LBB2_15-.Ltmp7, $3  }
0x2b9: {  	_ =	sdelay $0x1  }
0x2ba: {  	v6 =	vmul.f32 v5, v4;
	v3 =	vmul.f32 v2, v4  }
0x2bb: {  	v5 =	vmul.f32 v7, v4;
	v2 =	vmov s0;
	v4 =	vmul.f32 v8, v4  }
0x2bc: {  	[tilespmem:s2+$0x10] =	vst v6  }
0x2bd: {  	s0 =	sadd.s32 $0x40, s17;
	[tilespmem:s2+$0xFFFFFFE0] =	vst v3  }
0x2be: {  	v3 =	vld [tilespmem:s0+$0xFFFFFFF0];
	[tilespmem:s2+$0xFFFFFFF0] =	vst v5  }
0x2bf: {  	v5 =	vld [tilespmem:s0+$0x10];
	[tilespmem:s2+$0x0] =	vst v4  }
0x2c0: {  	v2 =	vld.idx.msk [tilespmem:v2+s10+$0x0], $0xffff  }
0x2c1: {  	v4 =	vld [tilespmem:s0+$0xFFFFFFE0];
	_ =	sdelay $0x1  }
0x2c2: {  	v6 =	vld [tilespmem:s0+$0x0];
	_ =	sdelay $0x1  }
0x2c3: {  	v5 =	vmul.f32 v5, v2  }
0x2c4: {  	v4 =	vmul.f32 v4, v2  }
0x2c5: {  	v3 =	vmul.f32 v3, v2;
	[tilespmem:s0+$0x10] =	vst v5  }
0x2c6: {  	v2 =	vmul.f32 v6, v2;
	[tilespmem:s0+$0xFFFFFFE0] =	vst v4  }
0x2c7: {  	[tilespmem:s0+$0xFFFFFFF0] =	vst v3  }
0x2c8: {  	s16 =	rddreg [dreg:$0x13];
	[tilespmem:s0+$0x0] =	vst v2  }
0x2c9: {  	[hbm4b:s16+s28] =	stream.linear.scatter [tilespmem:s1], [sflag:$0xA], $0x2000, $0x38;
	[tilespmem:$0x1E180] =	vst v63  }
0x2ca: {  	_ =	swait.ge [sflag:s20], $0x2000  }
0x2cb: {  	s17 =	rddreg [dreg:$0x1e]  }
0x2cc: {  	s29 =	rddreg [dreg:$0x1b];
	s1 =	sadd.s32 $0x1, s17  }
0x2cd: {  	p1 =	sne.s32 s1, s29  }
.Ltmp8:
0x2ce: {  	_ = 	snop;
	(pc) =	sbr.rel @p1 .LBB2_1-.Ltmp8, $3  }
0x2cf: {  	_ =	sdelay $0x1  }
0x2d0: {  	[sflag:s20] =	ssyncset.done $0x0  }
0x2d1: {  	[sflag:s20] =	ssyncadd.s32 $0xFFFFE000  }
0x2d2: {  	_ =	sfence.sel $0x180000  }
0x2d3: {  	[bflag:$0x0] =	sbarrier.arrive $0xFFFF  }
0x2d4: {  	_ =	strace $0x90000047  }
0x2d5: {  	s0 =	stileid.u32;
	[bflag:$0x2] =	sbarrier.arrive $0xFFFF  }
0x2d6: {  	p0 =	sne.s32 s0, $0x0;
	s0 =	rddreg [dreg:$0x6]  }
0x2d7: {  	s0 =	sadd.s32 @!p0 $0x100000, s0  }
0x2d8: {  	[sflag:s0] =	ssyncadd.tile.s32 @!p0 $0x1;
	_ =	shalt  }
.Lfunc_end2:
_tile_overlayer_lowered:
.L_overlay_start_2:
0x2d9: {  	(tag) =	ssettag $0x2  }
0x2da: {  	s0 =	rddreg [dreg:$0x0];
	s2 =	stileid.u32  }
0x2db: {  	s1 =	rddreg [dreg:$0x1];
	p0 =	sne.s32 s2, $0x0  }
0x2dc: {  	s3 =	rddreg [dreg:$0x2];
	[bflag:$0x3] =	sbarrier.arrive $0xFFFF;
	s2 =	simm.s32 @!p0 $0x1C0A  }
0x2dd: {  	[timem:s3], [sflag:s2] =	dma.local @!p0 [hbm:s0], s1  }
0x2de: {  	s0 =	simm.s32 @!p0 $0xA  }
0x2df: {  	_ =	swait.ge @!p0 [sflag:s0], s1  }
0x2e0: {  	s1 =	ssub.s32 @!p0 $0x0, s1;
	[sflag:s0] =	ssyncset.done @!p0 $0x0  }
0x2e1: {  	[sflag:s0] =	ssyncadd.s32 @!p0 s1  }
0x2e2: {  	[bflag:$0x3] =	sbarrier.arrive $0xFFFF  }
0x2e3: {  	_ =	shalt  }

</sc_bundles>
